<compile_context>
chip_gen: v7x
topology: tpu7x:2x2x1
jax: 0.10.2.dev20260603
libtpu: 0.0.44.dev20260713+nightly
codegen_flags: <defaults>
</compile_context>

<pallas_src>
import functools

import jax
import jax.numpy as jnp
from jax import lax
from jax.experimental import pallas as pl
from jax.experimental.pallas import tpu as pltpu
from jax.experimental.pallas import tpu_sc as plsc

_NC = 2
_NS = 16
_NW = _NC * _NS
_LANES = 16
_CHUNK_R = 8
_NBUF = 4
_UNROLL = 1


def _make_sc_add(n, d):
    rows_per_w = n // _NW
    n_chunks = rows_per_w // _CHUNK_R
    n_groups = (n_chunks - _NBUF) // _NBUF
    assert n_chunks == (n_groups + 1) * _NBUF, (n_chunks, n_groups)
    mesh = plsc.VectorSubcoreMesh(core_axis_name="c", subcore_axis_name="s")

    @functools.partial(
        pl.kernel,
        mesh=mesh,
        out_type=jax.ShapeDtypeStruct((n, d), jnp.float32),
        scratch_types=[
            pltpu.VMEM((_NBUF, _CHUNK_R, d), jnp.float32),
            pltpu.VMEM((_NBUF, _CHUNK_R, d), jnp.float32),
        ]
        + [pltpu.SemaphoreType.DMA] * _NBUF
        + [pltpu.SemaphoreType.DMA] * _NBUF
        + [pltpu.SemaphoreType.DMA] * _NBUF,
    )
    def sc_add(x_hbm, p_hbm, o_hbm, xbuf, pbuf, *sems):
        xl_sem = sems[0:_NBUF]
        pl_sem = sems[_NBUF:2 * _NBUF]
        st_sem = sems[2 * _NBUF:3 * _NBUF]
        wid = lax.axis_index("s") * _NC + lax.axis_index("c")
        base_row = wid * rows_per_w

        def start_loads(c, b):
            row = base_row + c * _CHUNK_R
            pltpu.async_copy(x_hbm.at[pl.ds(row, _CHUNK_R)], xbuf.at[b],
                             xl_sem[b])
            pltpu.async_copy(p_hbm.at[pl.ds(row, _CHUNK_R)], pbuf.at[b],
                             pl_sem[b])

        def wait_loads(c, b):
            row = base_row + c * _CHUNK_R
            pltpu.make_async_copy(x_hbm.at[pl.ds(row, _CHUNK_R)], xbuf.at[b],
                                  xl_sem[b]).wait()
            pltpu.make_async_copy(p_hbm.at[pl.ds(row, _CHUNK_R)], pbuf.at[b],
                                  pl_sem[b]).wait()

        def compute(b):
            def vbody(j, b=b):
                s = pl.ds(j, _LANES)
                for r in range(_CHUNK_R):
                    plsc.addupdate(xbuf.at[b, r, s], pbuf[b, r, s])

            plsc.parallel_loop(0, d, step=_LANES, unroll=_UNROLL)(vbody)

        def start_store(c, b):
            row = base_row + c * _CHUNK_R
            pltpu.async_copy(xbuf.at[b], o_hbm.at[pl.ds(row, _CHUNK_R)],
                             st_sem[b])

        def wait_store(c, b):
            row = base_row + c * _CHUNK_R
            pltpu.make_async_copy(xbuf.at[b], o_hbm.at[pl.ds(row, _CHUNK_R)],
                                  st_sem[b]).wait()

        for c in range(_NBUF):
            start_loads(c, c)

        wait_loads(0, 0)
        compute(0)
        start_store(0, 0)

        def group_body(g, carry):
            c0 = 1 + g * _NBUF
            for i in range(_NBUF):
                c = c0 + i
                b = (1 + i) % _NBUF
                wait_loads(c, b)
                compute(b)
                start_store(c, b)
                fb = i % _NBUF
                wait_store(c - 1, fb)
                start_loads(c + _NBUF - 1, fb)
            return carry

        lax.fori_loop(0, n_groups, group_body, 0)

        for c in range(n_chunks - _NBUF + 1, n_chunks):
            b = c % _NBUF
            wait_loads(c, b)
            compute(b)
            start_store(c, b)

        for c in range(n_chunks - _NBUF, n_chunks):
            wait_store(c, c % _NBUF)

    return sc_add


def kernel(x, position_matrix):
    n, d = x.shape
    return _make_sc_add(n, d)(x, position_matrix)

# --- scband reference (transcript-rebuilt; emitter-appended) ---
"""Pipeline reference for scband-position-encoding-layer-25159918420839 (READ-ONLY COPY).

The authoritative reference and input builder live on the scoring server;
editing this copy changes nothing except your own understanding.
"""

import jax, jax.numpy as jnp
import numpy as np


def setup_inputs(seed: int = 0) -> dict:
    key = jax.random.key(seed)
    k1, k2 = jax.random.split(key)
    x = jax.random.normal(k1, (8192, 1024), dtype=jnp.float32)
    # learned parameter: nn.Embedding(context_size=8192, embedding_size=1024)
    position_matrix = jax.random.normal(k2, (8192, 1024), dtype=jnp.float32)
    return {"x": x, "position_matrix": position_matrix}


def reference(x, position_matrix):
    # sequence = arange(0, x.size(0))
    sequence = jnp.arange(0, x.shape[0])
    # position_encoding = self.position_matrix(sequence)  -> embedding gather
    position_encoding = jnp.take(position_matrix, sequence, axis=0)
    return x + position_encoding

if __name__ == "__main__":
    import jax
    _d = setup_inputs()
    print(jax.jit(kernel)(*tuple(_d.values())))

</pallas_src>

<mosaic_0001>
#map = affine_map<(d0, d1) -> (0, 0)>
module attributes {stable_mosaic.version = 14 : i64} {
  func.func @sc_add(%arg0: i32, %arg1: i32, %arg2: memref<8192x1024xf32, #tpu.memory_space<hbm>>, %arg3: memref<8192x1024xf32, #tpu.memory_space<hbm>>, %arg4: memref<8192x1024xf32, #tpu.memory_space<hbm>>, %arg5: memref<4x8x1024xf32, #tpu.memory_space<vmem>>, %arg6: memref<4x8x1024xf32, #tpu.memory_space<vmem>>, %arg7: memref<!tpu.dma_semaphore, #tpu.memory_space<semaphore_mem>>, %arg8: memref<!tpu.dma_semaphore, #tpu.memory_space<semaphore_mem>>, %arg9: memref<!tpu.dma_semaphore, #tpu.memory_space<semaphore_mem>>, %arg10: memref<!tpu.dma_semaphore, #tpu.memory_space<semaphore_mem>>, %arg11: memref<!tpu.dma_semaphore, #tpu.memory_space<semaphore_mem>>, %arg12: memref<!tpu.dma_semaphore, #tpu.memory_space<semaphore_mem>>, %arg13: memref<!tpu.dma_semaphore, #tpu.memory_space<semaphore_mem>>, %arg14: memref<!tpu.dma_semaphore, #tpu.memory_space<semaphore_mem>>, %arg15: memref<!tpu.dma_semaphore, #tpu.memory_space<semaphore_mem>>, %arg16: memref<!tpu.dma_semaphore, #tpu.memory_space<semaphore_mem>>, %arg17: memref<!tpu.dma_semaphore, #tpu.memory_space<semaphore_mem>>, %arg18: memref<!tpu.dma_semaphore, #tpu.memory_space<semaphore_mem>>) attributes {dimension_semantics = [#tpu.dimension_semantics<core_parallel>, #tpu.dimension_semantics<subcore_parallel>], iteration_bounds = array<i64: 2, 16>, scalar_prefetch = 0 : i64, scratch_operands = 14 : i64, tpu.core_type = #tpu.core_type<sc_vector_subcore>, window_params = [{transform_indices = #map}, {transform_indices = #map}, {transform_indices = #map}]} {
    %mul3A = arith.constant 2 : i32
    %mul3A_0 = arith.muli %arg1, %mul3A : i32
    %add3A = arith.addi %mul3A_0, %arg0 : i32
    %mul3A_1 = arith.constant 256 : i32
    %mul3A_2 = arith.muli %add3A, %mul3A_1 : i32
    %add3A_3 = arith.constant 0 : i32
    %add3A_4 = arith.addi %mul3A_2, %add3A_3 : i32
    %dma_start3A = arith.constant 0 : i32
    %dma_start3A_5 = arith.constant 0 : i32
    %dma_start3A_6 = arith.constant 0 : i32
    %dma_start3A_7 = tpu.memref_slice %arg5[%dma_start3A, %dma_start3A_5, %dma_start3A_6] : memref<4x8x1024xf32, #tpu.memory_space<vmem>> -> memref<1x8x1024xf32, #tpu.memory_space<vmem>>
    %dma_start3A_8 = tpu.memref_squeeze %dma_start3A_7 : memref<1x8x1024xf32, #tpu.memory_space<vmem>> -> memref<8x1024xf32, #tpu.memory_space<vmem>>
    %dma_start3A_9 = arith.constant 0 : i32
    %dma_start3A_10 = tpu.memref_slice %arg2[%add3A_4, %dma_start3A_9] : memref<8192x1024xf32, #tpu.memory_space<hbm>> -> memref<8x1024xf32, #tpu.memory_space<hbm>>
    %dma_start3A_11 = arith.constant 0 : i32
    %dma_start3A_12 = arith.constant 0 : i32
    %dma_start3A_13 = tpu.memref_slice %arg5[%dma_start3A, %dma_start3A_11, %dma_start3A_12] : memref<4x8x1024xf32, #tpu.memory_space<vmem>> -> memref<1x8x1024xf32, #tpu.memory_space<vmem>>
    %dma_start3A_14 = tpu.memref_squeeze %dma_start3A_13 : memref<1x8x1024xf32, #tpu.memory_space<vmem>> -> memref<8x1024xf32, #tpu.memory_space<vmem>>
    %dma_start3A_15 = arith.constant 0 : i32
    %dma_start3A_16 = tpu.memref_slice %arg2[%add3A_4, %dma_start3A_15] : memref<8192x1024xf32, #tpu.memory_space<hbm>> -> memref<8x1024xf32, #tpu.memory_space<hbm>>
    tpu.enqueue_dma source(%dma_start3A_16 : memref<8x1024xf32, #tpu.memory_space<hbm>>) target(%dma_start3A_14 : memref<8x1024xf32, #tpu.memory_space<vmem>>) target_semaphore(%arg7 : memref<!tpu.dma_semaphore, #tpu.memory_space<semaphore_mem>>)
    %dma_start3A_17 = arith.constant 0 : i32
    %dma_start3A_18 = arith.constant 0 : i32
    %dma_start3A_19 = arith.constant 0 : i32
    %dma_start3A_20 = tpu.memref_slice %arg6[%dma_start3A_17, %dma_start3A_18, %dma_start3A_19] : memref<4x8x1024xf32, #tpu.memory_space<vmem>> -> memref<1x8x1024xf32, #tpu.memory_space<vmem>>
    %dma_start3A_21 = tpu.memref_squeeze %dma_start3A_20 : memref<1x8x1024xf32, #tpu.memory_space<vmem>> -> memref<8x1024xf32, #tpu.memory_space<vmem>>
    %dma_start3A_22 = arith.constant 0 : i32
    %dma_start3A_23 = tpu.memref_slice %arg3[%add3A_4, %dma_start3A_22] : memref<8192x1024xf32, #tpu.memory_space<hbm>> -> memref<8x1024xf32, #tpu.memory_space<hbm>>
    %dma_start3A_24 = arith.constant 0 : i32
    %dma_start3A_25 = arith.constant 0 : i32
    %dma_start3A_26 = tpu.memref_slice %arg6[%dma_start3A_17, %dma_start3A_24, %dma_start3A_25] : memref<4x8x1024xf32, #tpu.memory_space<vmem>> -> memref<1x8x1024xf32, #tpu.memory_space<vmem>>
    %dma_start3A_27 = tpu.memref_squeeze %dma_start3A_26 : memref<1x8x1024xf32, #tpu.memory_space<vmem>> -> memref<8x1024xf32, #tpu.memory_space<vmem>>
    %dma_start3A_28 = arith.constant 0 : i32
    %dma_start3A_29 = tpu.memref_slice %arg3[%add3A_4, %dma_start3A_28] : memref<8192x1024xf32, #tpu.memory_space<hbm>> -> memref<8x1024xf32, #tpu.memory_space<hbm>>
    tpu.enqueue_dma source(%dma_start3A_29 : memref<8x1024xf32, #tpu.memory_space<hbm>>) target(%dma_start3A_27 : memref<8x1024xf32, #tpu.memory_space<vmem>>) target_semaphore(%arg11 : memref<!tpu.dma_semaphore, #tpu.memory_space<semaphore_mem>>)
    %add3A_30 = arith.constant 8 : i32
    %add3A_31 = arith.addi %mul3A_2, %add3A_30 : i32
    %dma_start3A_32 = arith.constant 1 : i32
    %dma_start3A_33 = arith.constant 0 : i32
    %dma_start3A_34 = arith.constant 0 : i32
    %dma_start3A_35 = tpu.memref_slice %arg5[%dma_start3A_32, %dma_start3A_33, %dma_start3A_34] : memref<4x8x1024xf32, #tpu.memory_space<vmem>> -> memref<1x8x1024xf32, #tpu.memory_space<vmem>>
    %dma_start3A_36 = tpu.memref_squeeze %dma_start3A_35 : memref<1x8x1024xf32, #tpu.memory_space<vmem>> -> memref<8x1024xf32, #tpu.memory_space<vmem>>
    %dma_start3A_37 = arith.constant 0 : i32
    %dma_start3A_38 = tpu.memref_slice %arg2[%add3A_31, %dma_start3A_37] : memref<8192x1024xf32, #tpu.memory_space<hbm>> -> memref<8x1024xf32, #tpu.memory_space<hbm>>
    %dma_start3A_39 = arith.constant 0 : i32
    %dma_start3A_40 = arith.constant 0 : i32
    %dma_start3A_41 = tpu.memref_slice %arg5[%dma_start3A_32, %dma_start3A_39, %dma_start3A_40] : memref<4x8x1024xf32, #tpu.memory_space<vmem>> -> memref<1x8x1024xf32, #tpu.memory_space<vmem>>
    %dma_start3A_42 = tpu.memref_squeeze %dma_start3A_41 : memref<1x8x1024xf32, #tpu.memory_space<vmem>> -> memref<8x1024xf32, #tpu.memory_space<vmem>>
    %dma_start3A_43 = arith.constant 0 : i32
    %dma_start3A_44 = tpu.memref_slice %arg2[%add3A_31, %dma_start3A_43] : memref<8192x1024xf32, #tpu.memory_space<hbm>> -> memref<8x1024xf32, #tpu.memory_space<hbm>>
    tpu.enqueue_dma source(%dma_start3A_44 : memref<8x1024xf32, #tpu.memory_space<hbm>>) target(%dma_start3A_42 : memref<8x1024xf32, #tpu.memory_space<vmem>>) target_semaphore(%arg8 : memref<!tpu.dma_semaphore, #tpu.memory_space<semaphore_mem>>)
    %dma_start3A_45 = arith.constant 1 : i32
    %dma_start3A_46 = arith.constant 0 : i32
    %dma_start3A_47 = arith.constant 0 : i32
    %dma_start3A_48 = tpu.memref_slice %arg6[%dma_start3A_45, %dma_start3A_46, %dma_start3A_47] : memref<4x8x1024xf32, #tpu.memory_space<vmem>> -> memref<1x8x1024xf32, #tpu.memory_space<vmem>>
    %dma_start3A_49 = tpu.memref_squeeze %dma_start3A_48 : memref<1x8x1024xf32, #tpu.memory_space<vmem>> -> memref<8x1024xf32, #tpu.memory_space<vmem>>
    %dma_start3A_50 = arith.constant 0 : i32
    %dma_start3A_51 = tpu.memref_slice %arg3[%add3A_31, %dma_start3A_50] : memref<8192x1024xf32, #tpu.memory_space<hbm>> -> memref<8x1024xf32, #tpu.memory_space<hbm>>
    %dma_start3A_52 = arith.constant 0 : i32
    %dma_start3A_53 = arith.constant 0 : i32
    %dma_start3A_54 = tpu.memref_slice %arg6[%dma_start3A_45, %dma_start3A_52, %dma_start3A_53] : memref<4x8x1024xf32, #tpu.memory_space<vmem>> -> memref<1x8x1024xf32, #tpu.memory_space<vmem>>
    %dma_start3A_55 = tpu.memref_squeeze %dma_start3A_54 : memref<1x8x1024xf32, #tpu.memory_space<vmem>> -> memref<8x1024xf32, #tpu.memory_space<vmem>>
    %dma_start3A_56 = arith.constant 0 : i32
    %dma_start3A_57 = tpu.memref_slice %arg3[%add3A_31, %dma_start3A_56] : memref<8192x1024xf32, #tpu.memory_space<hbm>> -> memref<8x1024xf32, #tpu.memory_space<hbm>>
    tpu.enqueue_dma source(%dma_start3A_57 : memref<8x1024xf32, #tpu.memory_space<hbm>>) target(%dma_start3A_55 : memref<8x1024xf32, #tpu.memory_space<vmem>>) target_semaphore(%arg12 : memref<!tpu.dma_semaphore, #tpu.memory_space<semaphore_mem>>)
    %add3A_58 = arith.constant 16 : i32
    %add3A_59 = arith.addi %mul3A_2, %add3A_58 : i32
    %dma_start3A_60 = arith.constant 2 : i32
    %dma_start3A_61 = arith.constant 0 : i32
    %dma_start3A_62 = arith.constant 0 : i32
    %dma_start3A_63 = tpu.memref_slice %arg5[%dma_start3A_60, %dma_start3A_61, %dma_start3A_62] : memref<4x8x1024xf32, #tpu.memory_space<vmem>> -> memref<1x8x1024xf32, #tpu.memory_space<vmem>>
    %dma_start3A_64 = tpu.memref_squeeze %dma_start3A_63 : memref<1x8x1024xf32, #tpu.memory_space<vmem>> -> memref<8x1024xf32, #tpu.memory_space<vmem>>
    %dma_start3A_65 = arith.constant 0 : i32
    %dma_start3A_66 = tpu.memref_slice %arg2[%add3A_59, %dma_start3A_65] : memref<8192x1024xf32, #tpu.memory_space<hbm>> -> memref<8x1024xf32, #tpu.memory_space<hbm>>
    %dma_start3A_67 = arith.constant 0 : i32
    %dma_start3A_68 = arith.constant 0 : i32
    %dma_start3A_69 = tpu.memref_slice %arg5[%dma_start3A_60, %dma_start3A_67, %dma_start3A_68] : memref<4x8x1024xf32, #tpu.memory_space<vmem>> -> memref<1x8x1024xf32, #tpu.memory_space<vmem>>
    %dma_start3A_70 = tpu.memref_squeeze %dma_start3A_69 : memref<1x8x1024xf32, #tpu.memory_space<vmem>> -> memref<8x1024xf32, #tpu.memory_space<vmem>>
    %dma_start3A_71 = arith.constant 0 : i32
    %dma_start3A_72 = tpu.memref_slice %arg2[%add3A_59, %dma_start3A_71] : memref<8192x1024xf32, #tpu.memory_space<hbm>> -> memref<8x1024xf32, #tpu.memory_space<hbm>>
    tpu.enqueue_dma source(%dma_start3A_72 : memref<8x1024xf32, #tpu.memory_space<hbm>>) target(%dma_start3A_70 : memref<8x1024xf32, #tpu.memory_space<vmem>>) target_semaphore(%arg9 : memref<!tpu.dma_semaphore, #tpu.memory_space<semaphore_mem>>)
    %dma_start3A_73 = arith.constant 2 : i32
    %dma_start3A_74 = arith.constant 0 : i32
    %dma_start3A_75 = arith.constant 0 : i32
    %dma_start3A_76 = tpu.memref_slice %arg6[%dma_start3A_73, %dma_start3A_74, %dma_start3A_75] : memref<4x8x1024xf32, #tpu.memory_space<vmem>> -> memref<1x8x1024xf32, #tpu.memory_space<vmem>>
    %dma_start3A_77 = tpu.memref_squeeze %dma_start3A_76 : memref<1x8x1024xf32, #tpu.memory_space<vmem>> -> memref<8x1024xf32, #tpu.memory_space<vmem>>
    %dma_start3A_78 = arith.constant 0 : i32
    %dma_start3A_79 = tpu.memref_slice %arg3[%add3A_59, %dma_start3A_78] : memref<8192x1024xf32, #tpu.memory_space<hbm>> -> memref<8x1024xf32, #tpu.memory_space<hbm>>
    %dma_start3A_80 = arith.constant 0 : i32
    %dma_start3A_81 = arith.constant 0 : i32
    %dma_start3A_82 = tpu.memref_slice %arg6[%dma_start3A_73, %dma_start3A_80, %dma_start3A_81] : memref<4x8x1024xf32, #tpu.memory_space<vmem>> -> memref<1x8x1024xf32, #tpu.memory_space<vmem>>
    %dma_start3A_83 = tpu.memref_squeeze %dma_start3A_82 : memref<1x8x1024xf32, #tpu.memory_space<vmem>> -> memref<8x1024xf32, #tpu.memory_space<vmem>>
    %dma_start3A_84 = arith.constant 0 : i32
    %dma_start3A_85 = tpu.memref_slice %arg3[%add3A_59, %dma_start3A_84] : memref<8192x1024xf32, #tpu.memory_space<hbm>> -> memref<8x1024xf32, #tpu.memory_space<hbm>>
    tpu.enqueue_dma source(%dma_start3A_85 : memref<8x1024xf32, #tpu.memory_space<hbm>>) target(%dma_start3A_83 : memref<8x1024xf32, #tpu.memory_space<vmem>>) target_semaphore(%arg13 : memref<!tpu.dma_semaphore, #tpu.memory_space<semaphore_mem>>)
    %add3A_86 = arith.constant 24 : i32
    %add3A_87 = arith.addi %mul3A_2, %add3A_86 : i32
    %dma_start3A_88 = arith.constant 3 : i32
    %dma_start3A_89 = arith.constant 0 : i32
    %dma_start3A_90 = arith.constant 0 : i32
    %dma_start3A_91 = tpu.memref_slice %arg5[%dma_start3A_88, %dma_start3A_89, %dma_start3A_90] : memref<4x8x1024xf32, #tpu.memory_space<vmem>> -> memref<1x8x1024xf32, #tpu.memory_space<vmem>>
    %dma_start3A_92 = tpu.memref_squeeze %dma_start3A_91 : memref<1x8x1024xf32, #tpu.memory_space<vmem>> -> memref<8x1024xf32, #tpu.memory_space<vmem>>
    %dma_start3A_93 = arith.constant 0 : i32
    %dma_start3A_94 = tpu.memref_slice %arg2[%add3A_87, %dma_start3A_93] : memref<8192x1024xf32, #tpu.memory_space<hbm>> -> memref<8x1024xf32, #tpu.memory_space<hbm>>
    %dma_start3A_95 = arith.constant 0 : i32
    %dma_start3A_96 = arith.constant 0 : i32
    %dma_start3A_97 = tpu.memref_slice %arg5[%dma_start3A_88, %dma_start3A_95, %dma_start3A_96] : memref<4x8x1024xf32, #tpu.memory_space<vmem>> -> memref<1x8x1024xf32, #tpu.memory_space<vmem>>
    %dma_start3A_98 = tpu.memref_squeeze %dma_start3A_97 : memref<1x8x1024xf32, #tpu.memory_space<vmem>> -> memref<8x1024xf32, #tpu.memory_space<vmem>>
    %dma_start3A_99 = arith.constant 0 : i32
    %dma_start3A_100 = tpu.memref_slice %arg2[%add3A_87, %dma_start3A_99] : memref<8192x1024xf32, #tpu.memory_space<hbm>> -> memref<8x1024xf32, #tpu.memory_space<hbm>>
    tpu.enqueue_dma source(%dma_start3A_100 : memref<8x1024xf32, #tpu.memory_space<hbm>>) target(%dma_start3A_98 : memref<8x1024xf32, #tpu.memory_space<vmem>>) target_semaphore(%arg10 : memref<!tpu.dma_semaphore, #tpu.memory_space<semaphore_mem>>)
    %dma_start3A_101 = arith.constant 3 : i32
    %dma_start3A_102 = arith.constant 0 : i32
    %dma_start3A_103 = arith.constant 0 : i32
    %dma_start3A_104 = tpu.memref_slice %arg6[%dma_start3A_101, %dma_start3A_102, %dma_start3A_103] : memref<4x8x1024xf32, #tpu.memory_space<vmem>> -> memref<1x8x1024xf32, #tpu.memory_space<vmem>>
    %dma_start3A_105 = tpu.memref_squeeze %dma_start3A_104 : memref<1x8x1024xf32, #tpu.memory_space<vmem>> -> memref<8x1024xf32, #tpu.memory_space<vmem>>
    %dma_start3A_106 = arith.constant 0 : i32
    %dma_start3A_107 = tpu.memref_slice %arg3[%add3A_87, %dma_start3A_106] : memref<8192x1024xf32, #tpu.memory_space<hbm>> -> memref<8x1024xf32, #tpu.memory_space<hbm>>
    %dma_start3A_108 = arith.constant 0 : i32
    %dma_start3A_109 = arith.constant 0 : i32
    %dma_start3A_110 = tpu.memref_slice %arg6[%dma_start3A_101, %dma_start3A_108, %dma_start3A_109] : memref<4x8x1024xf32, #tpu.memory_space<vmem>> -> memref<1x8x1024xf32, #tpu.memory_space<vmem>>
    %dma_start3A_111 = tpu.memref_squeeze %dma_start3A_110 : memref<1x8x1024xf32, #tpu.memory_space<vmem>> -> memref<8x1024xf32, #tpu.memory_space<vmem>>
    %dma_start3A_112 = arith.constant 0 : i32
    %dma_start3A_113 = tpu.memref_slice %arg3[%add3A_87, %dma_start3A_112] : memref<8192x1024xf32, #tpu.memory_space<hbm>> -> memref<8x1024xf32, #tpu.memory_space<hbm>>
    tpu.enqueue_dma source(%dma_start3A_113 : memref<8x1024xf32, #tpu.memory_space<hbm>>) target(%dma_start3A_111 : memref<8x1024xf32, #tpu.memory_space<vmem>>) target_semaphore(%arg14 : memref<!tpu.dma_semaphore, #tpu.memory_space<semaphore_mem>>)
    %add3A_114 = arith.constant 0 : i32
    %add3A_115 = arith.addi %mul3A_2, %add3A_114 : i32
    %dma_wait3A = arith.constant 0 : i32
    %dma_wait3A_116 = arith.constant 0 : i32
    %dma_wait3A_117 = arith.constant 0 : i32
    %dma_wait3A_118 = tpu.memref_slice %arg5[%dma_wait3A, %dma_wait3A_116, %dma_wait3A_117] : memref<4x8x1024xf32, #tpu.memory_space<vmem>> -> memref<1x8x1024xf32, #tpu.memory_space<vmem>>
    %dma_wait3A_119 = tpu.memref_squeeze %dma_wait3A_118 : memref<1x8x1024xf32, #tpu.memory_space<vmem>> -> memref<8x1024xf32, #tpu.memory_space<vmem>>
    %dma_wait3A_120 = arith.constant 0 : i32
    %dma_wait3A_121 = tpu.memref_slice %arg2[%add3A_115, %dma_wait3A_120] : memref<8192x1024xf32, #tpu.memory_space<hbm>> -> memref<8x1024xf32, #tpu.memory_space<hbm>>
    %dma_wait3A_122 = arith.constant 0 : i32
    %dma_wait3A_123 = arith.constant 0 : i32
    %dma_wait3A_124 = tpu.memref_slice %arg5[%dma_wait3A, %dma_wait3A_122, %dma_wait3A_123] : memref<4x8x1024xf32, #tpu.memory_space<vmem>> -> memref<1x8x1024xf32, #tpu.memory_space<vmem>>
    %dma_wait3A_125 = tpu.memref_squeeze %dma_wait3A_124 : memref<1x8x1024xf32, #tpu.memory_space<vmem>> -> memref<8x1024xf32, #tpu.memory_space<vmem>>
    %dma_wait3A_126 = arith.constant 0 : i32
    %dma_wait3A_127 = tpu.memref_slice %arg2[%add3A_115, %dma_wait3A_126] : memref<8192x1024xf32, #tpu.memory_space<hbm>> -> memref<8x1024xf32, #tpu.memory_space<hbm>>
    tpu.wait_dma2 semaphore(%arg7 : memref<!tpu.dma_semaphore, #tpu.memory_space<semaphore_mem>>) src(%dma_wait3A_127 : memref<8x1024xf32, #tpu.memory_space<hbm>>) dst(%dma_wait3A_125 : memref<8x1024xf32, #tpu.memory_space<vmem>>)
    %dma_wait3A_128 = arith.constant 0 : i32
    %dma_wait3A_129 = arith.constant 0 : i32
    %dma_wait3A_130 = arith.constant 0 : i32
    %dma_wait3A_131 = tpu.memref_slice %arg6[%dma_wait3A_128, %dma_wait3A_129, %dma_wait3A_130] : memref<4x8x1024xf32, #tpu.memory_space<vmem>> -> memref<1x8x1024xf32, #tpu.memory_space<vmem>>
    %dma_wait3A_132 = tpu.memref_squeeze %dma_wait3A_131 : memref<1x8x1024xf32, #tpu.memory_space<vmem>> -> memref<8x1024xf32, #tpu.memory_space<vmem>>
    %dma_wait3A_133 = arith.constant 0 : i32
    %dma_wait3A_134 = tpu.memref_slice %arg3[%add3A_115, %dma_wait3A_133] : memref<8192x1024xf32, #tpu.memory_space<hbm>> -> memref<8x1024xf32, #tpu.memory_space<hbm>>
    %dma_wait3A_135 = arith.constant 0 : i32
    %dma_wait3A_136 = arith.constant 0 : i32
    %dma_wait3A_137 = tpu.memref_slice %arg6[%dma_wait3A_128, %dma_wait3A_135, %dma_wait3A_136] : memref<4x8x1024xf32, #tpu.memory_space<vmem>> -> memref<1x8x1024xf32, #tpu.memory_space<vmem>>
    %dma_wait3A_138 = tpu.memref_squeeze %dma_wait3A_137 : memref<1x8x1024xf32, #tpu.memory_space<vmem>> -> memref<8x1024xf32, #tpu.memory_space<vmem>>
    %dma_wait3A_139 = arith.constant 0 : i32
    %dma_wait3A_140 = tpu.memref_slice %arg3[%add3A_115, %dma_wait3A_139] : memref<8192x1024xf32, #tpu.memory_space<hbm>> -> memref<8x1024xf32, #tpu.memory_space<hbm>>
    tpu.wait_dma2 semaphore(%arg11 : memref<!tpu.dma_semaphore, #tpu.memory_space<semaphore_mem>>) src(%dma_wait3A_140 : memref<8x1024xf32, #tpu.memory_space<hbm>>) dst(%dma_wait3A_138 : memref<8x1024xf32, #tpu.memory_space<vmem>>)
    %parallel_loop3A = arith.constant 0 : i32
    %parallel_loop3A_141 = arith.constant 1024 : i32
    %parallel_loop3A_142 = arith.constant 16 : i32
    scf.for %parallel_loop3A_361 = %parallel_loop3A to %parallel_loop3A_141 step %parallel_loop3A_142  : i32 {
      %parallel_loop3A_362 = arith.constant 0 : i32
      %parallel_loop3A_363 = arith.constant 0 : i32
      %parallel_loop3A_364 = arith.index_cast %parallel_loop3A_362 : i32 to index
      %parallel_loop3A_365 = arith.index_cast %parallel_loop3A_363 : i32 to index
      %parallel_loop3A_366 = arith.index_cast %parallel_loop3A_361 : i32 to index
      %parallel_loop3A_367 = tpu.vector_load %arg6[%parallel_loop3A_364, %parallel_loop3A_365, %parallel_loop3A_366] {strides = array<i32>} : memref<4x8x1024xf32, #tpu.memory_space<vmem>>, vector<1x1x16xf32>,
      %parallel_loop3A_368 = vector.shape_cast %parallel_loop3A_367 : vector<1x1x16xf32> to vector<16xf32>
      %parallel_loop3A_369 = arith.constant 0 : i32
      %parallel_loop3A_370 = arith.constant 0 : i32
      %parallel_loop3A_371 = arith.index_cast %parallel_loop3A_369 : i32 to index
      %parallel_loop3A_372 = arith.index_cast %parallel_loop3A_370 : i32 to index
      %parallel_loop3A_373 = arith.index_cast %parallel_loop3A_361 : i32 to index
      %parallel_loop3A_374 = tpu.vector_load %arg5[%parallel_loop3A_371, %parallel_loop3A_372, %parallel_loop3A_373] {strides = array<i32>} : memref<4x8x1024xf32, #tpu.memory_space<vmem>>, vector<1x1x16xf32>,
      %parallel_loop3A_375 = vector.shape_cast %parallel_loop3A_374 : vector<1x1x16xf32> to vector<16xf32>
      %parallel_loop3A_376 = vector.shape_cast %parallel_loop3A_368 : vector<16xf32> to vector<1x1x16xf32>
      tpu.vector_store %arg5[%parallel_loop3A_371, %parallel_loop3A_372, %parallel_loop3A_373], %parallel_loop3A_376 {add = true, strides = array<i32>} : memref<4x8x1024xf32, #tpu.memory_space<vmem>>, vector<1x1x16xf32>,
      %parallel_loop3A_377 = arith.constant 0 : i32
      %parallel_loop3A_378 = arith.constant 1 : i32
      %parallel_loop3A_379 = arith.index_cast %parallel_loop3A_377 : i32 to index
      %parallel_loop3A_380 = arith.index_cast %parallel_loop3A_378 : i32 to index
      %parallel_loop3A_381 = arith.index_cast %parallel_loop3A_361 : i32 to index
      %parallel_loop3A_382 = tpu.vector_load %arg6[%parallel_loop3A_379, %parallel_loop3A_380, %parallel_loop3A_381] {strides = array<i32>} : memref<4x8x1024xf32, #tpu.memory_space<vmem>>, vector<1x1x16xf32>,
      %parallel_loop3A_383 = vector.shape_cast %parallel_loop3A_382 : vector<1x1x16xf32> to vector<16xf32>
      %parallel_loop3A_384 = arith.constant 0 : i32
      %parallel_loop3A_385 = arith.constant 1 : i32
      %parallel_loop3A_386 = arith.index_cast %parallel_loop3A_384 : i32 to index
      %parallel_loop3A_387 = arith.index_cast %parallel_loop3A_385 : i32 to index
      %parallel_loop3A_388 = arith.index_cast %parallel_loop3A_361 : i32 to index
      %parallel_loop3A_389 = tpu.vector_load %arg5[%parallel_loop3A_386, %parallel_loop3A_387, %parallel_loop3A_388] {strides = array<i32>} : memref<4x8x1024xf32, #tpu.memory_space<vmem>>, vector<1x1x16xf32>,
      %parallel_loop3A_390 = vector.shape_cast %parallel_loop3A_389 : vector<1x1x16xf32> to vector<16xf32>
      %parallel_loop3A_391 = vector.shape_cast %parallel_loop3A_383 : vector<16xf32> to vector<1x1x16xf32>
      tpu.vector_store %arg5[%parallel_loop3A_386, %parallel_loop3A_387, %parallel_loop3A_388], %parallel_loop3A_391 {add = true, strides = array<i32>} : memref<4x8x1024xf32, #tpu.memory_space<vmem>>, vector<1x1x16xf32>,
      %parallel_loop3A_392 = arith.constant 0 : i32
      %parallel_loop3A_393 = arith.constant 2 : i32
      %parallel_loop3A_394 = arith.index_cast %parallel_loop3A_392 : i32 to index
      %parallel_loop3A_395 = arith.index_cast %parallel_loop3A_393 : i32 to index
      %parallel_loop3A_396 = arith.index_cast %parallel_loop3A_361 : i32 to index
      %parallel_loop3A_397 = tpu.vector_load %arg6[%parallel_loop3A_394, %parallel_loop3A_395, %parallel_loop3A_396] {strides = array<i32>} : memref<4x8x1024xf32, #tpu.memory_space<vmem>>, vector<1x1x16xf32>,
      %parallel_loop3A_398 = vector.shape_cast %parallel_loop3A_397 : vector<1x1x16xf32> to vector<16xf32>
      %parallel_loop3A_399 = arith.constant 0 : i32
      %parallel_loop3A_400 = arith.constant 2 : i32
      %parallel_loop3A_401 = arith.index_cast %parallel_loop3A_399 : i32 to index
      %parallel_loop3A_402 = arith.index_cast %parallel_loop3A_400 : i32 to index
      %parallel_loop3A_403 = arith.index_cast %parallel_loop3A_361 : i32 to index
      %parallel_loop3A_404 = tpu.vector_load %arg5[%parallel_loop3A_401, %parallel_loop3A_402, %parallel_loop3A_403] {strides = array<i32>} : memref<4x8x1024xf32, #tpu.memory_space<vmem>>, vector<1x1x16xf32>,
      %parallel_loop3A_405 = vector.shape_cast %parallel_loop3A_404 : vector<1x1x16xf32> to vector<16xf32>
      %parallel_loop3A_406 = vector.shape_cast %parallel_loop3A_398 : vector<16xf32> to vector<1x1x16xf32>
      tpu.vector_store %arg5[%parallel_loop3A_401, %parallel_loop3A_402, %parallel_loop3A_403], %parallel_loop3A_406 {add = true, strides = array<i32>} : memref<4x8x1024xf32, #tpu.memory_space<vmem>>, vector<1x1x16xf32>,
      %parallel_loop3A_407 = arith.constant 0 : i32
      %parallel_loop3A_408 = arith.constant 3 : i32
      %parallel_loop3A_409 = arith.index_cast %parallel_loop3A_407 : i32 to index
      %parallel_loop3A_410 = arith.index_cast %parallel_loop3A_408 : i32 to index
      %parallel_loop3A_411 = arith.index_cast %parallel_loop3A_361 : i32 to index
      %parallel_loop3A_412 = tpu.vector_load %arg6[%parallel_loop3A_409, %parallel_loop3A_410, %parallel_loop3A_411] {strides = array<i32>} : memref<4x8x1024xf32, #tpu.memory_space<vmem>>, vector<1x1x16xf32>,
      %parallel_loop3A_413 = vector.shape_cast %parallel_loop3A_412 : vector<1x1x16xf32> to vector<16xf32>
      %parallel_loop3A_414 = arith.constant 0 : i32
      %parallel_loop3A_415 = arith.constant 3 : i32
      %parallel_loop3A_416 = arith.index_cast %parallel_loop3A_414 : i32 to index
      %parallel_loop3A_417 = arith.index_cast %parallel_loop3A_415 : i32 to index
      %parallel_loop3A_418 = arith.index_cast %parallel_loop3A_361 : i32 to index
      %parallel_loop3A_419 = tpu.vector_load %arg5[%parallel_loop3A_416, %parallel_loop3A_417, %parallel_loop3A_418] {strides = array<i32>} : memref<4x8x1024xf32, #tpu.memory_space<vmem>>, vector<1x1x16xf32>,
      %parallel_loop3A_420 = vector.shape_cast %parallel_loop3A_419 : vector<1x1x16xf32> to vector<16xf32>
      %parallel_loop3A_421 = vector.shape_cast %parallel_loop3A_413 : vector<16xf32> to vector<1x1x16xf32>
      tpu.vector_store %arg5[%parallel_loop3A_416, %parallel_loop3A_417, %parallel_loop3A_418], %parallel_loop3A_421 {add = true, strides = array<i32>} : memref<4x8x1024xf32, #tpu.memory_space<vmem>>, vector<1x1x16xf32>,
      %parallel_loop3A_422 = arith.constant 0 : i32
      %parallel_loop3A_423 = arith.constant 4 : i32
      %parallel_loop3A_424 = arith.index_cast %parallel_loop3A_422 : i32 to index
      %parallel_loop3A_425 = arith.index_cast %parallel_loop3A_423 : i32 to index
      %parallel_loop3A_426 = arith.index_cast %parallel_loop3A_361 : i32 to index
      %parallel_loop3A_427 = tpu.vector_load %arg6[%parallel_loop3A_424, %parallel_loop3A_425, %parallel_loop3A_426] {strides = array<i32>} : memref<4x8x1024xf32, #tpu.memory_space<vmem>>, vector<1x1x16xf32>,
      %parallel_loop3A_428 = vector.shape_cast %parallel_loop3A_427 : vector<1x1x16xf32> to vector<16xf32>
      %parallel_loop3A_429 = arith.constant 0 : i32
      %parallel_loop3A_430 = arith.constant 4 : i32
      %parallel_loop3A_431 = arith.index_cast %parallel_loop3A_429 : i32 to index
      %parallel_loop3A_432 = arith.index_cast %parallel_loop3A_430 : i32 to index
      %parallel_loop3A_433 = arith.index_cast %parallel_loop3A_361 : i32 to index
      %parallel_loop3A_434 = tpu.vector_load %arg5[%parallel_loop3A_431, %parallel_loop3A_432, %parallel_loop3A_433] {strides = array<i32>} : memref<4x8x1024xf32, #tpu.memory_space<vmem>>, vector<1x1x16xf32>,
      %parallel_loop3A_435 = vector.shape_cast %parallel_loop3A_434 : vector<1x1x16xf32> to vector<16xf32>
      %parallel_loop3A_436 = vector.shape_cast %parallel_loop3A_428 : vector<16xf32> to vector<1x1x16xf32>
      tpu.vector_store %arg5[%parallel_loop3A_431, %parallel_loop3A_432, %parallel_loop3A_433], %parallel_loop3A_436 {add = true, strides = array<i32>} : memref<4x8x1024xf32, #tpu.memory_space<vmem>>, vector<1x1x16xf32>,
      %parallel_loop3A_437 = arith.constant 0 : i32
      %parallel_loop3A_438 = arith.constant 5 : i32
      %parallel_loop3A_439 = arith.index_cast %parallel_loop3A_437 : i32 to index
      %parallel_loop3A_440 = arith.index_cast %parallel_loop3A_438 : i32 to index
      %parallel_loop3A_441 = arith.index_cast %parallel_loop3A_361 : i32 to index
      %parallel_loop3A_442 = tpu.vector_load %arg6[%parallel_loop3A_439, %parallel_loop3A_440, %parallel_loop3A_441] {strides = array<i32>} : memref<4x8x1024xf32, #tpu.memory_space<vmem>>, vector<1x1x16xf32>,
      %parallel_loop3A_443 = vector.shape_cast %parallel_loop3A_442 : vector<1x1x16xf32> to vector<16xf32>
      %parallel_loop3A_444 = arith.constant 0 : i32
      %parallel_loop3A_445 = arith.constant 5 : i32
      %parallel_loop3A_446 = arith.index_cast %parallel_loop3A_444 : i32 to index
      %parallel_loop3A_447 = arith.index_cast %parallel_loop3A_445 : i32 to index
      %parallel_loop3A_448 = arith.index_cast %parallel_loop3A_361 : i32 to index
      %parallel_loop3A_449 = tpu.vector_load %arg5[%parallel_loop3A_446, %parallel_loop3A_447, %parallel_loop3A_448] {strides = array<i32>} : memref<4x8x1024xf32, #tpu.memory_space<vmem>>, vector<1x1x16xf32>,
      %parallel_loop3A_450 = vector.shape_cast %parallel_loop3A_449 : vector<1x1x16xf32> to vector<16xf32>
      %parallel_loop3A_451 = vector.shape_cast %parallel_loop3A_443 : vector<16xf32> to vector<1x1x16xf32>
      tpu.vector_store %arg5[%parallel_loop3A_446, %parallel_loop3A_447, %parallel_loop3A_448], %parallel_loop3A_451 {add = true, strides = array<i32>} : memref<4x8x1024xf32, #tpu.memory_space<vmem>>, vector<1x1x16xf32>,
      %parallel_loop3A_452 = arith.constant 0 : i32
      %parallel_loop3A_453 = arith.constant 6 : i32
      %parallel_loop3A_454 = arith.index_cast %parallel_loop3A_452 : i32 to index
      %parallel_loop3A_455 = arith.index_cast %parallel_loop3A_453 : i32 to index
      %parallel_loop3A_456 = arith.index_cast %parallel_loop3A_361 : i32 to index
      %parallel_loop3A_457 = tpu.vector_load %arg6[%parallel_loop3A_454, %parallel_loop3A_455, %parallel_loop3A_456] {strides = array<i32>} : memref<4x8x1024xf32, #tpu.memory_space<vmem>>, vector<1x1x16xf32>,
      %parallel_loop3A_458 = vector.shape_cast %parallel_loop3A_457 : vector<1x1x16xf32> to vector<16xf32>
      %parallel_loop3A_459 = arith.constant 0 : i32
      %parallel_loop3A_460 = arith.constant 6 : i32
      %parallel_loop3A_461 = arith.index_cast %parallel_loop3A_459 : i32 to index
      %parallel_loop3A_462 = arith.index_cast %parallel_loop3A_460 : i32 to index
      %parallel_loop3A_463 = arith.index_cast %parallel_loop3A_361 : i32 to index
      %parallel_loop3A_464 = tpu.vector_load %arg5[%parallel_loop3A_461, %parallel_loop3A_462, %parallel_loop3A_463] {strides = array<i32>} : memref<4x8x1024xf32, #tpu.memory_space<vmem>>, vector<1x1x16xf32>,
      %parallel_loop3A_465 = vector.shape_cast %parallel_loop3A_464 : vector<1x1x16xf32> to vector<16xf32>
      %parallel_loop3A_466 = vector.shape_cast %parallel_loop3A_458 : vector<16xf32> to vector<1x1x16xf32>
      tpu.vector_store %arg5[%parallel_loop3A_461, %parallel_loop3A_462, %parallel_loop3A_463], %parallel_loop3A_466 {add = true, strides = array<i32>} : memref<4x8x1024xf32, #tpu.memory_space<vmem>>, vector<1x1x16xf32>,
      %parallel_loop3A_467 = arith.constant 0 : i32
      %parallel_loop3A_468 = arith.constant 7 : i32
      %parallel_loop3A_469 = arith.index_cast %parallel_loop3A_467 : i32 to index
      %parallel_loop3A_470 = arith.index_cast %parallel_loop3A_468 : i32 to index
      %parallel_loop3A_471 = arith.index_cast %parallel_loop3A_361 : i32 to index
      %parallel_loop3A_472 = tpu.vector_load %arg6[%parallel_loop3A_469, %parallel_loop3A_470, %parallel_loop3A_471] {strides = array<i32>} : memref<4x8x1024xf32, #tpu.memory_space<vmem>>, vector<1x1x16xf32>,
      %parallel_loop3A_473 = vector.shape_cast %parallel_loop3A_472 : vector<1x1x16xf32> to vector<16xf32>
      %parallel_loop3A_474 = arith.constant 0 : i32
      %parallel_loop3A_475 = arith.constant 7 : i32
      %parallel_loop3A_476 = arith.index_cast %parallel_loop3A_474 : i32 to index
      %parallel_loop3A_477 = arith.index_cast %parallel_loop3A_475 : i32 to index
      %parallel_loop3A_478 = arith.index_cast %parallel_loop3A_361 : i32 to index
      %parallel_loop3A_479 = tpu.vector_load %arg5[%parallel_loop3A_476, %parallel_loop3A_477, %parallel_loop3A_478] {strides = array<i32>} : memref<4x8x1024xf32, #tpu.memory_space<vmem>>, vector<1x1x16xf32>,
      %parallel_loop3A_480 = vector.shape_cast %parallel_loop3A_479 : vector<1x1x16xf32> to vector<16xf32>
      %parallel_loop3A_481 = vector.shape_cast %parallel_loop3A_473 : vector<16xf32> to vector<1x1x16xf32>
      tpu.vector_store %arg5[%parallel_loop3A_476, %parallel_loop3A_477, %parallel_loop3A_478], %parallel_loop3A_481 {add = true, strides = array<i32>} : memref<4x8x1024xf32, #tpu.memory_space<vmem>>, vector<1x1x16xf32>,
    } {sc.loop_unroll_factor = 1 : i64, sc.parallel_access}
    %add3A_143 = arith.constant 0 : i32
    %add3A_144 = arith.addi %mul3A_2, %add3A_143 : i32
    %dma_start3A_145 = arith.constant 0 : i32
    %dma_start3A_146 = arith.constant 0 : i32
    %dma_start3A_147 = arith.constant 0 : i32
    %dma_start3A_148 = tpu.memref_slice %arg5[%dma_start3A_145, %dma_start3A_146, %dma_start3A_147] : memref<4x8x1024xf32, #tpu.memory_space<vmem>> -> memref<1x8x1024xf32, #tpu.memory_space<vmem>>
    %dma_start3A_149 = tpu.memref_squeeze %dma_start3A_148 : memref<1x8x1024xf32, #tpu.memory_space<vmem>> -> memref<8x1024xf32, #tpu.memory_space<vmem>>
    %dma_start3A_150 = arith.constant 0 : i32
    %dma_start3A_151 = tpu.memref_slice %arg4[%add3A_144, %dma_start3A_150] : memref<8192x1024xf32, #tpu.memory_space<hbm>> -> memref<8x1024xf32, #tpu.memory_space<hbm>>
    %dma_start3A_152 = arith.constant 0 : i32
    %dma_start3A_153 = tpu.memref_slice %arg4[%add3A_144, %dma_start3A_152] : memref<8192x1024xf32, #tpu.memory_space<hbm>> -> memref<8x1024xf32, #tpu.memory_space<hbm>>
    %dma_start3A_154 = arith.constant 0 : i32
    %dma_start3A_155 = arith.constant 0 : i32
    %dma_start3A_156 = tpu.memref_slice %arg5[%dma_start3A_145, %dma_start3A_154, %dma_start3A_155] : memref<4x8x1024xf32, #tpu.memory_space<vmem>> -> memref<1x8x1024xf32, #tpu.memory_space<vmem>>
    %dma_start3A_157 = tpu.memref_squeeze %dma_start3A_156 : memref<1x8x1024xf32, #tpu.memory_space<vmem>> -> memref<8x1024xf32, #tpu.memory_space<vmem>>
    tpu.enqueue_dma source(%dma_start3A_157 : memref<8x1024xf32, #tpu.memory_space<vmem>>) target(%dma_start3A_153 : memref<8x1024xf32, #tpu.memory_space<hbm>>) target_semaphore(%arg15 : memref<!tpu.dma_semaphore, #tpu.memory_space<semaphore_mem>>)
    %scan3A = arith.constant 0 : i32
    %scan3A_158 = arith.constant 0 : i32
    %scan3A_159 = arith.constant 7 : i32
    %scan3A_160 = arith.addi %scan3A_158, %scan3A_159 : i32
    %scan3A_161 = arith.constant 1 : i32
    scf.for %scan3A_361 = %scan3A_158 to %scan3A_160 step %scan3A_161  : i32 {
      %mul3A_362 = arith.constant 4 : i32
      %mul3A_363 = arith.muli %scan3A_361, %mul3A_362 : i32
      %add3A_364 = arith.constant 1 : i32
      %add3A_365 = arith.addi %add3A_364, %mul3A_363 : i32
      %add3A_366 = arith.constant 0 : i32
      %add3A_367 = arith.addi %add3A_365, %add3A_366 : i32
      %mul3A_368 = arith.constant 8 : i32
      %mul3A_369 = arith.muli %add3A_367, %mul3A_368 : i32
      %add3A_370 = arith.addi %mul3A_2, %mul3A_369 : i32
      %dma_wait3A_371 = arith.constant 1 : i32
      %dma_wait3A_372 = arith.constant 0 : i32
      %dma_wait3A_373 = arith.constant 0 : i32
      %dma_wait3A_374 = tpu.memref_slice %arg5[%dma_wait3A_371, %dma_wait3A_372, %dma_wait3A_373] : memref<4x8x1024xf32, #tpu.memory_space<vmem>> -> memref<1x8x1024xf32, #tpu.memory_space<vmem>>
      %dma_wait3A_375 = tpu.memref_squeeze %dma_wait3A_374 : memref<1x8x1024xf32, #tpu.memory_space<vmem>> -> memref<8x1024xf32, #tpu.memory_space<vmem>>
      %dma_wait3A_376 = arith.constant 0 : i32
      %dma_wait3A_377 = tpu.memref_slice %arg2[%add3A_370, %dma_wait3A_376] : memref<8192x1024xf32, #tpu.memory_space<hbm>> -> memref<8x1024xf32, #tpu.memory_space<hbm>>
      %dma_wait3A_378 = arith.constant 0 : i32
      %dma_wait3A_379 = arith.constant 0 : i32
      %dma_wait3A_380 = tpu.memref_slice %arg5[%dma_wait3A_371, %dma_wait3A_378, %dma_wait3A_379] : memref<4x8x1024xf32, #tpu.memory_space<vmem>> -> memref<1x8x1024xf32, #tpu.memory_space<vmem>>
      %dma_wait3A_381 = tpu.memref_squeeze %dma_wait3A_380 : memref<1x8x1024xf32, #tpu.memory_space<vmem>> -> memref<8x1024xf32, #tpu.memory_space<vmem>>
      %dma_wait3A_382 = arith.constant 0 : i32
      %dma_wait3A_383 = tpu.memref_slice %arg2[%add3A_370, %dma_wait3A_382] : memref<8192x1024xf32, #tpu.memory_space<hbm>> -> memref<8x1024xf32, #tpu.memory_space<hbm>>
      tpu.wait_dma2 semaphore(%arg8 : memref<!tpu.dma_semaphore, #tpu.memory_space<semaphore_mem>>) src(%dma_wait3A_383 : memref<8x1024xf32, #tpu.memory_space<hbm>>) dst(%dma_wait3A_381 : memref<8x1024xf32, #tpu.memory_space<vmem>>)
      %dma_wait3A_384 = arith.constant 1 : i32
      %dma_wait3A_385 = arith.constant 0 : i32
      %dma_wait3A_386 = arith.constant 0 : i32
      %dma_wait3A_387 = tpu.memref_slice %arg6[%dma_wait3A_384, %dma_wait3A_385, %dma_wait3A_386] : memref<4x8x1024xf32, #tpu.memory_space<vmem>> -> memref<1x8x1024xf32, #tpu.memory_space<vmem>>
      %dma_wait3A_388 = tpu.memref_squeeze %dma_wait3A_387 : memref<1x8x1024xf32, #tpu.memory_space<vmem>> -> memref<8x1024xf32, #tpu.memory_space<vmem>>
      %dma_wait3A_389 = arith.constant 0 : i32
      %dma_wait3A_390 = tpu.memref_slice %arg3[%add3A_370, %dma_wait3A_389] : memref<8192x1024xf32, #tpu.memory_space<hbm>> -> memref<8x1024xf32, #tpu.memory_space<hbm>>
      %dma_wait3A_391 = arith.constant 0 : i32
      %dma_wait3A_392 = arith.constant 0 : i32
      %dma_wait3A_393 = tpu.memref_slice %arg6[%dma_wait3A_384, %dma_wait3A_391, %dma_wait3A_392] : memref<4x8x1024xf32, #tpu.memory_space<vmem>> -> memref<1x8x1024xf32, #tpu.memory_space<vmem>>
      %dma_wait3A_394 = tpu.memref_squeeze %dma_wait3A_393 : memref<1x8x1024xf32, #tpu.memory_space<vmem>> -> memref<8x1024xf32, #tpu.memory_space<vmem>>
      %dma_wait3A_395 = arith.constant 0 : i32
      %dma_wait3A_396 = tpu.memref_slice %arg3[%add3A_370, %dma_wait3A_395] : memref<8192x1024xf32, #tpu.memory_space<hbm>> -> memref<8x1024xf32, #tpu.memory_space<hbm>>
      tpu.wait_dma2 semaphore(%arg12 : memref<!tpu.dma_semaphore, #tpu.memory_space<semaphore_mem>>) src(%dma_wait3A_396 : memref<8x1024xf32, #tpu.memory_space<hbm>>) dst(%dma_wait3A_394 : memref<8x1024xf32, #tpu.memory_space<vmem>>)
      %parallel_loop3A_397 = arith.constant 0 : i32
      %parallel_loop3A_398 = arith.constant 1024 : i32
      %parallel_loop3A_399 = arith.constant 16 : i32
      scf.for %parallel_loop3A_769 = %parallel_loop3A_397 to %parallel_loop3A_398 step %parallel_loop3A_399  : i32 {
        %parallel_loop3A_770 = arith.constant 1 : i32
        %parallel_loop3A_771 = arith.constant 0 : i32
        %parallel_loop3A_772 = arith.index_cast %parallel_loop3A_770 : i32 to index
        %parallel_loop3A_773 = arith.index_cast %parallel_loop3A_771 : i32 to index
        %parallel_loop3A_774 = arith.index_cast %parallel_loop3A_769 : i32 to index
        %parallel_loop3A_775 = tpu.vector_load %arg6[%parallel_loop3A_772, %parallel_loop3A_773, %parallel_loop3A_774] {strides = array<i32>} : memref<4x8x1024xf32, #tpu.memory_space<vmem>>, vector<1x1x16xf32>,
        %parallel_loop3A_776 = vector.shape_cast %parallel_loop3A_775 : vector<1x1x16xf32> to vector<16xf32>
        %parallel_loop3A_777 = arith.constant 1 : i32
        %parallel_loop3A_778 = arith.constant 0 : i32
        %parallel_loop3A_779 = arith.index_cast %parallel_loop3A_777 : i32 to index
        %parallel_loop3A_780 = arith.index_cast %parallel_loop3A_778 : i32 to index
        %parallel_loop3A_781 = arith.index_cast %parallel_loop3A_769 : i32 to index
        %parallel_loop3A_782 = tpu.vector_load %arg5[%parallel_loop3A_779, %parallel_loop3A_780, %parallel_loop3A_781] {strides = array<i32>} : memref<4x8x1024xf32, #tpu.memory_space<vmem>>, vector<1x1x16xf32>,
        %parallel_loop3A_783 = vector.shape_cast %parallel_loop3A_782 : vector<1x1x16xf32> to vector<16xf32>
        %parallel_loop3A_784 = vector.shape_cast %parallel_loop3A_776 : vector<16xf32> to vector<1x1x16xf32>
        tpu.vector_store %arg5[%parallel_loop3A_779, %parallel_loop3A_780, %parallel_loop3A_781], %parallel_loop3A_784 {add = true, strides = array<i32>} : memref<4x8x1024xf32, #tpu.memory_space<vmem>>, vector<1x1x16xf32>,
        %parallel_loop3A_785 = arith.constant 1 : i32
        %parallel_loop3A_786 = arith.constant 1 : i32
        %parallel_loop3A_787 = arith.index_cast %parallel_loop3A_785 : i32 to index
        %parallel_loop3A_788 = arith.index_cast %parallel_loop3A_786 : i32 to index
        %parallel_loop3A_789 = arith.index_cast %parallel_loop3A_769 : i32 to index
        %parallel_loop3A_790 = tpu.vector_load %arg6[%parallel_loop3A_787, %parallel_loop3A_788, %parallel_loop3A_789] {strides = array<i32>} : memref<4x8x1024xf32, #tpu.memory_space<vmem>>, vector<1x1x16xf32>,
        %parallel_loop3A_791 = vector.shape_cast %parallel_loop3A_790 : vector<1x1x16xf32> to vector<16xf32>
        %parallel_loop3A_792 = arith.constant 1 : i32
        %parallel_loop3A_793 = arith.constant 1 : i32
        %parallel_loop3A_794 = arith.index_cast %parallel_loop3A_792 : i32 to index
        %parallel_loop3A_795 = arith.index_cast %parallel_loop3A_793 : i32 to index
        %parallel_loop3A_796 = arith.index_cast %parallel_loop3A_769 : i32 to index
        %parallel_loop3A_797 = tpu.vector_load %arg5[%parallel_loop3A_794, %parallel_loop3A_795, %parallel_loop3A_796] {strides = array<i32>} : memref<4x8x1024xf32, #tpu.memory_space<vmem>>, vector<1x1x16xf32>,
        %parallel_loop3A_798 = vector.shape_cast %parallel_loop3A_797 : vector<1x1x16xf32> to vector<16xf32>
        %parallel_loop3A_799 = vector.shape_cast %parallel_loop3A_791 : vector<16xf32> to vector<1x1x16xf32>
        tpu.vector_store %arg5[%parallel_loop3A_794, %parallel_loop3A_795, %parallel_loop3A_796], %parallel_loop3A_799 {add = true, strides = array<i32>} : memref<4x8x1024xf32, #tpu.memory_space<vmem>>, vector<1x1x16xf32>,
        %parallel_loop3A_800 = arith.constant 1 : i32
        %parallel_loop3A_801 = arith.constant 2 : i32
        %parallel_loop3A_802 = arith.index_cast %parallel_loop3A_800 : i32 to index
        %parallel_loop3A_803 = arith.index_cast %parallel_loop3A_801 : i32 to index
        %parallel_loop3A_804 = arith.index_cast %parallel_loop3A_769 : i32 to index
        %parallel_loop3A_805 = tpu.vector_load %arg6[%parallel_loop3A_802, %parallel_loop3A_803, %parallel_loop3A_804] {strides = array<i32>} : memref<4x8x1024xf32, #tpu.memory_space<vmem>>, vector<1x1x16xf32>,
        %parallel_loop3A_806 = vector.shape_cast %parallel_loop3A_805 : vector<1x1x16xf32> to vector<16xf32>
        %parallel_loop3A_807 = arith.constant 1 : i32
        %parallel_loop3A_808 = arith.constant 2 : i32
        %parallel_loop3A_809 = arith.index_cast %parallel_loop3A_807 : i32 to index
        %parallel_loop3A_810 = arith.index_cast %parallel_loop3A_808 : i32 to index
        %parallel_loop3A_811 = arith.index_cast %parallel_loop3A_769 : i32 to index
        %parallel_loop3A_812 = tpu.vector_load %arg5[%parallel_loop3A_809, %parallel_loop3A_810, %parallel_loop3A_811] {strides = array<i32>} : memref<4x8x1024xf32, #tpu.memory_space<vmem>>, vector<1x1x16xf32>,
        %parallel_loop3A_813 = vector.shape_cast %parallel_loop3A_812 : vector<1x1x16xf32> to vector<16xf32>
        %parallel_loop3A_814 = vector.shape_cast %parallel_loop3A_806 : vector<16xf32> to vector<1x1x16xf32>
        tpu.vector_store %arg5[%parallel_loop3A_809, %parallel_loop3A_810, %parallel_loop3A_811], %parallel_loop3A_814 {add = true, strides = array<i32>} : memref<4x8x1024xf32, #tpu.memory_space<vmem>>, vector<1x1x16xf32>,
        %parallel_loop3A_815 = arith.constant 1 : i32
        %parallel_loop3A_816 = arith.constant 3 : i32
        %parallel_loop3A_817 = arith.index_cast %parallel_loop3A_815 : i32 to index
        %parallel_loop3A_818 = arith.index_cast %parallel_loop3A_816 : i32 to index
        %parallel_loop3A_819 = arith.index_cast %parallel_loop3A_769 : i32 to index
        %parallel_loop3A_820 = tpu.vector_load %arg6[%parallel_loop3A_817, %parallel_loop3A_818, %parallel_loop3A_819] {strides = array<i32>} : memref<4x8x1024xf32, #tpu.memory_space<vmem>>, vector<1x1x16xf32>,
        %parallel_loop3A_821 = vector.shape_cast %parallel_loop3A_820 : vector<1x1x16xf32> to vector<16xf32>
        %parallel_loop3A_822 = arith.constant 1 : i32
        %parallel_loop3A_823 = arith.constant 3 : i32
        %parallel_loop3A_824 = arith.index_cast %parallel_loop3A_822 : i32 to index
        %parallel_loop3A_825 = arith.index_cast %parallel_loop3A_823 : i32 to index
        %parallel_loop3A_826 = arith.index_cast %parallel_loop3A_769 : i32 to index
        %parallel_loop3A_827 = tpu.vector_load %arg5[%parallel_loop3A_824, %parallel_loop3A_825, %parallel_loop3A_826] {strides = array<i32>} : memref<4x8x1024xf32, #tpu.memory_space<vmem>>, vector<1x1x16xf32>,
        %parallel_loop3A_828 = vector.shape_cast %parallel_loop3A_827 : vector<1x1x16xf32> to vector<16xf32>
        %parallel_loop3A_829 = vector.shape_cast %parallel_loop3A_821 : vector<16xf32> to vector<1x1x16xf32>
        tpu.vector_store %arg5[%parallel_loop3A_824, %parallel_loop3A_825, %parallel_loop3A_826], %parallel_loop3A_829 {add = true, strides = array<i32>} : memref<4x8x1024xf32, #tpu.memory_space<vmem>>, vector<1x1x16xf32>,
        %parallel_loop3A_830 = arith.constant 1 : i32
        %parallel_loop3A_831 = arith.constant 4 : i32
        %parallel_loop3A_832 = arith.index_cast %parallel_loop3A_830 : i32 to index
        %parallel_loop3A_833 = arith.index_cast %parallel_loop3A_831 : i32 to index
        %parallel_loop3A_834 = arith.index_cast %parallel_loop3A_769 : i32 to index
        %parallel_loop3A_835 = tpu.vector_load %arg6[%parallel_loop3A_832, %parallel_loop3A_833, %parallel_loop3A_834] {strides = array<i32>} : memref<4x8x1024xf32, #tpu.memory_space<vmem>>, vector<1x1x16xf32>,
        %parallel_loop3A_836 = vector.shape_cast %parallel_loop3A_835 : vector<1x1x16xf32> to vector<16xf32>
        %parallel_loop3A_837 = arith.constant 1 : i32
        %parallel_loop3A_838 = arith.constant 4 : i32
        %parallel_loop3A_839 = arith.index_cast %parallel_loop3A_837 : i32 to index
        %parallel_loop3A_840 = arith.index_cast %parallel_loop3A_838 : i32 to index
        %parallel_loop3A_841 = arith.index_cast %parallel_loop3A_769 : i32 to index
        %parallel_loop3A_842 = tpu.vector_load %arg5[%parallel_loop3A_839, %parallel_loop3A_840, %parallel_loop3A_841] {strides = array<i32>} : memref<4x8x1024xf32, #tpu.memory_space<vmem>>, vector<1x1x16xf32>,
        %parallel_loop3A_843 = vector.shape_cast %parallel_loop3A_842 : vector<1x1x16xf32> to vector<16xf32>
        %parallel_loop3A_844 = vector.shape_cast %parallel_loop3A_836 : vector<16xf32> to vector<1x1x16xf32>
        tpu.vector_store %arg5[%parallel_loop3A_839, %parallel_loop3A_840, %parallel_loop3A_841], %parallel_loop3A_844 {add = true, strides = array<i32>} : memref<4x8x1024xf32, #tpu.memory_space<vmem>>, vector<1x1x16xf32>,
        %parallel_loop3A_845 = arith.constant 1 : i32
        %parallel_loop3A_846 = arith.constant 5 : i32
        %parallel_loop3A_847 = arith.index_cast %parallel_loop3A_845 : i32 to index
        %parallel_loop3A_848 = arith.index_cast %parallel_loop3A_846 : i32 to index
        %parallel_loop3A_849 = arith.index_cast %parallel_loop3A_769 : i32 to index
        %parallel_loop3A_850 = tpu.vector_load %arg6[%parallel_loop3A_847, %parallel_loop3A_848, %parallel_loop3A_849] {strides = array<i32>} : memref<4x8x1024xf32, #tpu.memory_space<vmem>>, vector<1x1x16xf32>,
        %parallel_loop3A_851 = vector.shape_cast %parallel_loop3A_850 : vector<1x1x16xf32> to vector<16xf32>
        %parallel_loop3A_852 = arith.constant 1 : i32
        %parallel_loop3A_853 = arith.constant 5 : i32
        %parallel_loop3A_854 = arith.index_cast %parallel_loop3A_852 : i32 to index
        %parallel_loop3A_855 = arith.index_cast %parallel_loop3A_853 : i32 to index
        %parallel_loop3A_856 = arith.index_cast %parallel_loop3A_769 : i32 to index
        %parallel_loop3A_857 = tpu.vector_load %arg5[%parallel_loop3A_854, %parallel_loop3A_855, %parallel_loop3A_856] {strides = array<i32>} : memref<4x8x1024xf32, #tpu.memory_space<vmem>>, vector<1x1x16xf32>,
        %parallel_loop3A_858 = vector.shape_cast %parallel_loop3A_857 : vector<1x1x16xf32> to vector<16xf32>
        %parallel_loop3A_859 = vector.shape_cast %parallel_loop3A_851 : vector<16xf32> to vector<1x1x16xf32>
        tpu.vector_store %arg5[%parallel_loop3A_854, %parallel_loop3A_855, %parallel_loop3A_856], %parallel_loop3A_859 {add = true, strides = array<i32>} : memref<4x8x1024xf32, #tpu.memory_space<vmem>>, vector<1x1x16xf32>,
        %parallel_loop3A_860 = arith.constant 1 : i32
        %parallel_loop3A_861 = arith.constant 6 : i32
        %parallel_loop3A_862 = arith.index_cast %parallel_loop3A_860 : i32 to index
        %parallel_loop3A_863 = arith.index_cast %parallel_loop3A_861 : i32 to index
        %parallel_loop3A_864 = arith.index_cast %parallel_loop3A_769 : i32 to index
        %parallel_loop3A_865 = tpu.vector_load %arg6[%parallel_loop3A_862, %parallel_loop3A_863, %parallel_loop3A_864] {strides = array<i32>} : memref<4x8x1024xf32, #tpu.memory_space<vmem>>, vector<1x1x16xf32>,
        %parallel_loop3A_866 = vector.shape_cast %parallel_loop3A_865 : vector<1x1x16xf32> to vector<16xf32>
        %parallel_loop3A_867 = arith.constant 1 : i32
        %parallel_loop3A_868 = arith.constant 6 : i32
        %parallel_loop3A_869 = arith.index_cast %parallel_loop3A_867 : i32 to index
        %parallel_loop3A_870 = arith.index_cast %parallel_loop3A_868 : i32 to index
        %parallel_loop3A_871 = arith.index_cast %parallel_loop3A_769 : i32 to index
        %parallel_loop3A_872 = tpu.vector_load %arg5[%parallel_loop3A_869, %parallel_loop3A_870, %parallel_loop3A_871] {strides = array<i32>} : memref<4x8x1024xf32, #tpu.memory_space<vmem>>, vector<1x1x16xf32>,
        %parallel_loop3A_873 = vector.shape_cast %parallel_loop3A_872 : vector<1x1x16xf32> to vector<16xf32>
        %parallel_loop3A_874 = vector.shape_cast %parallel_loop3A_866 : vector<16xf32> to vector<1x1x16xf32>
        tpu.vector_store %arg5[%parallel_loop3A_869, %parallel_loop3A_870, %parallel_loop3A_871], %parallel_loop3A_874 {add = true, strides = array<i32>} : memref<4x8x1024xf32, #tpu.memory_space<vmem>>, vector<1x1x16xf32>,
        %parallel_loop3A_875 = arith.constant 1 : i32
        %parallel_loop3A_876 = arith.constant 7 : i32
        %parallel_loop3A_877 = arith.index_cast %parallel_loop3A_875 : i32 to index
        %parallel_loop3A_878 = arith.index_cast %parallel_loop3A_876 : i32 to index
        %parallel_loop3A_879 = arith.index_cast %parallel_loop3A_769 : i32 to index
        %parallel_loop3A_880 = tpu.vector_load %arg6[%parallel_loop3A_877, %parallel_loop3A_878, %parallel_loop3A_879] {strides = array<i32>} : memref<4x8x1024xf32, #tpu.memory_space<vmem>>, vector<1x1x16xf32>,
        %parallel_loop3A_881 = vector.shape_cast %parallel_loop3A_880 : vector<1x1x16xf32> to vector<16xf32>
        %parallel_loop3A_882 = arith.constant 1 : i32
        %parallel_loop3A_883 = arith.constant 7 : i32
        %parallel_loop3A_884 = arith.index_cast %parallel_loop3A_882 : i32 to index
        %parallel_loop3A_885 = arith.index_cast %parallel_loop3A_883 : i32 to index
        %parallel_loop3A_886 = arith.index_cast %parallel_loop3A_769 : i32 to index
        %parallel_loop3A_887 = tpu.vector_load %arg5[%parallel_loop3A_884, %parallel_loop3A_885, %parallel_loop3A_886] {strides = array<i32>} : memref<4x8x1024xf32, #tpu.memory_space<vmem>>, vector<1x1x16xf32>,
        %parallel_loop3A_888 = vector.shape_cast %parallel_loop3A_887 : vector<1x1x16xf32> to vector<16xf32>
        %parallel_loop3A_889 = vector.shape_cast %parallel_loop3A_881 : vector<16xf32> to vector<1x1x16xf32>
        tpu.vector_store %arg5[%parallel_loop3A_884, %parallel_loop3A_885, %parallel_loop3A_886], %parallel_loop3A_889 {add = true, strides = array<i32>} : memref<4x8x1024xf32, #tpu.memory_space<vmem>>, vector<1x1x16xf32>,
      } {sc.loop_unroll_factor = 1 : i64, sc.parallel_access}
      %mul3A_400 = arith.constant 8 : i32
      %mul3A_401 = arith.muli %add3A_367, %mul3A_400 : i32
      %add3A_402 = arith.addi %mul3A_2, %mul3A_401 : i32
      %dma_start3A_403 = arith.constant 1 : i32
      %dma_start3A_404 = arith.constant 0 : i32
      %dma_start3A_405 = arith.constant 0 : i32
      %dma_start3A_406 = tpu.memref_slice %arg5[%dma_start3A_403, %dma_start3A_404, %dma_start3A_405] : memref<4x8x1024xf32, #tpu.memory_space<vmem>> -> memref<1x8x1024xf32, #tpu.memory_space<vmem>>
      %dma_start3A_407 = tpu.memref_squeeze %dma_start3A_406 : memref<1x8x1024xf32, #tpu.memory_space<vmem>> -> memref<8x1024xf32, #tpu.memory_space<vmem>>
      %dma_start3A_408 = arith.constant 0 : i32
      %dma_start3A_409 = tpu.memref_slice %arg4[%add3A_402, %dma_start3A_408] : memref<8192x1024xf32, #tpu.memory_space<hbm>> -> memref<8x1024xf32, #tpu.memory_space<hbm>>
      %dma_start3A_410 = arith.constant 0 : i32
      %dma_start3A_411 = tpu.memref_slice %arg4[%add3A_402, %dma_start3A_410] : memref<8192x1024xf32, #tpu.memory_space<hbm>> -> memref<8x1024xf32, #tpu.memory_space<hbm>>
      %dma_start3A_412 = arith.constant 0 : i32
      %dma_start3A_413 = arith.constant 0 : i32
      %dma_start3A_414 = tpu.memref_slice %arg5[%dma_start3A_403, %dma_start3A_412, %dma_start3A_413] : memref<4x8x1024xf32, #tpu.memory_space<vmem>> -> memref<1x8x1024xf32, #tpu.memory_space<vmem>>
      %dma_start3A_415 = tpu.memref_squeeze %dma_start3A_414 : memref<1x8x1024xf32, #tpu.memory_space<vmem>> -> memref<8x1024xf32, #tpu.memory_space<vmem>>
      tpu.enqueue_dma source(%dma_start3A_415 : memref<8x1024xf32, #tpu.memory_space<vmem>>) target(%dma_start3A_411 : memref<8x1024xf32, #tpu.memory_space<hbm>>) target_semaphore(%arg16 : memref<!tpu.dma_semaphore, #tpu.memory_space<semaphore_mem>>)
      %sub3A = arith.constant 1 : i32
      %sub3A_416 = arith.subi %add3A_367, %sub3A : i32
      %mul3A_417 = arith.constant 8 : i32
      %mul3A_418 = arith.muli %sub3A_416, %mul3A_417 : i32
      %add3A_419 = arith.addi %mul3A_2, %mul3A_418 : i32
      %dma_wait3A_420 = arith.constant 0 : i32
      %dma_wait3A_421 = arith.constant 0 : i32
      %dma_wait3A_422 = arith.constant 0 : i32
      %dma_wait3A_423 = tpu.memref_slice %arg5[%dma_wait3A_420, %dma_wait3A_421, %dma_wait3A_422] : memref<4x8x1024xf32, #tpu.memory_space<vmem>> -> memref<1x8x1024xf32, #tpu.memory_space<vmem>>
      %dma_wait3A_424 = tpu.memref_squeeze %dma_wait3A_423 : memref<1x8x1024xf32, #tpu.memory_space<vmem>> -> memref<8x1024xf32, #tpu.memory_space<vmem>>
      %dma_wait3A_425 = arith.constant 0 : i32
      %dma_wait3A_426 = tpu.memref_slice %arg4[%add3A_419, %dma_wait3A_425] : memref<8192x1024xf32, #tpu.memory_space<hbm>> -> memref<8x1024xf32, #tpu.memory_space<hbm>>
      %dma_wait3A_427 = arith.constant 0 : i32
      %dma_wait3A_428 = tpu.memref_slice %arg4[%add3A_419, %dma_wait3A_427] : memref<8192x1024xf32, #tpu.memory_space<hbm>> -> memref<8x1024xf32, #tpu.memory_space<hbm>>
      %dma_wait3A_429 = arith.constant 0 : i32
      %dma_wait3A_430 = arith.constant 0 : i32
      %dma_wait3A_431 = tpu.memref_slice %arg5[%dma_wait3A_420, %dma_wait3A_429, %dma_wait3A_430] : memref<4x8x1024xf32, #tpu.memory_space<vmem>> -> memref<1x8x1024xf32, #tpu.memory_space<vmem>>
      %dma_wait3A_432 = tpu.memref_squeeze %dma_wait3A_431 : memref<1x8x1024xf32, #tpu.memory_space<vmem>> -> memref<8x1024xf32, #tpu.memory_space<vmem>>
      tpu.wait_dma2 semaphore(%arg15 : memref<!tpu.dma_semaphore, #tpu.memory_space<semaphore_mem>>) src(%dma_wait3A_432 : memref<8x1024xf32, #tpu.memory_space<vmem>>) dst(%dma_wait3A_428 : memref<8x1024xf32, #tpu.memory_space<hbm>>)
      %add3A_433 = arith.constant 4 : i32
      %add3A_434 = arith.addi %add3A_367, %add3A_433 : i32
      %sub3A_435 = arith.constant 1 : i32
      %sub3A_436 = arith.subi %add3A_434, %sub3A_435 : i32
      %mul3A_437 = arith.constant 8 : i32
      %mul3A_438 = arith.muli %sub3A_436, %mul3A_437 : i32
      %add3A_439 = arith.addi %mul3A_2, %mul3A_438 : i32
      %dma_start3A_440 = arith.constant 0 : i32
      %dma_start3A_441 = arith.constant 0 : i32
      %dma_start3A_442 = arith.constant 0 : i32
      %dma_start3A_443 = tpu.memref_slice %arg5[%dma_start3A_440, %dma_start3A_441, %dma_start3A_442] : memref<4x8x1024xf32, #tpu.memory_space<vmem>> -> memref<1x8x1024xf32, #tpu.memory_space<vmem>>
      %dma_start3A_444 = tpu.memref_squeeze %dma_start3A_443 : memref<1x8x1024xf32, #tpu.memory_space<vmem>> -> memref<8x1024xf32, #tpu.memory_space<vmem>>
      %dma_start3A_445 = arith.constant 0 : i32
      %dma_start3A_446 = tpu.memref_slice %arg2[%add3A_439, %dma_start3A_445] : memref<8192x1024xf32, #tpu.memory_space<hbm>> -> memref<8x1024xf32, #tpu.memory_space<hbm>>
      %dma_start3A_447 = arith.constant 0 : i32
      %dma_start3A_448 = arith.constant 0 : i32
      %dma_start3A_449 = tpu.memref_slice %arg5[%dma_start3A_440, %dma_start3A_447, %dma_start3A_448] : memref<4x8x1024xf32, #tpu.memory_space<vmem>> -> memref<1x8x1024xf32, #tpu.memory_space<vmem>>
      %dma_start3A_450 = tpu.memref_squeeze %dma_start3A_449 : memref<1x8x1024xf32, #tpu.memory_space<vmem>> -> memref<8x1024xf32, #tpu.memory_space<vmem>>
      %dma_start3A_451 = arith.constant 0 : i32
      %dma_start3A_452 = tpu.memref_slice %arg2[%add3A_439, %dma_start3A_451] : memref<8192x1024xf32, #tpu.memory_space<hbm>> -> memref<8x1024xf32, #tpu.memory_space<hbm>>
      tpu.enqueue_dma source(%dma_start3A_452 : memref<8x1024xf32, #tpu.memory_space<hbm>>) target(%dma_start3A_450 : memref<8x1024xf32, #tpu.memory_space<vmem>>) target_semaphore(%arg7 : memref<!tpu.dma_semaphore, #tpu.memory_space<semaphore_mem>>)
      %dma_start3A_453 = arith.constant 0 : i32
      %dma_start3A_454 = arith.constant 0 : i32
      %dma_start3A_455 = arith.constant 0 : i32
      %dma_start3A_456 = tpu.memref_slice %arg6[%dma_start3A_453, %dma_start3A_454, %dma_start3A_455] : memref<4x8x1024xf32, #tpu.memory_space<vmem>> -> memref<1x8x1024xf32, #tpu.memory_space<vmem>>
      %dma_start3A_457 = tpu.memref_squeeze %dma_start3A_456 : memref<1x8x1024xf32, #tpu.memory_space<vmem>> -> memref<8x1024xf32, #tpu.memory_space<vmem>>
      %dma_start3A_458 = arith.constant 0 : i32
      %dma_start3A_459 = tpu.memref_slice %arg3[%add3A_439, %dma_start3A_458] : memref<8192x1024xf32, #tpu.memory_space<hbm>> -> memref<8x1024xf32, #tpu.memory_space<hbm>>
      %dma_start3A_460 = arith.constant 0 : i32
      %dma_start3A_461 = arith.constant 0 : i32
      %dma_start3A_462 = tpu.memref_slice %arg6[%dma_start3A_453, %dma_start3A_460, %dma_start3A_461] : memref<4x8x1024xf32, #tpu.memory_space<vmem>> -> memref<1x8x1024xf32, #tpu.memory_space<vmem>>
      %dma_start3A_463 = tpu.memref_squeeze %dma_start3A_462 : memref<1x8x1024xf32, #tpu.memory_space<vmem>> -> memref<8x1024xf32, #tpu.memory_space<vmem>>
      %dma_start3A_464 = arith.constant 0 : i32
      %dma_start3A_465 = tpu.memref_slice %arg3[%add3A_439, %dma_start3A_464] : memref<8192x1024xf32, #tpu.memory_space<hbm>> -> memref<8x1024xf32, #tpu.memory_space<hbm>>
      tpu.enqueue_dma source(%dma_start3A_465 : memref<8x1024xf32, #tpu.memory_space<hbm>>) target(%dma_start3A_463 : memref<8x1024xf32, #tpu.memory_space<vmem>>) target_semaphore(%arg11 : memref<!tpu.dma_semaphore, #tpu.memory_space<semaphore_mem>>)
      %add3A_466 = arith.constant 1 : i32
      %add3A_467 = arith.addi %add3A_365, %add3A_466 : i32
      %mul3A_468 = arith.constant 8 : i32
      %mul3A_469 = arith.muli %add3A_467, %mul3A_468 : i32
      %add3A_470 = arith.addi %mul3A_2, %mul3A_469 : i32
      %dma_wait3A_471 = arith.constant 2 : i32
      %dma_wait3A_472 = arith.constant 0 : i32
      %dma_wait3A_473 = arith.constant 0 : i32
      %dma_wait3A_474 = tpu.memref_slice %arg5[%dma_wait3A_471, %dma_wait3A_472, %dma_wait3A_473] : memref<4x8x1024xf32, #tpu.memory_space<vmem>> -> memref<1x8x1024xf32, #tpu.memory_space<vmem>>
      %dma_wait3A_475 = tpu.memref_squeeze %dma_wait3A_474 : memref<1x8x1024xf32, #tpu.memory_space<vmem>> -> memref<8x1024xf32, #tpu.memory_space<vmem>>
      %dma_wait3A_476 = arith.constant 0 : i32
      %dma_wait3A_477 = tpu.memref_slice %arg2[%add3A_470, %dma_wait3A_476] : memref<8192x1024xf32, #tpu.memory_space<hbm>> -> memref<8x1024xf32, #tpu.memory_space<hbm>>
      %dma_wait3A_478 = arith.constant 0 : i32
      %dma_wait3A_479 = arith.constant 0 : i32
      %dma_wait3A_480 = tpu.memref_slice %arg5[%dma_wait3A_471, %dma_wait3A_478, %dma_wait3A_479] : memref<4x8x1024xf32, #tpu.memory_space<vmem>> -> memref<1x8x1024xf32, #tpu.memory_space<vmem>>
      %dma_wait3A_481 = tpu.memref_squeeze %dma_wait3A_480 : memref<1x8x1024xf32, #tpu.memory_space<vmem>> -> memref<8x1024xf32, #tpu.memory_space<vmem>>
      %dma_wait3A_482 = arith.constant 0 : i32
      %dma_wait3A_483 = tpu.memref_slice %arg2[%add3A_470, %dma_wait3A_482] : memref<8192x1024xf32, #tpu.memory_space<hbm>> -> memref<8x1024xf32, #tpu.memory_space<hbm>>
      tpu.wait_dma2 semaphore(%arg9 : memref<!tpu.dma_semaphore, #tpu.memory_space<semaphore_mem>>) src(%dma_wait3A_483 : memref<8x1024xf32, #tpu.memory_space<hbm>>) dst(%dma_wait3A_481 : memref<8x1024xf32, #tpu.memory_space<vmem>>)
      %dma_wait3A_484 = arith.constant 2 : i32
      %dma_wait3A_485 = arith.constant 0 : i32
      %dma_wait3A_486 = arith.constant 0 : i32
      %dma_wait3A_487 = tpu.memref_slice %arg6[%dma_wait3A_484, %dma_wait3A_485, %dma_wait3A_486] : memref<4x8x1024xf32, #tpu.memory_space<vmem>> -> memref<1x8x1024xf32, #tpu.memory_space<vmem>>
      %dma_wait3A_488 = tpu.memref_squeeze %dma_wait3A_487 : memref<1x8x1024xf32, #tpu.memory_space<vmem>> -> memref<8x1024xf32, #tpu.memory_space<vmem>>
      %dma_wait3A_489 = arith.constant 0 : i32
      %dma_wait3A_490 = tpu.memref_slice %arg3[%add3A_470, %dma_wait3A_489] : memref<8192x1024xf32, #tpu.memory_space<hbm>> -> memref<8x1024xf32, #tpu.memory_space<hbm>>
      %dma_wait3A_491 = arith.constant 0 : i32
      %dma_wait3A_492 = arith.constant 0 : i32
      %dma_wait3A_493 = tpu.memref_slice %arg6[%dma_wait3A_484, %dma_wait3A_491, %dma_wait3A_492] : memref<4x8x1024xf32, #tpu.memory_space<vmem>> -> memref<1x8x1024xf32, #tpu.memory_space<vmem>>
      %dma_wait3A_494 = tpu.memref_squeeze %dma_wait3A_493 : memref<1x8x1024xf32, #tpu.memory_space<vmem>> -> memref<8x1024xf32, #tpu.memory_space<vmem>>
      %dma_wait3A_495 = arith.constant 0 : i32
      %dma_wait3A_496 = tpu.memref_slice %arg3[%add3A_470, %dma_wait3A_495] : memref<8192x1024xf32, #tpu.memory_space<hbm>> -> memref<8x1024xf32, #tpu.memory_space<hbm>>
      tpu.wait_dma2 semaphore(%arg13 : memref<!tpu.dma_semaphore, #tpu.memory_space<semaphore_mem>>) src(%dma_wait3A_496 : memref<8x1024xf32, #tpu.memory_space<hbm>>) dst(%dma_wait3A_494 : memref<8x1024xf32, #tpu.memory_space<vmem>>)
      %parallel_loop3A_497 = arith.constant 0 : i32
      %parallel_loop3A_498 = arith.constant 1024 : i32
      %parallel_loop3A_499 = arith.constant 16 : i32
      scf.for %parallel_loop3A_769 = %parallel_loop3A_497 to %parallel_loop3A_498 step %parallel_loop3A_499  : i32 {
        %parallel_loop3A_770 = arith.constant 2 : i32
        %parallel_loop3A_771 = arith.constant 0 : i32
        %parallel_loop3A_772 = arith.index_cast %parallel_loop3A_770 : i32 to index
        %parallel_loop3A_773 = arith.index_cast %parallel_loop3A_771 : i32 to index
        %parallel_loop3A_774 = arith.index_cast %parallel_loop3A_769 : i32 to index
        %parallel_loop3A_775 = tpu.vector_load %arg6[%parallel_loop3A_772, %parallel_loop3A_773, %parallel_loop3A_774] {strides = array<i32>} : memref<4x8x1024xf32, #tpu.memory_space<vmem>>, vector<1x1x16xf32>,
        %parallel_loop3A_776 = vector.shape_cast %parallel_loop3A_775 : vector<1x1x16xf32> to vector<16xf32>
        %parallel_loop3A_777 = arith.constant 2 : i32
        %parallel_loop3A_778 = arith.constant 0 : i32
        %parallel_loop3A_779 = arith.index_cast %parallel_loop3A_777 : i32 to index
        %parallel_loop3A_780 = arith.index_cast %parallel_loop3A_778 : i32 to index
        %parallel_loop3A_781 = arith.index_cast %parallel_loop3A_769 : i32 to index
        %parallel_loop3A_782 = tpu.vector_load %arg5[%parallel_loop3A_779, %parallel_loop3A_780, %parallel_loop3A_781] {strides = array<i32>} : memref<4x8x1024xf32, #tpu.memory_space<vmem>>, vector<1x1x16xf32>,
        %parallel_loop3A_783 = vector.shape_cast %parallel_loop3A_782 : vector<1x1x16xf32> to vector<16xf32>
        %parallel_loop3A_784 = vector.shape_cast %parallel_loop3A_776 : vector<16xf32> to vector<1x1x16xf32>
        tpu.vector_store %arg5[%parallel_loop3A_779, %parallel_loop3A_780, %parallel_loop3A_781], %parallel_loop3A_784 {add = true, strides = array<i32>} : memref<4x8x1024xf32, #tpu.memory_space<vmem>>, vector<1x1x16xf32>,
        %parallel_loop3A_785 = arith.constant 2 : i32
        %parallel_loop3A_786 = arith.constant 1 : i32
        %parallel_loop3A_787 = arith.index_cast %parallel_loop3A_785 : i32 to index
        %parallel_loop3A_788 = arith.index_cast %parallel_loop3A_786 : i32 to index
        %parallel_loop3A_789 = arith.index_cast %parallel_loop3A_769 : i32 to index
        %parallel_loop3A_790 = tpu.vector_load %arg6[%parallel_loop3A_787, %parallel_loop3A_788, %parallel_loop3A_789] {strides = array<i32>} : memref<4x8x1024xf32, #tpu.memory_space<vmem>>, vector<1x1x16xf32>,
        %parallel_loop3A_791 = vector.shape_cast %parallel_loop3A_790 : vector<1x1x16xf32> to vector<16xf32>
        %parallel_loop3A_792 = arith.constant 2 : i32
        %parallel_loop3A_793 = arith.constant 1 : i32
        %parallel_loop3A_794 = arith.index_cast %parallel_loop3A_792 : i32 to index
        %parallel_loop3A_795 = arith.index_cast %parallel_loop3A_793 : i32 to index
        %parallel_loop3A_796 = arith.index_cast %parallel_loop3A_769 : i32 to index
        %parallel_loop3A_797 = tpu.vector_load %arg5[%parallel_loop3A_794, %parallel_loop3A_795, %parallel_loop3A_796] {strides = array<i32>} : memref<4x8x1024xf32, #tpu.memory_space<vmem>>, vector<1x1x16xf32>,
        %parallel_loop3A_798 = vector.shape_cast %parallel_loop3A_797 : vector<1x1x16xf32> to vector<16xf32>
        %parallel_loop3A_799 = vector.shape_cast %parallel_loop3A_791 : vector<16xf32> to vector<1x1x16xf32>
        tpu.vector_store %arg5[%parallel_loop3A_794, %parallel_loop3A_795, %parallel_loop3A_796], %parallel_loop3A_799 {add = true, strides = array<i32>} : memref<4x8x1024xf32, #tpu.memory_space<vmem>>, vector<1x1x16xf32>,
        %parallel_loop3A_800 = arith.constant 2 : i32
        %parallel_loop3A_801 = arith.constant 2 : i32
        %parallel_loop3A_802 = arith.index_cast %parallel_loop3A_800 : i32 to index
        %parallel_loop3A_803 = arith.index_cast %parallel_loop3A_801 : i32 to index
        %parallel_loop3A_804 = arith.index_cast %parallel_loop3A_769 : i32 to index
        %parallel_loop3A_805 = tpu.vector_load %arg6[%parallel_loop3A_802, %parallel_loop3A_803, %parallel_loop3A_804] {strides = array<i32>} : memref<4x8x1024xf32, #tpu.memory_space<vmem>>, vector<1x1x16xf32>,
        %parallel_loop3A_806 = vector.shape_cast %parallel_loop3A_805 : vector<1x1x16xf32> to vector<16xf32>
        %parallel_loop3A_807 = arith.constant 2 : i32
        %parallel_loop3A_808 = arith.constant 2 : i32
        %parallel_loop3A_809 = arith.index_cast %parallel_loop3A_807 : i32 to index
        %parallel_loop3A_810 = arith.index_cast %parallel_loop3A_808 : i32 to index
        %parallel_loop3A_811 = arith.index_cast %parallel_loop3A_769 : i32 to index
        %parallel_loop3A_812 = tpu.vector_load %arg5[%parallel_loop3A_809, %parallel_loop3A_810, %parallel_loop3A_811] {strides = array<i32>} : memref<4x8x1024xf32, #tpu.memory_space<vmem>>, vector<1x1x16xf32>,
        %parallel_loop3A_813 = vector.shape_cast %parallel_loop3A_812 : vector<1x1x16xf32> to vector<16xf32>
        %parallel_loop3A_814 = vector.shape_cast %parallel_loop3A_806 : vector<16xf32> to vector<1x1x16xf32>
        tpu.vector_store %arg5[%parallel_loop3A_809, %parallel_loop3A_810, %parallel_loop3A_811], %parallel_loop3A_814 {add = true, strides = array<i32>} : memref<4x8x1024xf32, #tpu.memory_space<vmem>>, vector<1x1x16xf32>,
        %parallel_loop3A_815 = arith.constant 2 : i32
        %parallel_loop3A_816 = arith.constant 3 : i32
        %parallel_loop3A_817 = arith.index_cast %parallel_loop3A_815 : i32 to index
        %parallel_loop3A_818 = arith.index_cast %parallel_loop3A_816 : i32 to index
        %parallel_loop3A_819 = arith.index_cast %parallel_loop3A_769 : i32 to index
        %parallel_loop3A_820 = tpu.vector_load %arg6[%parallel_loop3A_817, %parallel_loop3A_818, %parallel_loop3A_819] {strides = array<i32>} : memref<4x8x1024xf32, #tpu.memory_space<vmem>>, vector<1x1x16xf32>,
        %parallel_loop3A_821 = vector.shape_cast %parallel_loop3A_820 : vector<1x1x16xf32> to vector<16xf32>
        %parallel_loop3A_822 = arith.constant 2 : i32
        %parallel_loop3A_823 = arith.constant 3 : i32
        %parallel_loop3A_824 = arith.index_cast %parallel_loop3A_822 : i32 to index
        %parallel_loop3A_825 = arith.index_cast %parallel_loop3A_823 : i32 to index
        %parallel_loop3A_826 = arith.index_cast %parallel_loop3A_769 : i32 to index
        %parallel_loop3A_827 = tpu.vector_load %arg5[%parallel_loop3A_824, %parallel_loop3A_825, %parallel_loop3A_826] {strides = array<i32>} : memref<4x8x1024xf32, #tpu.memory_space<vmem>>, vector<1x1x16xf32>,
        %parallel_loop3A_828 = vector.shape_cast %parallel_loop3A_827 : vector<1x1x16xf32> to vector<16xf32>
        %parallel_loop3A_829 = vector.shape_cast %parallel_loop3A_821 : vector<16xf32> to vector<1x1x16xf32>
        tpu.vector_store %arg5[%parallel_loop3A_824, %parallel_loop3A_825, %parallel_loop3A_826], %parallel_loop3A_829 {add = true, strides = array<i32>} : memref<4x8x1024xf32, #tpu.memory_space<vmem>>, vector<1x1x16xf32>,
        %parallel_loop3A_830 = arith.constant 2 : i32
        %parallel_loop3A_831 = arith.constant 4 : i32
        %parallel_loop3A_832 = arith.index_cast %parallel_loop3A_830 : i32 to index
        %parallel_loop3A_833 = arith.index_cast %parallel_loop3A_831 : i32 to index
        %parallel_loop3A_834 = arith.index_cast %parallel_loop3A_769 : i32 to index
        %parallel_loop3A_835 = tpu.vector_load %arg6[%parallel_loop3A_832, %parallel_loop3A_833, %parallel_loop3A_834] {strides = array<i32>} : memref<4x8x1024xf32, #tpu.memory_space<vmem>>, vector<1x1x16xf32>,
        %parallel_loop3A_836 = vector.shape_cast %parallel_loop3A_835 : vector<1x1x16xf32> to vector<16xf32>
        %parallel_loop3A_837 = arith.constant 2 : i32
        %parallel_loop3A_838 = arith.constant 4 : i32
        %parallel_loop3A_839 = arith.index_cast %parallel_loop3A_837 : i32 to index
        %parallel_loop3A_840 = arith.index_cast %parallel_loop3A_838 : i32 to index
        %parallel_loop3A_841 = arith.index_cast %parallel_loop3A_769 : i32 to index
        %parallel_loop3A_842 = tpu.vector_load %arg5[%parallel_loop3A_839, %parallel_loop3A_840, %parallel_loop3A_841] {strides = array<i32>} : memref<4x8x1024xf32, #tpu.memory_space<vmem>>, vector<1x1x16xf32>,
        %parallel_loop3A_843 = vector.shape_cast %parallel_loop3A_842 : vector<1x1x16xf32> to vector<16xf32>
        %parallel_loop3A_844 = vector.shape_cast %parallel_loop3A_836 : vector<16xf32> to vector<1x1x16xf32>
        tpu.vector_store %arg5[%parallel_loop3A_839, %parallel_loop3A_840, %parallel_loop3A_841], %parallel_loop3A_844 {add = true, strides = array<i32>} : memref<4x8x1024xf32, #tpu.memory_space<vmem>>, vector<1x1x16xf32>,
        %parallel_loop3A_845 = arith.constant 2 : i32
        %parallel_loop3A_846 = arith.constant 5 : i32
        %parallel_loop3A_847 = arith.index_cast %parallel_loop3A_845 : i32 to index
        %parallel_loop3A_848 = arith.index_cast %parallel_loop3A_846 : i32 to index
        %parallel_loop3A_849 = arith.index_cast %parallel_loop3A_769 : i32 to index
        %parallel_loop3A_850 = tpu.vector_load %arg6[%parallel_loop3A_847, %parallel_loop3A_848, %parallel_loop3A_849] {strides = array<i32>} : memref<4x8x1024xf32, #tpu.memory_space<vmem>>, vector<1x1x16xf32>,
        %parallel_loop3A_851 = vector.shape_cast %parallel_loop3A_850 : vector<1x1x16xf32> to vector<16xf32>
        %parallel_loop3A_852 = arith.constant 2 : i32
        %parallel_loop3A_853 = arith.constant 5 : i32
        %parallel_loop3A_854 = arith.index_cast %parallel_loop3A_852 : i32 to index
        %parallel_loop3A_855 = arith.index_cast %parallel_loop3A_853 : i32 to index
        %parallel_loop3A_856 = arith.index_cast %parallel_loop3A_769 : i32 to index
        %parallel_loop3A_857 = tpu.vector_load %arg5[%parallel_loop3A_854, %parallel_loop3A_855, %parallel_loop3A_856] {strides = array<i32>} : memref<4x8x1024xf32, #tpu.memory_space<vmem>>, vector<1x1x16xf32>,
        %parallel_loop3A_858 = vector.shape_cast %parallel_loop3A_857 : vector<1x1x16xf32> to vector<16xf32>
        %parallel_loop3A_859 = vector.shape_cast %parallel_loop3A_851 : vector<16xf32> to vector<1x1x16xf32>
        tpu.vector_store %arg5[%parallel_loop3A_854, %parallel_loop3A_855, %parallel_loop3A_856], %parallel_loop3A_859 {add = true, strides = array<i32>} : memref<4x8x1024xf32, #tpu.memory_space<vmem>>, vector<1x1x16xf32>,
        %parallel_loop3A_860 = arith.constant 2 : i32
        %parallel_loop3A_861 = arith.constant 6 : i32
        %parallel_loop3A_862 = arith.index_cast %parallel_loop3A_860 : i32 to index
        %parallel_loop3A_863 = arith.index_cast %parallel_loop3A_861 : i32 to index
        %parallel_loop3A_864 = arith.index_cast %parallel_loop3A_769 : i32 to index
        %parallel_loop3A_865 = tpu.vector_load %arg6[%parallel_loop3A_862, %parallel_loop3A_863, %parallel_loop3A_864] {strides = array<i32>} : memref<4x8x1024xf32, #tpu.memory_space<vmem>>, vector<1x1x16xf32>,
        %parallel_loop3A_866 = vector.shape_cast %parallel_loop3A_865 : vector<1x1x16xf32> to vector<16xf32>
        %parallel_loop3A_867 = arith.constant 2 : i32
        %parallel_loop3A_868 = arith.constant 6 : i32
        %parallel_loop3A_869 = arith.index_cast %parallel_loop3A_867 : i32 to index
        %parallel_loop3A_870 = arith.index_cast %parallel_loop3A_868 : i32 to index
        %parallel_loop3A_871 = arith.index_cast %parallel_loop3A_769 : i32 to index
        %parallel_loop3A_872 = tpu.vector_load %arg5[%parallel_loop3A_869, %parallel_loop3A_870, %parallel_loop3A_871] {strides = array<i32>} : memref<4x8x1024xf32, #tpu.memory_space<vmem>>, vector<1x1x16xf32>,
        %parallel_loop3A_873 = vector.shape_cast %parallel_loop3A_872 : vector<1x1x16xf32> to vector<16xf32>
        %parallel_loop3A_874 = vector.shape_cast %parallel_loop3A_866 : vector<16xf32> to vector<1x1x16xf32>
        tpu.vector_store %arg5[%parallel_loop3A_869, %parallel_loop3A_870, %parallel_loop3A_871], %parallel_loop3A_874 {add = true, strides = array<i32>} : memref<4x8x1024xf32, #tpu.memory_space<vmem>>, vector<1x1x16xf32>,
        %parallel_loop3A_875 = arith.constant 2 : i32
        %parallel_loop3A_876 = arith.constant 7 : i32
        %parallel_loop3A_877 = arith.index_cast %parallel_loop3A_875 : i32 to index
        %parallel_loop3A_878 = arith.index_cast %parallel_loop3A_876 : i32 to index
        %parallel_loop3A_879 = arith.index_cast %parallel_loop3A_769 : i32 to index
        %parallel_loop3A_880 = tpu.vector_load %arg6[%parallel_loop3A_877, %parallel_loop3A_878, %parallel_loop3A_879] {strides = array<i32>} : memref<4x8x1024xf32, #tpu.memory_space<vmem>>, vector<1x1x16xf32>,
        %parallel_loop3A_881 = vector.shape_cast %parallel_loop3A_880 : vector<1x1x16xf32> to vector<16xf32>
        %parallel_loop3A_882 = arith.constant 2 : i32
        %parallel_loop3A_883 = arith.constant 7 : i32
        %parallel_loop3A_884 = arith.index_cast %parallel_loop3A_882 : i32 to index
        %parallel_loop3A_885 = arith.index_cast %parallel_loop3A_883 : i32 to index
        %parallel_loop3A_886 = arith.index_cast %parallel_loop3A_769 : i32 to index
        %parallel_loop3A_887 = tpu.vector_load %arg5[%parallel_loop3A_884, %parallel_loop3A_885, %parallel_loop3A_886] {strides = array<i32>} : memref<4x8x1024xf32, #tpu.memory_space<vmem>>, vector<1x1x16xf32>,
        %parallel_loop3A_888 = vector.shape_cast %parallel_loop3A_887 : vector<1x1x16xf32> to vector<16xf32>
        %parallel_loop3A_889 = vector.shape_cast %parallel_loop3A_881 : vector<16xf32> to vector<1x1x16xf32>
        tpu.vector_store %arg5[%parallel_loop3A_884, %parallel_loop3A_885, %parallel_loop3A_886], %parallel_loop3A_889 {add = true, strides = array<i32>} : memref<4x8x1024xf32, #tpu.memory_space<vmem>>, vector<1x1x16xf32>,
      } {sc.loop_unroll_factor = 1 : i64, sc.parallel_access}
      %mul3A_500 = arith.constant 8 : i32
      %mul3A_501 = arith.muli %add3A_467, %mul3A_500 : i32
      %add3A_502 = arith.addi %mul3A_2, %mul3A_501 : i32
      %dma_start3A_503 = arith.constant 2 : i32
      %dma_start3A_504 = arith.constant 0 : i32
      %dma_start3A_505 = arith.constant 0 : i32
      %dma_start3A_506 = tpu.memref_slice %arg5[%dma_start3A_503, %dma_start3A_504, %dma_start3A_505] : memref<4x8x1024xf32, #tpu.memory_space<vmem>> -> memref<1x8x1024xf32, #tpu.memory_space<vmem>>
      %dma_start3A_507 = tpu.memref_squeeze %dma_start3A_506 : memref<1x8x1024xf32, #tpu.memory_space<vmem>> -> memref<8x1024xf32, #tpu.memory_space<vmem>>
      %dma_start3A_508 = arith.constant 0 : i32
      %dma_start3A_509 = tpu.memref_slice %arg4[%add3A_502, %dma_start3A_508] : memref<8192x1024xf32, #tpu.memory_space<hbm>> -> memref<8x1024xf32, #tpu.memory_space<hbm>>
      %dma_start3A_510 = arith.constant 0 : i32
      %dma_start3A_511 = tpu.memref_slice %arg4[%add3A_502, %dma_start3A_510] : memref<8192x1024xf32, #tpu.memory_space<hbm>> -> memref<8x1024xf32, #tpu.memory_space<hbm>>
      %dma_start3A_512 = arith.constant 0 : i32
      %dma_start3A_513 = arith.constant 0 : i32
      %dma_start3A_514 = tpu.memref_slice %arg5[%dma_start3A_503, %dma_start3A_512, %dma_start3A_513] : memref<4x8x1024xf32, #tpu.memory_space<vmem>> -> memref<1x8x1024xf32, #tpu.memory_space<vmem>>
      %dma_start3A_515 = tpu.memref_squeeze %dma_start3A_514 : memref<1x8x1024xf32, #tpu.memory_space<vmem>> -> memref<8x1024xf32, #tpu.memory_space<vmem>>
      tpu.enqueue_dma source(%dma_start3A_515 : memref<8x1024xf32, #tpu.memory_space<vmem>>) target(%dma_start3A_511 : memref<8x1024xf32, #tpu.memory_space<hbm>>) target_semaphore(%arg17 : memref<!tpu.dma_semaphore, #tpu.memory_space<semaphore_mem>>)
      %sub3A_516 = arith.constant 1 : i32
      %sub3A_517 = arith.subi %add3A_467, %sub3A_516 : i32
      %mul3A_518 = arith.constant 8 : i32
      %mul3A_519 = arith.muli %sub3A_517, %mul3A_518 : i32
      %add3A_520 = arith.addi %mul3A_2, %mul3A_519 : i32
      %dma_wait3A_521 = arith.constant 1 : i32
      %dma_wait3A_522 = arith.constant 0 : i32
      %dma_wait3A_523 = arith.constant 0 : i32
      %dma_wait3A_524 = tpu.memref_slice %arg5[%dma_wait3A_521, %dma_wait3A_522, %dma_wait3A_523] : memref<4x8x1024xf32, #tpu.memory_space<vmem>> -> memref<1x8x1024xf32, #tpu.memory_space<vmem>>
      %dma_wait3A_525 = tpu.memref_squeeze %dma_wait3A_524 : memref<1x8x1024xf32, #tpu.memory_space<vmem>> -> memref<8x1024xf32, #tpu.memory_space<vmem>>
      %dma_wait3A_526 = arith.constant 0 : i32
      %dma_wait3A_527 = tpu.memref_slice %arg4[%add3A_520, %dma_wait3A_526] : memref<8192x1024xf32, #tpu.memory_space<hbm>> -> memref<8x1024xf32, #tpu.memory_space<hbm>>
      %dma_wait3A_528 = arith.constant 0 : i32
      %dma_wait3A_529 = tpu.memref_slice %arg4[%add3A_520, %dma_wait3A_528] : memref<8192x1024xf32, #tpu.memory_space<hbm>> -> memref<8x1024xf32, #tpu.memory_space<hbm>>
      %dma_wait3A_530 = arith.constant 0 : i32
      %dma_wait3A_531 = arith.constant 0 : i32
      %dma_wait3A_532 = tpu.memref_slice %arg5[%dma_wait3A_521, %dma_wait3A_530, %dma_wait3A_531] : memref<4x8x1024xf32, #tpu.memory_space<vmem>> -> memref<1x8x1024xf32, #tpu.memory_space<vmem>>
      %dma_wait3A_533 = tpu.memref_squeeze %dma_wait3A_532 : memref<1x8x1024xf32, #tpu.memory_space<vmem>> -> memref<8x1024xf32, #tpu.memory_space<vmem>>
      tpu.wait_dma2 semaphore(%arg16 : memref<!tpu.dma_semaphore, #tpu.memory_space<semaphore_mem>>) src(%dma_wait3A_533 : memref<8x1024xf32, #tpu.memory_space<vmem>>) dst(%dma_wait3A_529 : memref<8x1024xf32, #tpu.memory_space<hbm>>)
      %add3A_534 = arith.constant 4 : i32
      %add3A_535 = arith.addi %add3A_467, %add3A_534 : i32
      %sub3A_536 = arith.constant 1 : i32
      %sub3A_537 = arith.subi %add3A_535, %sub3A_536 : i32
      %mul3A_538 = arith.constant 8 : i32
      %mul3A_539 = arith.muli %sub3A_537, %mul3A_538 : i32
      %add3A_540 = arith.addi %mul3A_2, %mul3A_539 : i32
      %dma_start3A_541 = arith.constant 1 : i32
      %dma_start3A_542 = arith.constant 0 : i32
      %dma_start3A_543 = arith.constant 0 : i32
      %dma_start3A_544 = tpu.memref_slice %arg5[%dma_start3A_541, %dma_start3A_542, %dma_start3A_543] : memref<4x8x1024xf32, #tpu.memory_space<vmem>> -> memref<1x8x1024xf32, #tpu.memory_space<vmem>>
      %dma_start3A_545 = tpu.memref_squeeze %dma_start3A_544 : memref<1x8x1024xf32, #tpu.memory_space<vmem>> -> memref<8x1024xf32, #tpu.memory_space<vmem>>
      %dma_start3A_546 = arith.constant 0 : i32
      %dma_start3A_547 = tpu.memref_slice %arg2[%add3A_540, %dma_start3A_546] : memref<8192x1024xf32, #tpu.memory_space<hbm>> -> memref<8x1024xf32, #tpu.memory_space<hbm>>
      %dma_start3A_548 = arith.constant 0 : i32
      %dma_start3A_549 = arith.constant 0 : i32
      %dma_start3A_550 = tpu.memref_slice %arg5[%dma_start3A_541, %dma_start3A_548, %dma_start3A_549] : memref<4x8x1024xf32, #tpu.memory_space<vmem>> -> memref<1x8x1024xf32, #tpu.memory_space<vmem>>
      %dma_start3A_551 = tpu.memref_squeeze %dma_start3A_550 : memref<1x8x1024xf32, #tpu.memory_space<vmem>> -> memref<8x1024xf32, #tpu.memory_space<vmem>>
      %dma_start3A_552 = arith.constant 0 : i32
      %dma_start3A_553 = tpu.memref_slice %arg2[%add3A_540, %dma_start3A_552] : memref<8192x1024xf32, #tpu.memory_space<hbm>> -> memref<8x1024xf32, #tpu.memory_space<hbm>>
      tpu.enqueue_dma source(%dma_start3A_553 : memref<8x1024xf32, #tpu.memory_space<hbm>>) target(%dma_start3A_551 : memref<8x1024xf32, #tpu.memory_space<vmem>>) target_semaphore(%arg8 : memref<!tpu.dma_semaphore, #tpu.memory_space<semaphore_mem>>)
      %dma_start3A_554 = arith.constant 1 : i32
      %dma_start3A_555 = arith.constant 0 : i32
      %dma_start3A_556 = arith.constant 0 : i32
      %dma_start3A_557 = tpu.memref_slice %arg6[%dma_start3A_554, %dma_start3A_555, %dma_start3A_556] : memref<4x8x1024xf32, #tpu.memory_space<vmem>> -> memref<1x8x1024xf32, #tpu.memory_space<vmem>>
      %dma_start3A_558 = tpu.memref_squeeze %dma_start3A_557 : memref<1x8x1024xf32, #tpu.memory_space<vmem>> -> memref<8x1024xf32, #tpu.memory_space<vmem>>
      %dma_start3A_559 = arith.constant 0 : i32
      %dma_start3A_560 = tpu.memref_slice %arg3[%add3A_540, %dma_start3A_559] : memref<8192x1024xf32, #tpu.memory_space<hbm>> -> memref<8x1024xf32, #tpu.memory_space<hbm>>
      %dma_start3A_561 = arith.constant 0 : i32
      %dma_start3A_562 = arith.constant 0 : i32
      %dma_start3A_563 = tpu.memref_slice %arg6[%dma_start3A_554, %dma_start3A_561, %dma_start3A_562] : memref<4x8x1024xf32, #tpu.memory_space<vmem>> -> memref<1x8x1024xf32, #tpu.memory_space<vmem>>
      %dma_start3A_564 = tpu.memref_squeeze %dma_start3A_563 : memref<1x8x1024xf32, #tpu.memory_space<vmem>> -> memref<8x1024xf32, #tpu.memory_space<vmem>>
      %dma_start3A_565 = arith.constant 0 : i32
      %dma_start3A_566 = tpu.memref_slice %arg3[%add3A_540, %dma_start3A_565] : memref<8192x1024xf32, #tpu.memory_space<hbm>> -> memref<8x1024xf32, #tpu.memory_space<hbm>>
      tpu.enqueue_dma source(%dma_start3A_566 : memref<8x1024xf32, #tpu.memory_space<hbm>>) target(%dma_start3A_564 : memref<8x1024xf32, #tpu.memory_space<vmem>>) target_semaphore(%arg12 : memref<!tpu.dma_semaphore, #tpu.memory_space<semaphore_mem>>)
      %add3A_567 = arith.constant 2 : i32
      %add3A_568 = arith.addi %add3A_365, %add3A_567 : i32
      %mul3A_569 = arith.constant 8 : i32
      %mul3A_570 = arith.muli %add3A_568, %mul3A_569 : i32
      %add3A_571 = arith.addi %mul3A_2, %mul3A_570 : i32
      %dma_wait3A_572 = arith.constant 3 : i32
      %dma_wait3A_573 = arith.constant 0 : i32
      %dma_wait3A_574 = arith.constant 0 : i32
      %dma_wait3A_575 = tpu.memref_slice %arg5[%dma_wait3A_572, %dma_wait3A_573, %dma_wait3A_574] : memref<4x8x1024xf32, #tpu.memory_space<vmem>> -> memref<1x8x1024xf32, #tpu.memory_space<vmem>>
      %dma_wait3A_576 = tpu.memref_squeeze %dma_wait3A_575 : memref<1x8x1024xf32, #tpu.memory_space<vmem>> -> memref<8x1024xf32, #tpu.memory_space<vmem>>
      %dma_wait3A_577 = arith.constant 0 : i32
      %dma_wait3A_578 = tpu.memref_slice %arg2[%add3A_571, %dma_wait3A_577] : memref<8192x1024xf32, #tpu.memory_space<hbm>> -> memref<8x1024xf32, #tpu.memory_space<hbm>>
      %dma_wait3A_579 = arith.constant 0 : i32
      %dma_wait3A_580 = arith.constant 0 : i32
      %dma_wait3A_581 = tpu.memref_slice %arg5[%dma_wait3A_572, %dma_wait3A_579, %dma_wait3A_580] : memref<4x8x1024xf32, #tpu.memory_space<vmem>> -> memref<1x8x1024xf32, #tpu.memory_space<vmem>>
      %dma_wait3A_582 = tpu.memref_squeeze %dma_wait3A_581 : memref<1x8x1024xf32, #tpu.memory_space<vmem>> -> memref<8x1024xf32, #tpu.memory_space<vmem>>
      %dma_wait3A_583 = arith.constant 0 : i32
      %dma_wait3A_584 = tpu.memref_slice %arg2[%add3A_571, %dma_wait3A_583] : memref<8192x1024xf32, #tpu.memory_space<hbm>> -> memref<8x1024xf32, #tpu.memory_space<hbm>>
      tpu.wait_dma2 semaphore(%arg10 : memref<!tpu.dma_semaphore, #tpu.memory_space<semaphore_mem>>) src(%dma_wait3A_584 : memref<8x1024xf32, #tpu.memory_space<hbm>>) dst(%dma_wait3A_582 : memref<8x1024xf32, #tpu.memory_space<vmem>>)
      %dma_wait3A_585 = arith.constant 3 : i32
      %dma_wait3A_586 = arith.constant 0 : i32
      %dma_wait3A_587 = arith.constant 0 : i32
      %dma_wait3A_588 = tpu.memref_slice %arg6[%dma_wait3A_585, %dma_wait3A_586, %dma_wait3A_587] : memref<4x8x1024xf32, #tpu.memory_space<vmem>> -> memref<1x8x1024xf32, #tpu.memory_space<vmem>>
      %dma_wait3A_589 = tpu.memref_squeeze %dma_wait3A_588 : memref<1x8x1024xf32, #tpu.memory_space<vmem>> -> memref<8x1024xf32, #tpu.memory_space<vmem>>
      %dma_wait3A_590 = arith.constant 0 : i32
      %dma_wait3A_591 = tpu.memref_slice %arg3[%add3A_571, %dma_wait3A_590] : memref<8192x1024xf32, #tpu.memory_space<hbm>> -> memref<8x1024xf32, #tpu.memory_space<hbm>>
      %dma_wait3A_592 = arith.constant 0 : i32
      %dma_wait3A_593 = arith.constant 0 : i32
      %dma_wait3A_594 = tpu.memref_slice %arg6[%dma_wait3A_585, %dma_wait3A_592, %dma_wait3A_593] : memref<4x8x1024xf32, #tpu.memory_space<vmem>> -> memref<1x8x1024xf32, #tpu.memory_space<vmem>>
      %dma_wait3A_595 = tpu.memref_squeeze %dma_wait3A_594 : memref<1x8x1024xf32, #tpu.memory_space<vmem>> -> memref<8x1024xf32, #tpu.memory_space<vmem>>
      %dma_wait3A_596 = arith.constant 0 : i32
      %dma_wait3A_597 = tpu.memref_slice %arg3[%add3A_571, %dma_wait3A_596] : memref<8192x1024xf32, #tpu.memory_space<hbm>> -> memref<8x1024xf32, #tpu.memory_space<hbm>>
      tpu.wait_dma2 semaphore(%arg14 : memref<!tpu.dma_semaphore, #tpu.memory_space<semaphore_mem>>) src(%dma_wait3A_597 : memref<8x1024xf32, #tpu.memory_space<hbm>>) dst(%dma_wait3A_595 : memref<8x1024xf32, #tpu.memory_space<vmem>>)
      %parallel_loop3A_598 = arith.constant 0 : i32
      %parallel_loop3A_599 = arith.constant 1024 : i32
      %parallel_loop3A_600 = arith.constant 16 : i32
      scf.for %parallel_loop3A_769 = %parallel_loop3A_598 to %parallel_loop3A_599 step %parallel_loop3A_600  : i32 {
        %parallel_loop3A_770 = arith.constant 3 : i32
        %parallel_loop3A_771 = arith.constant 0 : i32
        %parallel_loop3A_772 = arith.index_cast %parallel_loop3A_770 : i32 to index
        %parallel_loop3A_773 = arith.index_cast %parallel_loop3A_771 : i32 to index
        %parallel_loop3A_774 = arith.index_cast %parallel_loop3A_769 : i32 to index
        %parallel_loop3A_775 = tpu.vector_load %arg6[%parallel_loop3A_772, %parallel_loop3A_773, %parallel_loop3A_774] {strides = array<i32>} : memref<4x8x1024xf32, #tpu.memory_space<vmem>>, vector<1x1x16xf32>,
        %parallel_loop3A_776 = vector.shape_cast %parallel_loop3A_775 : vector<1x1x16xf32> to vector<16xf32>
        %parallel_loop3A_777 = arith.constant 3 : i32
        %parallel_loop3A_778 = arith.constant 0 : i32
        %parallel_loop3A_779 = arith.index_cast %parallel_loop3A_777 : i32 to index
        %parallel_loop3A_780 = arith.index_cast %parallel_loop3A_778 : i32 to index
        %parallel_loop3A_781 = arith.index_cast %parallel_loop3A_769 : i32 to index
        %parallel_loop3A_782 = tpu.vector_load %arg5[%parallel_loop3A_779, %parallel_loop3A_780, %parallel_loop3A_781] {strides = array<i32>} : memref<4x8x1024xf32, #tpu.memory_space<vmem>>, vector<1x1x16xf32>,
        %parallel_loop3A_783 = vector.shape_cast %parallel_loop3A_782 : vector<1x1x16xf32> to vector<16xf32>
        %parallel_loop3A_784 = vector.shape_cast %parallel_loop3A_776 : vector<16xf32> to vector<1x1x16xf32>
        tpu.vector_store %arg5[%parallel_loop3A_779, %parallel_loop3A_780, %parallel_loop3A_781], %parallel_loop3A_784 {add = true, strides = array<i32>} : memref<4x8x1024xf32, #tpu.memory_space<vmem>>, vector<1x1x16xf32>,
        %parallel_loop3A_785 = arith.constant 3 : i32
        %parallel_loop3A_786 = arith.constant 1 : i32
        %parallel_loop3A_787 = arith.index_cast %parallel_loop3A_785 : i32 to index
        %parallel_loop3A_788 = arith.index_cast %parallel_loop3A_786 : i32 to index
        %parallel_loop3A_789 = arith.index_cast %parallel_loop3A_769 : i32 to index
        %parallel_loop3A_790 = tpu.vector_load %arg6[%parallel_loop3A_787, %parallel_loop3A_788, %parallel_loop3A_789] {strides = array<i32>} : memref<4x8x1024xf32, #tpu.memory_space<vmem>>, vector<1x1x16xf32>,
        %parallel_loop3A_791 = vector.shape_cast %parallel_loop3A_790 : vector<1x1x16xf32> to vector<16xf32>
        %parallel_loop3A_792 = arith.constant 3 : i32
        %parallel_loop3A_793 = arith.constant 1 : i32
        %parallel_loop3A_794 = arith.index_cast %parallel_loop3A_792 : i32 to index
        %parallel_loop3A_795 = arith.index_cast %parallel_loop3A_793 : i32 to index
        %parallel_loop3A_796 = arith.index_cast %parallel_loop3A_769 : i32 to index
        %parallel_loop3A_797 = tpu.vector_load %arg5[%parallel_loop3A_794, %parallel_loop3A_795, %parallel_loop3A_796] {strides = array<i32>} : memref<4x8x1024xf32, #tpu.memory_space<vmem>>, vector<1x1x16xf32>,
        %parallel_loop3A_798 = vector.shape_cast %parallel_loop3A_797 : vector<1x1x16xf32> to vector<16xf32>
        %parallel_loop3A_799 = vector.shape_cast %parallel_loop3A_791 : vector<16xf32> to vector<1x1x16xf32>
        tpu.vector_store %arg5[%parallel_loop3A_794, %parallel_loop3A_795, %parallel_loop3A_796], %parallel_loop3A_799 {add = true, strides = array<i32>} : memref<4x8x1024xf32, #tpu.memory_space<vmem>>, vector<1x1x16xf32>,
        %parallel_loop3A_800 = arith.constant 3 : i32
        %parallel_loop3A_801 = arith.constant 2 : i32
        %parallel_loop3A_802 = arith.index_cast %parallel_loop3A_800 : i32 to index
        %parallel_loop3A_803 = arith.index_cast %parallel_loop3A_801 : i32 to index
        %parallel_loop3A_804 = arith.index_cast %parallel_loop3A_769 : i32 to index
        %parallel_loop3A_805 = tpu.vector_load %arg6[%parallel_loop3A_802, %parallel_loop3A_803, %parallel_loop3A_804] {strides = array<i32>} : memref<4x8x1024xf32, #tpu.memory_space<vmem>>, vector<1x1x16xf32>,
        %parallel_loop3A_806 = vector.shape_cast %parallel_loop3A_805 : vector<1x1x16xf32> to vector<16xf32>
        %parallel_loop3A_807 = arith.constant 3 : i32
        %parallel_loop3A_808 = arith.constant 2 : i32
        %parallel_loop3A_809 = arith.index_cast %parallel_loop3A_807 : i32 to index
        %parallel_loop3A_810 = arith.index_cast %parallel_loop3A_808 : i32 to index
        %parallel_loop3A_811 = arith.index_cast %parallel_loop3A_769 : i32 to index
        %parallel_loop3A_812 = tpu.vector_load %arg5[%parallel_loop3A_809, %parallel_loop3A_810, %parallel_loop3A_811] {strides = array<i32>} : memref<4x8x1024xf32, #tpu.memory_space<vmem>>, vector<1x1x16xf32>,
        %parallel_loop3A_813 = vector.shape_cast %parallel_loop3A_812 : vector<1x1x16xf32> to vector<16xf32>
        %parallel_loop3A_814 = vector.shape_cast %parallel_loop3A_806 : vector<16xf32> to vector<1x1x16xf32>
        tpu.vector_store %arg5[%parallel_loop3A_809, %parallel_loop3A_810, %parallel_loop3A_811], %parallel_loop3A_814 {add = true, strides = array<i32>} : memref<4x8x1024xf32, #tpu.memory_space<vmem>>, vector<1x1x16xf32>,
        %parallel_loop3A_815 = arith.constant 3 : i32
        %parallel_loop3A_816 = arith.constant 3 : i32
        %parallel_loop3A_817 = arith.index_cast %parallel_loop3A_815 : i32 to index
        %parallel_loop3A_818 = arith.index_cast %parallel_loop3A_816 : i32 to index
        %parallel_loop3A_819 = arith.index_cast %parallel_loop3A_769 : i32 to index
        %parallel_loop3A_820 = tpu.vector_load %arg6[%parallel_loop3A_817, %parallel_loop3A_818, %parallel_loop3A_819] {strides = array<i32>} : memref<4x8x1024xf32, #tpu.memory_space<vmem>>, vector<1x1x16xf32>,
        %parallel_loop3A_821 = vector.shape_cast %parallel_loop3A_820 : vector<1x1x16xf32> to vector<16xf32>
        %parallel_loop3A_822 = arith.constant 3 : i32
        %parallel_loop3A_823 = arith.constant 3 : i32
        %parallel_loop3A_824 = arith.index_cast %parallel_loop3A_822 : i32 to index
        %parallel_loop3A_825 = arith.index_cast %parallel_loop3A_823 : i32 to index
        %parallel_loop3A_826 = arith.index_cast %parallel_loop3A_769 : i32 to index
        %parallel_loop3A_827 = tpu.vector_load %arg5[%parallel_loop3A_824, %parallel_loop3A_825, %parallel_loop3A_826] {strides = array<i32>} : memref<4x8x1024xf32, #tpu.memory_space<vmem>>, vector<1x1x16xf32>,
        %parallel_loop3A_828 = vector.shape_cast %parallel_loop3A_827 : vector<1x1x16xf32> to vector<16xf32>
        %parallel_loop3A_829 = vector.shape_cast %parallel_loop3A_821 : vector<16xf32> to vector<1x1x16xf32>
        tpu.vector_store %arg5[%parallel_loop3A_824, %parallel_loop3A_825, %parallel_loop3A_826], %parallel_loop3A_829 {add = true, strides = array<i32>} : memref<4x8x1024xf32, #tpu.memory_space<vmem>>, vector<1x1x16xf32>,
        %parallel_loop3A_830 = arith.constant 3 : i32
        %parallel_loop3A_831 = arith.constant 4 : i32
        %parallel_loop3A_832 = arith.index_cast %parallel_loop3A_830 : i32 to index
        %parallel_loop3A_833 = arith.index_cast %parallel_loop3A_831 : i32 to index
        %parallel_loop3A_834 = arith.index_cast %parallel_loop3A_769 : i32 to index
        %parallel_loop3A_835 = tpu.vector_load %arg6[%parallel_loop3A_832, %parallel_loop3A_833, %parallel_loop3A_834] {strides = array<i32>} : memref<4x8x1024xf32, #tpu.memory_space<vmem>>, vector<1x1x16xf32>,
        %parallel_loop3A_836 = vector.shape_cast %parallel_loop3A_835 : vector<1x1x16xf32> to vector<16xf32>
        %parallel_loop3A_837 = arith.constant 3 : i32
        %parallel_loop3A_838 = arith.constant 4 : i32
        %parallel_loop3A_839 = arith.index_cast %parallel_loop3A_837 : i32 to index
        %parallel_loop3A_840 = arith.index_cast %parallel_loop3A_838 : i32 to index
        %parallel_loop3A_841 = arith.index_cast %parallel_loop3A_769 : i32 to index
        %parallel_loop3A_842 = tpu.vector_load %arg5[%parallel_loop3A_839, %parallel_loop3A_840, %parallel_loop3A_841] {strides = array<i32>} : memref<4x8x1024xf32, #tpu.memory_space<vmem>>, vector<1x1x16xf32>,
        %parallel_loop3A_843 = vector.shape_cast %parallel_loop3A_842 : vector<1x1x16xf32> to vector<16xf32>
        %parallel_loop3A_844 = vector.shape_cast %parallel_loop3A_836 : vector<16xf32> to vector<1x1x16xf32>
        tpu.vector_store %arg5[%parallel_loop3A_839, %parallel_loop3A_840, %parallel_loop3A_841], %parallel_loop3A_844 {add = true, strides = array<i32>} : memref<4x8x1024xf32, #tpu.memory_space<vmem>>, vector<1x1x16xf32>,
        %parallel_loop3A_845 = arith.constant 3 : i32
        %parallel_loop3A_846 = arith.constant 5 : i32
        %parallel_loop3A_847 = arith.index_cast %parallel_loop3A_845 : i32 to index
        %parallel_loop3A_848 = arith.index_cast %parallel_loop3A_846 : i32 to index
        %parallel_loop3A_849 = arith.index_cast %parallel_loop3A_769 : i32 to index
        %parallel_loop3A_850 = tpu.vector_load %arg6[%parallel_loop3A_847, %parallel_loop3A_848, %parallel_loop3A_849] {strides = array<i32>} : memref<4x8x1024xf32, #tpu.memory_space<vmem>>, vector<1x1x16xf32>,
        %parallel_loop3A_851 = vector.shape_cast %parallel_loop3A_850 : vector<1x1x16xf32> to vector<16xf32>
        %parallel_loop3A_852 = arith.constant 3 : i32
        %parallel_loop3A_853 = arith.constant 5 : i32
        %parallel_loop3A_854 = arith.index_cast %parallel_loop3A_852 : i32 to index
        %parallel_loop3A_855 = arith.index_cast %parallel_loop3A_853 : i32 to index
        %parallel_loop3A_856 = arith.index_cast %parallel_loop3A_769 : i32 to index
        %parallel_loop3A_857 = tpu.vector_load %arg5[%parallel_loop3A_854, %parallel_loop3A_855, %parallel_loop3A_856] {strides = array<i32>} : memref<4x8x1024xf32, #tpu.memory_space<vmem>>, vector<1x1x16xf32>,
        %parallel_loop3A_858 = vector.shape_cast %parallel_loop3A_857 : vector<1x1x16xf32> to vector<16xf32>
        %parallel_loop3A_859 = vector.shape_cast %parallel_loop3A_851 : vector<16xf32> to vector<1x1x16xf32>
        tpu.vector_store %arg5[%parallel_loop3A_854, %parallel_loop3A_855, %parallel_loop3A_856], %parallel_loop3A_859 {add = true, strides = array<i32>} : memref<4x8x1024xf32, #tpu.memory_space<vmem>>, vector<1x1x16xf32>,
        %parallel_loop3A_860 = arith.constant 3 : i32
        %parallel_loop3A_861 = arith.constant 6 : i32
        %parallel_loop3A_862 = arith.index_cast %parallel_loop3A_860 : i32 to index
        %parallel_loop3A_863 = arith.index_cast %parallel_loop3A_861 : i32 to index
        %parallel_loop3A_864 = arith.index_cast %parallel_loop3A_769 : i32 to index
        %parallel_loop3A_865 = tpu.vector_load %arg6[%parallel_loop3A_862, %parallel_loop3A_863, %parallel_loop3A_864] {strides = array<i32>} : memref<4x8x1024xf32, #tpu.memory_space<vmem>>, vector<1x1x16xf32>,
        %parallel_loop3A_866 = vector.shape_cast %parallel_loop3A_865 : vector<1x1x16xf32> to vector<16xf32>
        %parallel_loop3A_867 = arith.constant 3 : i32
        %parallel_loop3A_868 = arith.constant 6 : i32
        %parallel_loop3A_869 = arith.index_cast %parallel_loop3A_867 : i32 to index
        %parallel_loop3A_870 = arith.index_cast %parallel_loop3A_868 : i32 to index
        %parallel_loop3A_871 = arith.index_cast %parallel_loop3A_769 : i32 to index
        %parallel_loop3A_872 = tpu.vector_load %arg5[%parallel_loop3A_869, %parallel_loop3A_870, %parallel_loop3A_871] {strides = array<i32>} : memref<4x8x1024xf32, #tpu.memory_space<vmem>>, vector<1x1x16xf32>,
        %parallel_loop3A_873 = vector.shape_cast %parallel_loop3A_872 : vector<1x1x16xf32> to vector<16xf32>
        %parallel_loop3A_874 = vector.shape_cast %parallel_loop3A_866 : vector<16xf32> to vector<1x1x16xf32>
        tpu.vector_store %arg5[%parallel_loop3A_869, %parallel_loop3A_870, %parallel_loop3A_871], %parallel_loop3A_874 {add = true, strides = array<i32>} : memref<4x8x1024xf32, #tpu.memory_space<vmem>>, vector<1x1x16xf32>,
        %parallel_loop3A_875 = arith.constant 3 : i32
        %parallel_loop3A_876 = arith.constant 7 : i32
        %parallel_loop3A_877 = arith.index_cast %parallel_loop3A_875 : i32 to index
        %parallel_loop3A_878 = arith.index_cast %parallel_loop3A_876 : i32 to index
        %parallel_loop3A_879 = arith.index_cast %parallel_loop3A_769 : i32 to index
        %parallel_loop3A_880 = tpu.vector_load %arg6[%parallel_loop3A_877, %parallel_loop3A_878, %parallel_loop3A_879] {strides = array<i32>} : memref<4x8x1024xf32, #tpu.memory_space<vmem>>, vector<1x1x16xf32>,
        %parallel_loop3A_881 = vector.shape_cast %parallel_loop3A_880 : vector<1x1x16xf32> to vector<16xf32>
        %parallel_loop3A_882 = arith.constant 3 : i32
        %parallel_loop3A_883 = arith.constant 7 : i32
        %parallel_loop3A_884 = arith.index_cast %parallel_loop3A_882 : i32 to index
        %parallel_loop3A_885 = arith.index_cast %parallel_loop3A_883 : i32 to index
        %parallel_loop3A_886 = arith.index_cast %parallel_loop3A_769 : i32 to index
        %parallel_loop3A_887 = tpu.vector_load %arg5[%parallel_loop3A_884, %parallel_loop3A_885, %parallel_loop3A_886] {strides = array<i32>} : memref<4x8x1024xf32, #tpu.memory_space<vmem>>, vector<1x1x16xf32>,
        %parallel_loop3A_888 = vector.shape_cast %parallel_loop3A_887 : vector<1x1x16xf32> to vector<16xf32>
        %parallel_loop3A_889 = vector.shape_cast %parallel_loop3A_881 : vector<16xf32> to vector<1x1x16xf32>
        tpu.vector_store %arg5[%parallel_loop3A_884, %parallel_loop3A_885, %parallel_loop3A_886], %parallel_loop3A_889 {add = true, strides = array<i32>} : memref<4x8x1024xf32, #tpu.memory_space<vmem>>, vector<1x1x16xf32>,
      } {sc.loop_unroll_factor = 1 : i64, sc.parallel_access}
      %mul3A_601 = arith.constant 8 : i32
      %mul3A_602 = arith.muli %add3A_568, %mul3A_601 : i32
      %add3A_603 = arith.addi %mul3A_2, %mul3A_602 : i32
      %dma_start3A_604 = arith.constant 3 : i32
      %dma_start3A_605 = arith.constant 0 : i32
      %dma_start3A_606 = arith.constant 0 : i32
      %dma_start3A_607 = tpu.memref_slice %arg5[%dma_start3A_604, %dma_start3A_605, %dma_start3A_606] : memref<4x8x1024xf32, #tpu.memory_space<vmem>> -> memref<1x8x1024xf32, #tpu.memory_space<vmem>>
      %dma_start3A_608 = tpu.memref_squeeze %dma_start3A_607 : memref<1x8x1024xf32, #tpu.memory_space<vmem>> -> memref<8x1024xf32, #tpu.memory_space<vmem>>
      %dma_start3A_609 = arith.constant 0 : i32
      %dma_start3A_610 = tpu.memref_slice %arg4[%add3A_603, %dma_start3A_609] : memref<8192x1024xf32, #tpu.memory_space<hbm>> -> memref<8x1024xf32, #tpu.memory_space<hbm>>
      %dma_start3A_611 = arith.constant 0 : i32
      %dma_start3A_612 = tpu.memref_slice %arg4[%add3A_603, %dma_start3A_611] : memref<8192x1024xf32, #tpu.memory_space<hbm>> -> memref<8x1024xf32, #tpu.memory_space<hbm>>
      %dma_start3A_613 = arith.constant 0 : i32
      %dma_start3A_614 = arith.constant 0 : i32
      %dma_start3A_615 = tpu.memref_slice %arg5[%dma_start3A_604, %dma_start3A_613, %dma_start3A_614] : memref<4x8x1024xf32, #tpu.memory_space<vmem>> -> memref<1x8x1024xf32, #tpu.memory_space<vmem>>
      %dma_start3A_616 = tpu.memref_squeeze %dma_start3A_615 : memref<1x8x1024xf32, #tpu.memory_space<vmem>> -> memref<8x1024xf32, #tpu.memory_space<vmem>>
      tpu.enqueue_dma source(%dma_start3A_616 : memref<8x1024xf32, #tpu.memory_space<vmem>>) target(%dma_start3A_612 : memref<8x1024xf32, #tpu.memory_space<hbm>>) target_semaphore(%arg18 : memref<!tpu.dma_semaphore, #tpu.memory_space<semaphore_mem>>)
      %sub3A_617 = arith.constant 1 : i32
      %sub3A_618 = arith.subi %add3A_568, %sub3A_617 : i32
      %mul3A_619 = arith.constant 8 : i32
      %mul3A_620 = arith.muli %sub3A_618, %mul3A_619 : i32
      %add3A_621 = arith.addi %mul3A_2, %mul3A_620 : i32
      %dma_wait3A_622 = arith.constant 2 : i32
      %dma_wait3A_623 = arith.constant 0 : i32
      %dma_wait3A_624 = arith.constant 0 : i32
      %dma_wait3A_625 = tpu.memref_slice %arg5[%dma_wait3A_622, %dma_wait3A_623, %dma_wait3A_624] : memref<4x8x1024xf32, #tpu.memory_space<vmem>> -> memref<1x8x1024xf32, #tpu.memory_space<vmem>>
      %dma_wait3A_626 = tpu.memref_squeeze %dma_wait3A_625 : memref<1x8x1024xf32, #tpu.memory_space<vmem>> -> memref<8x1024xf32, #tpu.memory_space<vmem>>
      %dma_wait3A_627 = arith.constant 0 : i32
      %dma_wait3A_628 = tpu.memref_slice %arg4[%add3A_621, %dma_wait3A_627] : memref<8192x1024xf32, #tpu.memory_space<hbm>> -> memref<8x1024xf32, #tpu.memory_space<hbm>>
      %dma_wait3A_629 = arith.constant 0 : i32
      %dma_wait3A_630 = tpu.memref_slice %arg4[%add3A_621, %dma_wait3A_629] : memref<8192x1024xf32, #tpu.memory_space<hbm>> -> memref<8x1024xf32, #tpu.memory_space<hbm>>
      %dma_wait3A_631 = arith.constant 0 : i32
      %dma_wait3A_632 = arith.constant 0 : i32
      %dma_wait3A_633 = tpu.memref_slice %arg5[%dma_wait3A_622, %dma_wait3A_631, %dma_wait3A_632] : memref<4x8x1024xf32, #tpu.memory_space<vmem>> -> memref<1x8x1024xf32, #tpu.memory_space<vmem>>
      %dma_wait3A_634 = tpu.memref_squeeze %dma_wait3A_633 : memref<1x8x1024xf32, #tpu.memory_space<vmem>> -> memref<8x1024xf32, #tpu.memory_space<vmem>>
      tpu.wait_dma2 semaphore(%arg17 : memref<!tpu.dma_semaphore, #tpu.memory_space<semaphore_mem>>) src(%dma_wait3A_634 : memref<8x1024xf32, #tpu.memory_space<vmem>>) dst(%dma_wait3A_630 : memref<8x1024xf32, #tpu.memory_space<hbm>>)
      %add3A_635 = arith.constant 4 : i32
      %add3A_636 = arith.addi %add3A_568, %add3A_635 : i32
      %sub3A_637 = arith.constant 1 : i32
      %sub3A_638 = arith.subi %add3A_636, %sub3A_637 : i32
      %mul3A_639 = arith.constant 8 : i32
      %mul3A_640 = arith.muli %sub3A_638, %mul3A_639 : i32
      %add3A_641 = arith.addi %mul3A_2, %mul3A_640 : i32
      %dma_start3A_642 = arith.constant 2 : i32
      %dma_start3A_643 = arith.constant 0 : i32
      %dma_start3A_644 = arith.constant 0 : i32
      %dma_start3A_645 = tpu.memref_slice %arg5[%dma_start3A_642, %dma_start3A_643, %dma_start3A_644] : memref<4x8x1024xf32, #tpu.memory_space<vmem>> -> memref<1x8x1024xf32, #tpu.memory_space<vmem>>
      %dma_start3A_646 = tpu.memref_squeeze %dma_start3A_645 : memref<1x8x1024xf32, #tpu.memory_space<vmem>> -> memref<8x1024xf32, #tpu.memory_space<vmem>>
      %dma_start3A_647 = arith.constant 0 : i32
      %dma_start3A_648 = tpu.memref_slice %arg2[%add3A_641, %dma_start3A_647] : memref<8192x1024xf32, #tpu.memory_space<hbm>> -> memref<8x1024xf32, #tpu.memory_space<hbm>>
      %dma_start3A_649 = arith.constant 0 : i32
      %dma_start3A_650 = arith.constant 0 : i32
      %dma_start3A_651 = tpu.memref_slice %arg5[%dma_start3A_642, %dma_start3A_649, %dma_start3A_650] : memref<4x8x1024xf32, #tpu.memory_space<vmem>> -> memref<1x8x1024xf32, #tpu.memory_space<vmem>>
      %dma_start3A_652 = tpu.memref_squeeze %dma_start3A_651 : memref<1x8x1024xf32, #tpu.memory_space<vmem>> -> memref<8x1024xf32, #tpu.memory_space<vmem>>
      %dma_start3A_653 = arith.constant 0 : i32
      %dma_start3A_654 = tpu.memref_slice %arg2[%add3A_641, %dma_start3A_653] : memref<8192x1024xf32, #tpu.memory_space<hbm>> -> memref<8x1024xf32, #tpu.memory_space<hbm>>
      tpu.enqueue_dma source(%dma_start3A_654 : memref<8x1024xf32, #tpu.memory_space<hbm>>) target(%dma_start3A_652 : memref<8x1024xf32, #tpu.memory_space<vmem>>) target_semaphore(%arg9 : memref<!tpu.dma_semaphore, #tpu.memory_space<semaphore_mem>>)
      %dma_start3A_655 = arith.constant 2 : i32
      %dma_start3A_656 = arith.constant 0 : i32
      %dma_start3A_657 = arith.constant 0 : i32
      %dma_start3A_658 = tpu.memref_slice %arg6[%dma_start3A_655, %dma_start3A_656, %dma_start3A_657] : memref<4x8x1024xf32, #tpu.memory_space<vmem>> -> memref<1x8x1024xf32, #tpu.memory_space<vmem>>
      %dma_start3A_659 = tpu.memref_squeeze %dma_start3A_658 : memref<1x8x1024xf32, #tpu.memory_space<vmem>> -> memref<8x1024xf32, #tpu.memory_space<vmem>>
      %dma_start3A_660 = arith.constant 0 : i32
      %dma_start3A_661 = tpu.memref_slice %arg3[%add3A_641, %dma_start3A_660] : memref<8192x1024xf32, #tpu.memory_space<hbm>> -> memref<8x1024xf32, #tpu.memory_space<hbm>>
      %dma_start3A_662 = arith.constant 0 : i32
      %dma_start3A_663 = arith.constant 0 : i32
      %dma_start3A_664 = tpu.memref_slice %arg6[%dma_start3A_655, %dma_start3A_662, %dma_start3A_663] : memref<4x8x1024xf32, #tpu.memory_space<vmem>> -> memref<1x8x1024xf32, #tpu.memory_space<vmem>>
      %dma_start3A_665 = tpu.memref_squeeze %dma_start3A_664 : memref<1x8x1024xf32, #tpu.memory_space<vmem>> -> memref<8x1024xf32, #tpu.memory_space<vmem>>
      %dma_start3A_666 = arith.constant 0 : i32
      %dma_start3A_667 = tpu.memref_slice %arg3[%add3A_641, %dma_start3A_666] : memref<8192x1024xf32, #tpu.memory_space<hbm>> -> memref<8x1024xf32, #tpu.memory_space<hbm>>
      tpu.enqueue_dma source(%dma_start3A_667 : memref<8x1024xf32, #tpu.memory_space<hbm>>) target(%dma_start3A_665 : memref<8x1024xf32, #tpu.memory_space<vmem>>) target_semaphore(%arg13 : memref<!tpu.dma_semaphore, #tpu.memory_space<semaphore_mem>>)
      %add3A_668 = arith.constant 3 : i32
      %add3A_669 = arith.addi %add3A_365, %add3A_668 : i32
      %mul3A_670 = arith.constant 8 : i32
      %mul3A_671 = arith.muli %add3A_669, %mul3A_670 : i32
      %add3A_672 = arith.addi %mul3A_2, %mul3A_671 : i32
      %dma_wait3A_673 = arith.constant 0 : i32
      %dma_wait3A_674 = arith.constant 0 : i32
      %dma_wait3A_675 = arith.constant 0 : i32
      %dma_wait3A_676 = tpu.memref_slice %arg5[%dma_wait3A_673, %dma_wait3A_674, %dma_wait3A_675] : memref<4x8x1024xf32, #tpu.memory_space<vmem>> -> memref<1x8x1024xf32, #tpu.memory_space<vmem>>
      %dma_wait3A_677 = tpu.memref_squeeze %dma_wait3A_676 : memref<1x8x1024xf32, #tpu.memory_space<vmem>> -> memref<8x1024xf32, #tpu.memory_space<vmem>>
      %dma_wait3A_678 = arith.constant 0 : i32
      %dma_wait3A_679 = tpu.memref_slice %arg2[%add3A_672, %dma_wait3A_678] : memref<8192x1024xf32, #tpu.memory_space<hbm>> -> memref<8x1024xf32, #tpu.memory_space<hbm>>
      %dma_wait3A_680 = arith.constant 0 : i32
      %dma_wait3A_681 = arith.constant 0 : i32
      %dma_wait3A_682 = tpu.memref_slice %arg5[%dma_wait3A_673, %dma_wait3A_680, %dma_wait3A_681] : memref<4x8x1024xf32, #tpu.memory_space<vmem>> -> memref<1x8x1024xf32, #tpu.memory_space<vmem>>
      %dma_wait3A_683 = tpu.memref_squeeze %dma_wait3A_682 : memref<1x8x1024xf32, #tpu.memory_space<vmem>> -> memref<8x1024xf32, #tpu.memory_space<vmem>>
      %dma_wait3A_684 = arith.constant 0 : i32
      %dma_wait3A_685 = tpu.memref_slice %arg2[%add3A_672, %dma_wait3A_684] : memref<8192x1024xf32, #tpu.memory_space<hbm>> -> memref<8x1024xf32, #tpu.memory_space<hbm>>
      tpu.wait_dma2 semaphore(%arg7 : memref<!tpu.dma_semaphore, #tpu.memory_space<semaphore_mem>>) src(%dma_wait3A_685 : memref<8x1024xf32, #tpu.memory_space<hbm>>) dst(%dma_wait3A_683 : memref<8x1024xf32, #tpu.memory_space<vmem>>)
      %dma_wait3A_686 = arith.constant 0 : i32
      %dma_wait3A_687 = arith.constant 0 : i32
      %dma_wait3A_688 = arith.constant 0 : i32
      %dma_wait3A_689 = tpu.memref_slice %arg6[%dma_wait3A_686, %dma_wait3A_687, %dma_wait3A_688] : memref<4x8x1024xf32, #tpu.memory_space<vmem>> -> memref<1x8x1024xf32, #tpu.memory_space<vmem>>
      %dma_wait3A_690 = tpu.memref_squeeze %dma_wait3A_689 : memref<1x8x1024xf32, #tpu.memory_space<vmem>> -> memref<8x1024xf32, #tpu.memory_space<vmem>>
      %dma_wait3A_691 = arith.constant 0 : i32
      %dma_wait3A_692 = tpu.memref_slice %arg3[%add3A_672, %dma_wait3A_691] : memref<8192x1024xf32, #tpu.memory_space<hbm>> -> memref<8x1024xf32, #tpu.memory_space<hbm>>
      %dma_wait3A_693 = arith.constant 0 : i32
      %dma_wait3A_694 = arith.constant 0 : i32
      %dma_wait3A_695 = tpu.memref_slice %arg6[%dma_wait3A_686, %dma_wait3A_693, %dma_wait3A_694] : memref<4x8x1024xf32, #tpu.memory_space<vmem>> -> memref<1x8x1024xf32, #tpu.memory_space<vmem>>
      %dma_wait3A_696 = tpu.memref_squeeze %dma_wait3A_695 : memref<1x8x1024xf32, #tpu.memory_space<vmem>> -> memref<8x1024xf32, #tpu.memory_space<vmem>>
      %dma_wait3A_697 = arith.constant 0 : i32
      %dma_wait3A_698 = tpu.memref_slice %arg3[%add3A_672, %dma_wait3A_697] : memref<8192x1024xf32, #tpu.memory_space<hbm>> -> memref<8x1024xf32, #tpu.memory_space<hbm>>
      tpu.wait_dma2 semaphore(%arg11 : memref<!tpu.dma_semaphore, #tpu.memory_space<semaphore_mem>>) src(%dma_wait3A_698 : memref<8x1024xf32, #tpu.memory_space<hbm>>) dst(%dma_wait3A_696 : memref<8x1024xf32, #tpu.memory_space<vmem>>)
      %parallel_loop3A_699 = arith.constant 0 : i32
      %parallel_loop3A_700 = arith.constant 1024 : i32
      %parallel_loop3A_701 = arith.constant 16 : i32
      scf.for %parallel_loop3A_769 = %parallel_loop3A_699 to %parallel_loop3A_700 step %parallel_loop3A_701  : i32 {
        %parallel_loop3A_770 = arith.constant 0 : i32
        %parallel_loop3A_771 = arith.constant 0 : i32
        %parallel_loop3A_772 = arith.index_cast %parallel_loop3A_770 : i32 to index
        %parallel_loop3A_773 = arith.index_cast %parallel_loop3A_771 : i32 to index
        %parallel_loop3A_774 = arith.index_cast %parallel_loop3A_769 : i32 to index
        %parallel_loop3A_775 = tpu.vector_load %arg6[%parallel_loop3A_772, %parallel_loop3A_773, %parallel_loop3A_774] {strides = array<i32>} : memref<4x8x1024xf32, #tpu.memory_space<vmem>>, vector<1x1x16xf32>,
        %parallel_loop3A_776 = vector.shape_cast %parallel_loop3A_775 : vector<1x1x16xf32> to vector<16xf32>
        %parallel_loop3A_777 = arith.constant 0 : i32
        %parallel_loop3A_778 = arith.constant 0 : i32
        %parallel_loop3A_779 = arith.index_cast %parallel_loop3A_777 : i32 to index
        %parallel_loop3A_780 = arith.index_cast %parallel_loop3A_778 : i32 to index
        %parallel_loop3A_781 = arith.index_cast %parallel_loop3A_769 : i32 to index
        %parallel_loop3A_782 = tpu.vector_load %arg5[%parallel_loop3A_779, %parallel_loop3A_780, %parallel_loop3A_781] {strides = array<i32>} : memref<4x8x1024xf32, #tpu.memory_space<vmem>>, vector<1x1x16xf32>,
        %parallel_loop3A_783 = vector.shape_cast %parallel_loop3A_782 : vector<1x1x16xf32> to vector<16xf32>
        %parallel_loop3A_784 = vector.shape_cast %parallel_loop3A_776 : vector<16xf32> to vector<1x1x16xf32>
        tpu.vector_store %arg5[%parallel_loop3A_779, %parallel_loop3A_780, %parallel_loop3A_781], %parallel_loop3A_784 {add = true, strides = array<i32>} : memref<4x8x1024xf32, #tpu.memory_space<vmem>>, vector<1x1x16xf32>,
        %parallel_loop3A_785 = arith.constant 0 : i32
        %parallel_loop3A_786 = arith.constant 1 : i32
        %parallel_loop3A_787 = arith.index_cast %parallel_loop3A_785 : i32 to index
        %parallel_loop3A_788 = arith.index_cast %parallel_loop3A_786 : i32 to index
        %parallel_loop3A_789 = arith.index_cast %parallel_loop3A_769 : i32 to index
        %parallel_loop3A_790 = tpu.vector_load %arg6[%parallel_loop3A_787, %parallel_loop3A_788, %parallel_loop3A_789] {strides = array<i32>} : memref<4x8x1024xf32, #tpu.memory_space<vmem>>, vector<1x1x16xf32>,
        %parallel_loop3A_791 = vector.shape_cast %parallel_loop3A_790 : vector<1x1x16xf32> to vector<16xf32>
        %parallel_loop3A_792 = arith.constant 0 : i32
        %parallel_loop3A_793 = arith.constant 1 : i32
        %parallel_loop3A_794 = arith.index_cast %parallel_loop3A_792 : i32 to index
        %parallel_loop3A_795 = arith.index_cast %parallel_loop3A_793 : i32 to index
        %parallel_loop3A_796 = arith.index_cast %parallel_loop3A_769 : i32 to index
        %parallel_loop3A_797 = tpu.vector_load %arg5[%parallel_loop3A_794, %parallel_loop3A_795, %parallel_loop3A_796] {strides = array<i32>} : memref<4x8x1024xf32, #tpu.memory_space<vmem>>, vector<1x1x16xf32>,
        %parallel_loop3A_798 = vector.shape_cast %parallel_loop3A_797 : vector<1x1x16xf32> to vector<16xf32>
        %parallel_loop3A_799 = vector.shape_cast %parallel_loop3A_791 : vector<16xf32> to vector<1x1x16xf32>
        tpu.vector_store %arg5[%parallel_loop3A_794, %parallel_loop3A_795, %parallel_loop3A_796], %parallel_loop3A_799 {add = true, strides = array<i32>} : memref<4x8x1024xf32, #tpu.memory_space<vmem>>, vector<1x1x16xf32>,
        %parallel_loop3A_800 = arith.constant 0 : i32
        %parallel_loop3A_801 = arith.constant 2 : i32
        %parallel_loop3A_802 = arith.index_cast %parallel_loop3A_800 : i32 to index
        %parallel_loop3A_803 = arith.index_cast %parallel_loop3A_801 : i32 to index
        %parallel_loop3A_804 = arith.index_cast %parallel_loop3A_769 : i32 to index
        %parallel_loop3A_805 = tpu.vector_load %arg6[%parallel_loop3A_802, %parallel_loop3A_803, %parallel_loop3A_804] {strides = array<i32>} : memref<4x8x1024xf32, #tpu.memory_space<vmem>>, vector<1x1x16xf32>,
        %parallel_loop3A_806 = vector.shape_cast %parallel_loop3A_805 : vector<1x1x16xf32> to vector<16xf32>
        %parallel_loop3A_807 = arith.constant 0 : i32
        %parallel_loop3A_808 = arith.constant 2 : i32
        %parallel_loop3A_809 = arith.index_cast %parallel_loop3A_807 : i32 to index
        %parallel_loop3A_810 = arith.index_cast %parallel_loop3A_808 : i32 to index
        %parallel_loop3A_811 = arith.index_cast %parallel_loop3A_769 : i32 to index
        %parallel_loop3A_812 = tpu.vector_load %arg5[%parallel_loop3A_809, %parallel_loop3A_810, %parallel_loop3A_811] {strides = array<i32>} : memref<4x8x1024xf32, #tpu.memory_space<vmem>>, vector<1x1x16xf32>,
        %parallel_loop3A_813 = vector.shape_cast %parallel_loop3A_812 : vector<1x1x16xf32> to vector<16xf32>
        %parallel_loop3A_814 = vector.shape_cast %parallel_loop3A_806 : vector<16xf32> to vector<1x1x16xf32>
        tpu.vector_store %arg5[%parallel_loop3A_809, %parallel_loop3A_810, %parallel_loop3A_811], %parallel_loop3A_814 {add = true, strides = array<i32>} : memref<4x8x1024xf32, #tpu.memory_space<vmem>>, vector<1x1x16xf32>,
        %parallel_loop3A_815 = arith.constant 0 : i32
        %parallel_loop3A_816 = arith.constant 3 : i32
        %parallel_loop3A_817 = arith.index_cast %parallel_loop3A_815 : i32 to index
        %parallel_loop3A_818 = arith.index_cast %parallel_loop3A_816 : i32 to index
        %parallel_loop3A_819 = arith.index_cast %parallel_loop3A_769 : i32 to index
        %parallel_loop3A_820 = tpu.vector_load %arg6[%parallel_loop3A_817, %parallel_loop3A_818, %parallel_loop3A_819] {strides = array<i32>} : memref<4x8x1024xf32, #tpu.memory_space<vmem>>, vector<1x1x16xf32>,
        %parallel_loop3A_821 = vector.shape_cast %parallel_loop3A_820 : vector<1x1x16xf32> to vector<16xf32>
        %parallel_loop3A_822 = arith.constant 0 : i32
        %parallel_loop3A_823 = arith.constant 3 : i32
        %parallel_loop3A_824 = arith.index_cast %parallel_loop3A_822 : i32 to index
        %parallel_loop3A_825 = arith.index_cast %parallel_loop3A_823 : i32 to index
        %parallel_loop3A_826 = arith.index_cast %parallel_loop3A_769 : i32 to index
        %parallel_loop3A_827 = tpu.vector_load %arg5[%parallel_loop3A_824, %parallel_loop3A_825, %parallel_loop3A_826] {strides = array<i32>} : memref<4x8x1024xf32, #tpu.memory_space<vmem>>, vector<1x1x16xf32>,
        %parallel_loop3A_828 = vector.shape_cast %parallel_loop3A_827 : vector<1x1x16xf32> to vector<16xf32>
        %parallel_loop3A_829 = vector.shape_cast %parallel_loop3A_821 : vector<16xf32> to vector<1x1x16xf32>
        tpu.vector_store %arg5[%parallel_loop3A_824, %parallel_loop3A_825, %parallel_loop3A_826], %parallel_loop3A_829 {add = true, strides = array<i32>} : memref<4x8x1024xf32, #tpu.memory_space<vmem>>, vector<1x1x16xf32>,
        %parallel_loop3A_830 = arith.constant 0 : i32
        %parallel_loop3A_831 = arith.constant 4 : i32
        %parallel_loop3A_832 = arith.index_cast %parallel_loop3A_830 : i32 to index
        %parallel_loop3A_833 = arith.index_cast %parallel_loop3A_831 : i32 to index
        %parallel_loop3A_834 = arith.index_cast %parallel_loop3A_769 : i32 to index
        %parallel_loop3A_835 = tpu.vector_load %arg6[%parallel_loop3A_832, %parallel_loop3A_833, %parallel_loop3A_834] {strides = array<i32>} : memref<4x8x1024xf32, #tpu.memory_space<vmem>>, vector<1x1x16xf32>,
        %parallel_loop3A_836 = vector.shape_cast %parallel_loop3A_835 : vector<1x1x16xf32> to vector<16xf32>
        %parallel_loop3A_837 = arith.constant 0 : i32
        %parallel_loop3A_838 = arith.constant 4 : i32
        %parallel_loop3A_839 = arith.index_cast %parallel_loop3A_837 : i32 to index
        %parallel_loop3A_840 = arith.index_cast %parallel_loop3A_838 : i32 to index
        %parallel_loop3A_841 = arith.index_cast %parallel_loop3A_769 : i32 to index
        %parallel_loop3A_842 = tpu.vector_load %arg5[%parallel_loop3A_839, %parallel_loop3A_840, %parallel_loop3A_841] {strides = array<i32>} : memref<4x8x1024xf32, #tpu.memory_space<vmem>>, vector<1x1x16xf32>,
        %parallel_loop3A_843 = vector.shape_cast %parallel_loop3A_842 : vector<1x1x16xf32> to vector<16xf32>
        %parallel_loop3A_844 = vector.shape_cast %parallel_loop3A_836 : vector<16xf32> to vector<1x1x16xf32>
        tpu.vector_store %arg5[%parallel_loop3A_839, %parallel_loop3A_840, %parallel_loop3A_841], %parallel_loop3A_844 {add = true, strides = array<i32>} : memref<4x8x1024xf32, #tpu.memory_space<vmem>>, vector<1x1x16xf32>,
        %parallel_loop3A_845 = arith.constant 0 : i32
        %parallel_loop3A_846 = arith.constant 5 : i32
        %parallel_loop3A_847 = arith.index_cast %parallel_loop3A_845 : i32 to index
        %parallel_loop3A_848 = arith.index_cast %parallel_loop3A_846 : i32 to index
        %parallel_loop3A_849 = arith.index_cast %parallel_loop3A_769 : i32 to index
        %parallel_loop3A_850 = tpu.vector_load %arg6[%parallel_loop3A_847, %parallel_loop3A_848, %parallel_loop3A_849] {strides = array<i32>} : memref<4x8x1024xf32, #tpu.memory_space<vmem>>, vector<1x1x16xf32>,
        %parallel_loop3A_851 = vector.shape_cast %parallel_loop3A_850 : vector<1x1x16xf32> to vector<16xf32>
        %parallel_loop3A_852 = arith.constant 0 : i32
        %parallel_loop3A_853 = arith.constant 5 : i32
        %parallel_loop3A_854 = arith.index_cast %parallel_loop3A_852 : i32 to index
        %parallel_loop3A_855 = arith.index_cast %parallel_loop3A_853 : i32 to index
        %parallel_loop3A_856 = arith.index_cast %parallel_loop3A_769 : i32 to index
        %parallel_loop3A_857 = tpu.vector_load %arg5[%parallel_loop3A_854, %parallel_loop3A_855, %parallel_loop3A_856] {strides = array<i32>} : memref<4x8x1024xf32, #tpu.memory_space<vmem>>, vector<1x1x16xf32>,
        %parallel_loop3A_858 = vector.shape_cast %parallel_loop3A_857 : vector<1x1x16xf32> to vector<16xf32>
        %parallel_loop3A_859 = vector.shape_cast %parallel_loop3A_851 : vector<16xf32> to vector<1x1x16xf32>
        tpu.vector_store %arg5[%parallel_loop3A_854, %parallel_loop3A_855, %parallel_loop3A_856], %parallel_loop3A_859 {add = true, strides = array<i32>} : memref<4x8x1024xf32, #tpu.memory_space<vmem>>, vector<1x1x16xf32>,
        %parallel_loop3A_860 = arith.constant 0 : i32
        %parallel_loop3A_861 = arith.constant 6 : i32
        %parallel_loop3A_862 = arith.index_cast %parallel_loop3A_860 : i32 to index
        %parallel_loop3A_863 = arith.index_cast %parallel_loop3A_861 : i32 to index
        %parallel_loop3A_864 = arith.index_cast %parallel_loop3A_769 : i32 to index
        %parallel_loop3A_865 = tpu.vector_load %arg6[%parallel_loop3A_862, %parallel_loop3A_863, %parallel_loop3A_864] {strides = array<i32>} : memref<4x8x1024xf32, #tpu.memory_space<vmem>>, vector<1x1x16xf32>,
        %parallel_loop3A_866 = vector.shape_cast %parallel_loop3A_865 : vector<1x1x16xf32> to vector<16xf32>
        %parallel_loop3A_867 = arith.constant 0 : i32
        %parallel_loop3A_868 = arith.constant 6 : i32
        %parallel_loop3A_869 = arith.index_cast %parallel_loop3A_867 : i32 to index
        %parallel_loop3A_870 = arith.index_cast %parallel_loop3A_868 : i32 to index
        %parallel_loop3A_871 = arith.index_cast %parallel_loop3A_769 : i32 to index
        %parallel_loop3A_872 = tpu.vector_load %arg5[%parallel_loop3A_869, %parallel_loop3A_870, %parallel_loop3A_871] {strides = array<i32>} : memref<4x8x1024xf32, #tpu.memory_space<vmem>>, vector<1x1x16xf32>,
        %parallel_loop3A_873 = vector.shape_cast %parallel_loop3A_872 : vector<1x1x16xf32> to vector<16xf32>
        %parallel_loop3A_874 = vector.shape_cast %parallel_loop3A_866 : vector<16xf32> to vector<1x1x16xf32>
        tpu.vector_store %arg5[%parallel_loop3A_869, %parallel_loop3A_870, %parallel_loop3A_871], %parallel_loop3A_874 {add = true, strides = array<i32>} : memref<4x8x1024xf32, #tpu.memory_space<vmem>>, vector<1x1x16xf32>,
        %parallel_loop3A_875 = arith.constant 0 : i32
        %parallel_loop3A_876 = arith.constant 7 : i32
        %parallel_loop3A_877 = arith.index_cast %parallel_loop3A_875 : i32 to index
        %parallel_loop3A_878 = arith.index_cast %parallel_loop3A_876 : i32 to index
        %parallel_loop3A_879 = arith.index_cast %parallel_loop3A_769 : i32 to index
        %parallel_loop3A_880 = tpu.vector_load %arg6[%parallel_loop3A_877, %parallel_loop3A_878, %parallel_loop3A_879] {strides = array<i32>} : memref<4x8x1024xf32, #tpu.memory_space<vmem>>, vector<1x1x16xf32>,
        %parallel_loop3A_881 = vector.shape_cast %parallel_loop3A_880 : vector<1x1x16xf32> to vector<16xf32>
        %parallel_loop3A_882 = arith.constant 0 : i32
        %parallel_loop3A_883 = arith.constant 7 : i32
        %parallel_loop3A_884 = arith.index_cast %parallel_loop3A_882 : i32 to index
        %parallel_loop3A_885 = arith.index_cast %parallel_loop3A_883 : i32 to index
        %parallel_loop3A_886 = arith.index_cast %parallel_loop3A_769 : i32 to index
        %parallel_loop3A_887 = tpu.vector_load %arg5[%parallel_loop3A_884, %parallel_loop3A_885, %parallel_loop3A_886] {strides = array<i32>} : memref<4x8x1024xf32, #tpu.memory_space<vmem>>, vector<1x1x16xf32>,
        %parallel_loop3A_888 = vector.shape_cast %parallel_loop3A_887 : vector<1x1x16xf32> to vector<16xf32>
        %parallel_loop3A_889 = vector.shape_cast %parallel_loop3A_881 : vector<16xf32> to vector<1x1x16xf32>
        tpu.vector_store %arg5[%parallel_loop3A_884, %parallel_loop3A_885, %parallel_loop3A_886], %parallel_loop3A_889 {add = true, strides = array<i32>} : memref<4x8x1024xf32, #tpu.memory_space<vmem>>, vector<1x1x16xf32>,
      } {sc.loop_unroll_factor = 1 : i64, sc.parallel_access}
      %mul3A_702 = arith.constant 8 : i32
      %mul3A_703 = arith.muli %add3A_669, %mul3A_702 : i32
      %add3A_704 = arith.addi %mul3A_2, %mul3A_703 : i32
      %dma_start3A_705 = arith.constant 0 : i32
      %dma_start3A_706 = arith.constant 0 : i32
      %dma_start3A_707 = arith.constant 0 : i32
      %dma_start3A_708 = tpu.memref_slice %arg5[%dma_start3A_705, %dma_start3A_706, %dma_start3A_707] : memref<4x8x1024xf32, #tpu.memory_space<vmem>> -> memref<1x8x1024xf32, #tpu.memory_space<vmem>>
      %dma_start3A_709 = tpu.memref_squeeze %dma_start3A_708 : memref<1x8x1024xf32, #tpu.memory_space<vmem>> -> memref<8x1024xf32, #tpu.memory_space<vmem>>
      %dma_start3A_710 = arith.constant 0 : i32
      %dma_start3A_711 = tpu.memref_slice %arg4[%add3A_704, %dma_start3A_710] : memref<8192x1024xf32, #tpu.memory_space<hbm>> -> memref<8x1024xf32, #tpu.memory_space<hbm>>
      %dma_start3A_712 = arith.constant 0 : i32
      %dma_start3A_713 = tpu.memref_slice %arg4[%add3A_704, %dma_start3A_712] : memref<8192x1024xf32, #tpu.memory_space<hbm>> -> memref<8x1024xf32, #tpu.memory_space<hbm>>
      %dma_start3A_714 = arith.constant 0 : i32
      %dma_start3A_715 = arith.constant 0 : i32
      %dma_start3A_716 = tpu.memref_slice %arg5[%dma_start3A_705, %dma_start3A_714, %dma_start3A_715] : memref<4x8x1024xf32, #tpu.memory_space<vmem>> -> memref<1x8x1024xf32, #tpu.memory_space<vmem>>
      %dma_start3A_717 = tpu.memref_squeeze %dma_start3A_716 : memref<1x8x1024xf32, #tpu.memory_space<vmem>> -> memref<8x1024xf32, #tpu.memory_space<vmem>>
      tpu.enqueue_dma source(%dma_start3A_717 : memref<8x1024xf32, #tpu.memory_space<vmem>>) target(%dma_start3A_713 : memref<8x1024xf32, #tpu.memory_space<hbm>>) target_semaphore(%arg15 : memref<!tpu.dma_semaphore, #tpu.memory_space<semaphore_mem>>)
      %sub3A_718 = arith.constant 1 : i32
      %sub3A_719 = arith.subi %add3A_669, %sub3A_718 : i32
      %mul3A_720 = arith.constant 8 : i32
      %mul3A_721 = arith.muli %sub3A_719, %mul3A_720 : i32
      %add3A_722 = arith.addi %mul3A_2, %mul3A_721 : i32
      %dma_wait3A_723 = arith.constant 3 : i32
      %dma_wait3A_724 = arith.constant 0 : i32
      %dma_wait3A_725 = arith.constant 0 : i32
      %dma_wait3A_726 = tpu.memref_slice %arg5[%dma_wait3A_723, %dma_wait3A_724, %dma_wait3A_725] : memref<4x8x1024xf32, #tpu.memory_space<vmem>> -> memref<1x8x1024xf32, #tpu.memory_space<vmem>>
      %dma_wait3A_727 = tpu.memref_squeeze %dma_wait3A_726 : memref<1x8x1024xf32, #tpu.memory_space<vmem>> -> memref<8x1024xf32, #tpu.memory_space<vmem>>
      %dma_wait3A_728 = arith.constant 0 : i32
      %dma_wait3A_729 = tpu.memref_slice %arg4[%add3A_722, %dma_wait3A_728] : memref<8192x1024xf32, #tpu.memory_space<hbm>> -> memref<8x1024xf32, #tpu.memory_space<hbm>>
      %dma_wait3A_730 = arith.constant 0 : i32
      %dma_wait3A_731 = tpu.memref_slice %arg4[%add3A_722, %dma_wait3A_730] : memref<8192x1024xf32, #tpu.memory_space<hbm>> -> memref<8x1024xf32, #tpu.memory_space<hbm>>
      %dma_wait3A_732 = arith.constant 0 : i32
      %dma_wait3A_733 = arith.constant 0 : i32
      %dma_wait3A_734 = tpu.memref_slice %arg5[%dma_wait3A_723, %dma_wait3A_732, %dma_wait3A_733] : memref<4x8x1024xf32, #tpu.memory_space<vmem>> -> memref<1x8x1024xf32, #tpu.memory_space<vmem>>
      %dma_wait3A_735 = tpu.memref_squeeze %dma_wait3A_734 : memref<1x8x1024xf32, #tpu.memory_space<vmem>> -> memref<8x1024xf32, #tpu.memory_space<vmem>>
      tpu.wait_dma2 semaphore(%arg18 : memref<!tpu.dma_semaphore, #tpu.memory_space<semaphore_mem>>) src(%dma_wait3A_735 : memref<8x1024xf32, #tpu.memory_space<vmem>>) dst(%dma_wait3A_731 : memref<8x1024xf32, #tpu.memory_space<hbm>>)
      %add3A_736 = arith.constant 4 : i32
      %add3A_737 = arith.addi %add3A_669, %add3A_736 : i32
      %sub3A_738 = arith.constant 1 : i32
      %sub3A_739 = arith.subi %add3A_737, %sub3A_738 : i32
      %mul3A_740 = arith.constant 8 : i32
      %mul3A_741 = arith.muli %sub3A_739, %mul3A_740 : i32
      %add3A_742 = arith.addi %mul3A_2, %mul3A_741 : i32
      %dma_start3A_743 = arith.constant 3 : i32
      %dma_start3A_744 = arith.constant 0 : i32
      %dma_start3A_745 = arith.constant 0 : i32
      %dma_start3A_746 = tpu.memref_slice %arg5[%dma_start3A_743, %dma_start3A_744, %dma_start3A_745] : memref<4x8x1024xf32, #tpu.memory_space<vmem>> -> memref<1x8x1024xf32, #tpu.memory_space<vmem>>
      %dma_start3A_747 = tpu.memref_squeeze %dma_start3A_746 : memref<1x8x1024xf32, #tpu.memory_space<vmem>> -> memref<8x1024xf32, #tpu.memory_space<vmem>>
      %dma_start3A_748 = arith.constant 0 : i32
      %dma_start3A_749 = tpu.memref_slice %arg2[%add3A_742, %dma_start3A_748] : memref<8192x1024xf32, #tpu.memory_space<hbm>> -> memref<8x1024xf32, #tpu.memory_space<hbm>>
      %dma_start3A_750 = arith.constant 0 : i32
      %dma_start3A_751 = arith.constant 0 : i32
      %dma_start3A_752 = tpu.memref_slice %arg5[%dma_start3A_743, %dma_start3A_750, %dma_start3A_751] : memref<4x8x1024xf32, #tpu.memory_space<vmem>> -> memref<1x8x1024xf32, #tpu.memory_space<vmem>>
      %dma_start3A_753 = tpu.memref_squeeze %dma_start3A_752 : memref<1x8x1024xf32, #tpu.memory_space<vmem>> -> memref<8x1024xf32, #tpu.memory_space<vmem>>
      %dma_start3A_754 = arith.constant 0 : i32
      %dma_start3A_755 = tpu.memref_slice %arg2[%add3A_742, %dma_start3A_754] : memref<8192x1024xf32, #tpu.memory_space<hbm>> -> memref<8x1024xf32, #tpu.memory_space<hbm>>
      tpu.enqueue_dma source(%dma_start3A_755 : memref<8x1024xf32, #tpu.memory_space<hbm>>) target(%dma_start3A_753 : memref<8x1024xf32, #tpu.memory_space<vmem>>) target_semaphore(%arg10 : memref<!tpu.dma_semaphore, #tpu.memory_space<semaphore_mem>>)
      %dma_start3A_756 = arith.constant 3 : i32
      %dma_start3A_757 = arith.constant 0 : i32
      %dma_start3A_758 = arith.constant 0 : i32
      %dma_start3A_759 = tpu.memref_slice %arg6[%dma_start3A_756, %dma_start3A_757, %dma_start3A_758] : memref<4x8x1024xf32, #tpu.memory_space<vmem>> -> memref<1x8x1024xf32, #tpu.memory_space<vmem>>
      %dma_start3A_760 = tpu.memref_squeeze %dma_start3A_759 : memref<1x8x1024xf32, #tpu.memory_space<vmem>> -> memref<8x1024xf32, #tpu.memory_space<vmem>>
      %dma_start3A_761 = arith.constant 0 : i32
      %dma_start3A_762 = tpu.memref_slice %arg3[%add3A_742, %dma_start3A_761] : memref<8192x1024xf32, #tpu.memory_space<hbm>> -> memref<8x1024xf32, #tpu.memory_space<hbm>>
      %dma_start3A_763 = arith.constant 0 : i32
      %dma_start3A_764 = arith.constant 0 : i32
      %dma_start3A_765 = tpu.memref_slice %arg6[%dma_start3A_756, %dma_start3A_763, %dma_start3A_764] : memref<4x8x1024xf32, #tpu.memory_space<vmem>> -> memref<1x8x1024xf32, #tpu.memory_space<vmem>>
      %dma_start3A_766 = tpu.memref_squeeze %dma_start3A_765 : memref<1x8x1024xf32, #tpu.memory_space<vmem>> -> memref<8x1024xf32, #tpu.memory_space<vmem>>
      %dma_start3A_767 = arith.constant 0 : i32
      %dma_start3A_768 = tpu.memref_slice %arg3[%add3A_742, %dma_start3A_767] : memref<8192x1024xf32, #tpu.memory_space<hbm>> -> memref<8x1024xf32, #tpu.memory_space<hbm>>
      tpu.enqueue_dma source(%dma_start3A_768 : memref<8x1024xf32, #tpu.memory_space<hbm>>) target(%dma_start3A_766 : memref<8x1024xf32, #tpu.memory_space<vmem>>) target_semaphore(%arg14 : memref<!tpu.dma_semaphore, #tpu.memory_space<semaphore_mem>>)
    }
    %scan3A_162 = arith.constant 7 : i32
    %add3A_163 = arith.constant 232 : i32
    %add3A_164 = arith.addi %mul3A_2, %add3A_163 : i32
    %dma_wait3A_165 = arith.constant 1 : i32
    %dma_wait3A_166 = arith.constant 0 : i32
    %dma_wait3A_167 = arith.constant 0 : i32
    %dma_wait3A_168 = tpu.memref_slice %arg5[%dma_wait3A_165, %dma_wait3A_166, %dma_wait3A_167] : memref<4x8x1024xf32, #tpu.memory_space<vmem>> -> memref<1x8x1024xf32, #tpu.memory_space<vmem>>
    %dma_wait3A_169 = tpu.memref_squeeze %dma_wait3A_168 : memref<1x8x1024xf32, #tpu.memory_space<vmem>> -> memref<8x1024xf32, #tpu.memory_space<vmem>>
    %dma_wait3A_170 = arith.constant 0 : i32
    %dma_wait3A_171 = tpu.memref_slice %arg2[%add3A_164, %dma_wait3A_170] : memref<8192x1024xf32, #tpu.memory_space<hbm>> -> memref<8x1024xf32, #tpu.memory_space<hbm>>
    %dma_wait3A_172 = arith.constant 0 : i32
    %dma_wait3A_173 = arith.constant 0 : i32
    %dma_wait3A_174 = tpu.memref_slice %arg5[%dma_wait3A_165, %dma_wait3A_172, %dma_wait3A_173] : memref<4x8x1024xf32, #tpu.memory_space<vmem>> -> memref<1x8x1024xf32, #tpu.memory_space<vmem>>
    %dma_wait3A_175 = tpu.memref_squeeze %dma_wait3A_174 : memref<1x8x1024xf32, #tpu.memory_space<vmem>> -> memref<8x1024xf32, #tpu.memory_space<vmem>>
    %dma_wait3A_176 = arith.constant 0 : i32
    %dma_wait3A_177 = tpu.memref_slice %arg2[%add3A_164, %dma_wait3A_176] : memref<8192x1024xf32, #tpu.memory_space<hbm>> -> memref<8x1024xf32, #tpu.memory_space<hbm>>
    tpu.wait_dma2 semaphore(%arg8 : memref<!tpu.dma_semaphore, #tpu.memory_space<semaphore_mem>>) src(%dma_wait3A_177 : memref<8x1024xf32, #tpu.memory_space<hbm>>) dst(%dma_wait3A_175 : memref<8x1024xf32, #tpu.memory_space<vmem>>)
    %dma_wait3A_178 = arith.constant 1 : i32
    %dma_wait3A_179 = arith.constant 0 : i32
    %dma_wait3A_180 = arith.constant 0 : i32
    %dma_wait3A_181 = tpu.memref_slice %arg6[%dma_wait3A_178, %dma_wait3A_179, %dma_wait3A_180] : memref<4x8x1024xf32, #tpu.memory_space<vmem>> -> memref<1x8x1024xf32, #tpu.memory_space<vmem>>
    %dma_wait3A_182 = tpu.memref_squeeze %dma_wait3A_181 : memref<1x8x1024xf32, #tpu.memory_space<vmem>> -> memref<8x1024xf32, #tpu.memory_space<vmem>>
    %dma_wait3A_183 = arith.constant 0 : i32
    %dma_wait3A_184 = tpu.memref_slice %arg3[%add3A_164, %dma_wait3A_183] : memref<8192x1024xf32, #tpu.memory_space<hbm>> -> memref<8x1024xf32, #tpu.memory_space<hbm>>
    %dma_wait3A_185 = arith.constant 0 : i32
    %dma_wait3A_186 = arith.constant 0 : i32
    %dma_wait3A_187 = tpu.memref_slice %arg6[%dma_wait3A_178, %dma_wait3A_185, %dma_wait3A_186] : memref<4x8x1024xf32, #tpu.memory_space<vmem>> -> memref<1x8x1024xf32, #tpu.memory_space<vmem>>
    %dma_wait3A_188 = tpu.memref_squeeze %dma_wait3A_187 : memref<1x8x1024xf32, #tpu.memory_space<vmem>> -> memref<8x1024xf32, #tpu.memory_space<vmem>>
    %dma_wait3A_189 = arith.constant 0 : i32
    %dma_wait3A_190 = tpu.memref_slice %arg3[%add3A_164, %dma_wait3A_189] : memref<8192x1024xf32, #tpu.memory_space<hbm>> -> memref<8x1024xf32, #tpu.memory_space<hbm>>
    tpu.wait_dma2 semaphore(%arg12 : memref<!tpu.dma_semaphore, #tpu.memory_space<semaphore_mem>>) src(%dma_wait3A_190 : memref<8x1024xf32, #tpu.memory_space<hbm>>) dst(%dma_wait3A_188 : memref<8x1024xf32, #tpu.memory_space<vmem>>)
    %parallel_loop3A_191 = arith.constant 0 : i32
    %parallel_loop3A_192 = arith.constant 1024 : i32
    %parallel_loop3A_193 = arith.constant 16 : i32
    scf.for %parallel_loop3A_361 = %parallel_loop3A_191 to %parallel_loop3A_192 step %parallel_loop3A_193  : i32 {
      %parallel_loop3A_362 = arith.constant 1 : i32
      %parallel_loop3A_363 = arith.constant 0 : i32
      %parallel_loop3A_364 = arith.index_cast %parallel_loop3A_362 : i32 to index
      %parallel_loop3A_365 = arith.index_cast %parallel_loop3A_363 : i32 to index
      %parallel_loop3A_366 = arith.index_cast %parallel_loop3A_361 : i32 to index
      %parallel_loop3A_367 = tpu.vector_load %arg6[%parallel_loop3A_364, %parallel_loop3A_365, %parallel_loop3A_366] {strides = array<i32>} : memref<4x8x1024xf32, #tpu.memory_space<vmem>>, vector<1x1x16xf32>,
      %parallel_loop3A_368 = vector.shape_cast %parallel_loop3A_367 : vector<1x1x16xf32> to vector<16xf32>
      %parallel_loop3A_369 = arith.constant 1 : i32
      %parallel_loop3A_370 = arith.constant 0 : i32
      %parallel_loop3A_371 = arith.index_cast %parallel_loop3A_369 : i32 to index
      %parallel_loop3A_372 = arith.index_cast %parallel_loop3A_370 : i32 to index
      %parallel_loop3A_373 = arith.index_cast %parallel_loop3A_361 : i32 to index
      %parallel_loop3A_374 = tpu.vector_load %arg5[%parallel_loop3A_371, %parallel_loop3A_372, %parallel_loop3A_373] {strides = array<i32>} : memref<4x8x1024xf32, #tpu.memory_space<vmem>>, vector<1x1x16xf32>,
      %parallel_loop3A_375 = vector.shape_cast %parallel_loop3A_374 : vector<1x1x16xf32> to vector<16xf32>
      %parallel_loop3A_376 = vector.shape_cast %parallel_loop3A_368 : vector<16xf32> to vector<1x1x16xf32>
      tpu.vector_store %arg5[%parallel_loop3A_371, %parallel_loop3A_372, %parallel_loop3A_373], %parallel_loop3A_376 {add = true, strides = array<i32>} : memref<4x8x1024xf32, #tpu.memory_space<vmem>>, vector<1x1x16xf32>,
      %parallel_loop3A_377 = arith.constant 1 : i32
      %parallel_loop3A_378 = arith.constant 1 : i32
      %parallel_loop3A_379 = arith.index_cast %parallel_loop3A_377 : i32 to index
      %parallel_loop3A_380 = arith.index_cast %parallel_loop3A_378 : i32 to index
      %parallel_loop3A_381 = arith.index_cast %parallel_loop3A_361 : i32 to index
      %parallel_loop3A_382 = tpu.vector_load %arg6[%parallel_loop3A_379, %parallel_loop3A_380, %parallel_loop3A_381] {strides = array<i32>} : memref<4x8x1024xf32, #tpu.memory_space<vmem>>, vector<1x1x16xf32>,
      %parallel_loop3A_383 = vector.shape_cast %parallel_loop3A_382 : vector<1x1x16xf32> to vector<16xf32>
      %parallel_loop3A_384 = arith.constant 1 : i32
      %parallel_loop3A_385 = arith.constant 1 : i32
      %parallel_loop3A_386 = arith.index_cast %parallel_loop3A_384 : i32 to index
      %parallel_loop3A_387 = arith.index_cast %parallel_loop3A_385 : i32 to index
      %parallel_loop3A_388 = arith.index_cast %parallel_loop3A_361 : i32 to index
      %parallel_loop3A_389 = tpu.vector_load %arg5[%parallel_loop3A_386, %parallel_loop3A_387, %parallel_loop3A_388] {strides = array<i32>} : memref<4x8x1024xf32, #tpu.memory_space<vmem>>, vector<1x1x16xf32>,
      %parallel_loop3A_390 = vector.shape_cast %parallel_loop3A_389 : vector<1x1x16xf32> to vector<16xf32>
      %parallel_loop3A_391 = vector.shape_cast %parallel_loop3A_383 : vector<16xf32> to vector<1x1x16xf32>
      tpu.vector_store %arg5[%parallel_loop3A_386, %parallel_loop3A_387, %parallel_loop3A_388], %parallel_loop3A_391 {add = true, strides = array<i32>} : memref<4x8x1024xf32, #tpu.memory_space<vmem>>, vector<1x1x16xf32>,
      %parallel_loop3A_392 = arith.constant 1 : i32
      %parallel_loop3A_393 = arith.constant 2 : i32
      %parallel_loop3A_394 = arith.index_cast %parallel_loop3A_392 : i32 to index
      %parallel_loop3A_395 = arith.index_cast %parallel_loop3A_393 : i32 to index
      %parallel_loop3A_396 = arith.index_cast %parallel_loop3A_361 : i32 to index
      %parallel_loop3A_397 = tpu.vector_load %arg6[%parallel_loop3A_394, %parallel_loop3A_395, %parallel_loop3A_396] {strides = array<i32>} : memref<4x8x1024xf32, #tpu.memory_space<vmem>>, vector<1x1x16xf32>,
      %parallel_loop3A_398 = vector.shape_cast %parallel_loop3A_397 : vector<1x1x16xf32> to vector<16xf32>
      %parallel_loop3A_399 = arith.constant 1 : i32
      %parallel_loop3A_400 = arith.constant 2 : i32
      %parallel_loop3A_401 = arith.index_cast %parallel_loop3A_399 : i32 to index
      %parallel_loop3A_402 = arith.index_cast %parallel_loop3A_400 : i32 to index
      %parallel_loop3A_403 = arith.index_cast %parallel_loop3A_361 : i32 to index
      %parallel_loop3A_404 = tpu.vector_load %arg5[%parallel_loop3A_401, %parallel_loop3A_402, %parallel_loop3A_403] {strides = array<i32>} : memref<4x8x1024xf32, #tpu.memory_space<vmem>>, vector<1x1x16xf32>,
      %parallel_loop3A_405 = vector.shape_cast %parallel_loop3A_404 : vector<1x1x16xf32> to vector<16xf32>
      %parallel_loop3A_406 = vector.shape_cast %parallel_loop3A_398 : vector<16xf32> to vector<1x1x16xf32>
      tpu.vector_store %arg5[%parallel_loop3A_401, %parallel_loop3A_402, %parallel_loop3A_403], %parallel_loop3A_406 {add = true, strides = array<i32>} : memref<4x8x1024xf32, #tpu.memory_space<vmem>>, vector<1x1x16xf32>,
      %parallel_loop3A_407 = arith.constant 1 : i32
      %parallel_loop3A_408 = arith.constant 3 : i32
      %parallel_loop3A_409 = arith.index_cast %parallel_loop3A_407 : i32 to index
      %parallel_loop3A_410 = arith.index_cast %parallel_loop3A_408 : i32 to index
      %parallel_loop3A_411 = arith.index_cast %parallel_loop3A_361 : i32 to index
      %parallel_loop3A_412 = tpu.vector_load %arg6[%parallel_loop3A_409, %parallel_loop3A_410, %parallel_loop3A_411] {strides = array<i32>} : memref<4x8x1024xf32, #tpu.memory_space<vmem>>, vector<1x1x16xf32>,
      %parallel_loop3A_413 = vector.shape_cast %parallel_loop3A_412 : vector<1x1x16xf32> to vector<16xf32>
      %parallel_loop3A_414 = arith.constant 1 : i32
      %parallel_loop3A_415 = arith.constant 3 : i32
      %parallel_loop3A_416 = arith.index_cast %parallel_loop3A_414 : i32 to index
      %parallel_loop3A_417 = arith.index_cast %parallel_loop3A_415 : i32 to index
      %parallel_loop3A_418 = arith.index_cast %parallel_loop3A_361 : i32 to index
      %parallel_loop3A_419 = tpu.vector_load %arg5[%parallel_loop3A_416, %parallel_loop3A_417, %parallel_loop3A_418] {strides = array<i32>} : memref<4x8x1024xf32, #tpu.memory_space<vmem>>, vector<1x1x16xf32>,
      %parallel_loop3A_420 = vector.shape_cast %parallel_loop3A_419 : vector<1x1x16xf32> to vector<16xf32>
      %parallel_loop3A_421 = vector.shape_cast %parallel_loop3A_413 : vector<16xf32> to vector<1x1x16xf32>
      tpu.vector_store %arg5[%parallel_loop3A_416, %parallel_loop3A_417, %parallel_loop3A_418], %parallel_loop3A_421 {add = true, strides = array<i32>} : memref<4x8x1024xf32, #tpu.memory_space<vmem>>, vector<1x1x16xf32>,
      %parallel_loop3A_422 = arith.constant 1 : i32
      %parallel_loop3A_423 = arith.constant 4 : i32
      %parallel_loop3A_424 = arith.index_cast %parallel_loop3A_422 : i32 to index
      %parallel_loop3A_425 = arith.index_cast %parallel_loop3A_423 : i32 to index
      %parallel_loop3A_426 = arith.index_cast %parallel_loop3A_361 : i32 to index
      %parallel_loop3A_427 = tpu.vector_load %arg6[%parallel_loop3A_424, %parallel_loop3A_425, %parallel_loop3A_426] {strides = array<i32>} : memref<4x8x1024xf32, #tpu.memory_space<vmem>>, vector<1x1x16xf32>,
      %parallel_loop3A_428 = vector.shape_cast %parallel_loop3A_427 : vector<1x1x16xf32> to vector<16xf32>
      %parallel_loop3A_429 = arith.constant 1 : i32
      %parallel_loop3A_430 = arith.constant 4 : i32
      %parallel_loop3A_431 = arith.index_cast %parallel_loop3A_429 : i32 to index
      %parallel_loop3A_432 = arith.index_cast %parallel_loop3A_430 : i32 to index
      %parallel_loop3A_433 = arith.index_cast %parallel_loop3A_361 : i32 to index
      %parallel_loop3A_434 = tpu.vector_load %arg5[%parallel_loop3A_431, %parallel_loop3A_432, %parallel_loop3A_433] {strides = array<i32>} : memref<4x8x1024xf32, #tpu.memory_space<vmem>>, vector<1x1x16xf32>,
      %parallel_loop3A_435 = vector.shape_cast %parallel_loop3A_434 : vector<1x1x16xf32> to vector<16xf32>
      %parallel_loop3A_436 = vector.shape_cast %parallel_loop3A_428 : vector<16xf32> to vector<1x1x16xf32>
      tpu.vector_store %arg5[%parallel_loop3A_431, %parallel_loop3A_432, %parallel_loop3A_433], %parallel_loop3A_436 {add = true, strides = array<i32>} : memref<4x8x1024xf32, #tpu.memory_space<vmem>>, vector<1x1x16xf32>,
      %parallel_loop3A_437 = arith.constant 1 : i32
      %parallel_loop3A_438 = arith.constant 5 : i32
      %parallel_loop3A_439 = arith.index_cast %parallel_loop3A_437 : i32 to index
      %parallel_loop3A_440 = arith.index_cast %parallel_loop3A_438 : i32 to index
      %parallel_loop3A_441 = arith.index_cast %parallel_loop3A_361 : i32 to index
      %parallel_loop3A_442 = tpu.vector_load %arg6[%parallel_loop3A_439, %parallel_loop3A_440, %parallel_loop3A_441] {strides = array<i32>} : memref<4x8x1024xf32, #tpu.memory_space<vmem>>, vector<1x1x16xf32>,
      %parallel_loop3A_443 = vector.shape_cast %parallel_loop3A_442 : vector<1x1x16xf32> to vector<16xf32>
      %parallel_loop3A_444 = arith.constant 1 : i32
      %parallel_loop3A_445 = arith.constant 5 : i32
      %parallel_loop3A_446 = arith.index_cast %parallel_loop3A_444 : i32 to index
      %parallel_loop3A_447 = arith.index_cast %parallel_loop3A_445 : i32 to index
      %parallel_loop3A_448 = arith.index_cast %parallel_loop3A_361 : i32 to index
      %parallel_loop3A_449 = tpu.vector_load %arg5[%parallel_loop3A_446, %parallel_loop3A_447, %parallel_loop3A_448] {strides = array<i32>} : memref<4x8x1024xf32, #tpu.memory_space<vmem>>, vector<1x1x16xf32>,
      %parallel_loop3A_450 = vector.shape_cast %parallel_loop3A_449 : vector<1x1x16xf32> to vector<16xf32>
      %parallel_loop3A_451 = vector.shape_cast %parallel_loop3A_443 : vector<16xf32> to vector<1x1x16xf32>
      tpu.vector_store %arg5[%parallel_loop3A_446, %parallel_loop3A_447, %parallel_loop3A_448], %parallel_loop3A_451 {add = true, strides = array<i32>} : memref<4x8x1024xf32, #tpu.memory_space<vmem>>, vector<1x1x16xf32>,
      %parallel_loop3A_452 = arith.constant 1 : i32
      %parallel_loop3A_453 = arith.constant 6 : i32
      %parallel_loop3A_454 = arith.index_cast %parallel_loop3A_452 : i32 to index
      %parallel_loop3A_455 = arith.index_cast %parallel_loop3A_453 : i32 to index
      %parallel_loop3A_456 = arith.index_cast %parallel_loop3A_361 : i32 to index
      %parallel_loop3A_457 = tpu.vector_load %arg6[%parallel_loop3A_454, %parallel_loop3A_455, %parallel_loop3A_456] {strides = array<i32>} : memref<4x8x1024xf32, #tpu.memory_space<vmem>>, vector<1x1x16xf32>,
      %parallel_loop3A_458 = vector.shape_cast %parallel_loop3A_457 : vector<1x1x16xf32> to vector<16xf32>
      %parallel_loop3A_459 = arith.constant 1 : i32
      %parallel_loop3A_460 = arith.constant 6 : i32
      %parallel_loop3A_461 = arith.index_cast %parallel_loop3A_459 : i32 to index
      %parallel_loop3A_462 = arith.index_cast %parallel_loop3A_460 : i32 to index
      %parallel_loop3A_463 = arith.index_cast %parallel_loop3A_361 : i32 to index
      %parallel_loop3A_464 = tpu.vector_load %arg5[%parallel_loop3A_461, %parallel_loop3A_462, %parallel_loop3A_463] {strides = array<i32>} : memref<4x8x1024xf32, #tpu.memory_space<vmem>>, vector<1x1x16xf32>,
      %parallel_loop3A_465 = vector.shape_cast %parallel_loop3A_464 : vector<1x1x16xf32> to vector<16xf32>
      %parallel_loop3A_466 = vector.shape_cast %parallel_loop3A_458 : vector<16xf32> to vector<1x1x16xf32>
      tpu.vector_store %arg5[%parallel_loop3A_461, %parallel_loop3A_462, %parallel_loop3A_463], %parallel_loop3A_466 {add = true, strides = array<i32>} : memref<4x8x1024xf32, #tpu.memory_space<vmem>>, vector<1x1x16xf32>,
      %parallel_loop3A_467 = arith.constant 1 : i32
      %parallel_loop3A_468 = arith.constant 7 : i32
      %parallel_loop3A_469 = arith.index_cast %parallel_loop3A_467 : i32 to index
      %parallel_loop3A_470 = arith.index_cast %parallel_loop3A_468 : i32 to index
      %parallel_loop3A_471 = arith.index_cast %parallel_loop3A_361 : i32 to index
      %parallel_loop3A_472 = tpu.vector_load %arg6[%parallel_loop3A_469, %parallel_loop3A_470, %parallel_loop3A_471] {strides = array<i32>} : memref<4x8x1024xf32, #tpu.memory_space<vmem>>, vector<1x1x16xf32>,
      %parallel_loop3A_473 = vector.shape_cast %parallel_loop3A_472 : vector<1x1x16xf32> to vector<16xf32>
      %parallel_loop3A_474 = arith.constant 1 : i32
      %parallel_loop3A_475 = arith.constant 7 : i32
      %parallel_loop3A_476 = arith.index_cast %parallel_loop3A_474 : i32 to index
      %parallel_loop3A_477 = arith.index_cast %parallel_loop3A_475 : i32 to index
      %parallel_loop3A_478 = arith.index_cast %parallel_loop3A_361 : i32 to index
      %parallel_loop3A_479 = tpu.vector_load %arg5[%parallel_loop3A_476, %parallel_loop3A_477, %parallel_loop3A_478] {strides = array<i32>} : memref<4x8x1024xf32, #tpu.memory_space<vmem>>, vector<1x1x16xf32>,
      %parallel_loop3A_480 = vector.shape_cast %parallel_loop3A_479 : vector<1x1x16xf32> to vector<16xf32>
      %parallel_loop3A_481 = vector.shape_cast %parallel_loop3A_473 : vector<16xf32> to vector<1x1x16xf32>
      tpu.vector_store %arg5[%parallel_loop3A_476, %parallel_loop3A_477, %parallel_loop3A_478], %parallel_loop3A_481 {add = true, strides = array<i32>} : memref<4x8x1024xf32, #tpu.memory_space<vmem>>, vector<1x1x16xf32>,
    } {sc.loop_unroll_factor = 1 : i64, sc.parallel_access}
    %add3A_194 = arith.constant 232 : i32
    %add3A_195 = arith.addi %mul3A_2, %add3A_194 : i32
    %dma_start3A_196 = arith.constant 1 : i32
    %dma_start3A_197 = arith.constant 0 : i32
    %dma_start3A_198 = arith.constant 0 : i32
    %dma_start3A_199 = tpu.memref_slice %arg5[%dma_start3A_196, %dma_start3A_197, %dma_start3A_198] : memref<4x8x1024xf32, #tpu.memory_space<vmem>> -> memref<1x8x1024xf32, #tpu.memory_space<vmem>>
    %dma_start3A_200 = tpu.memref_squeeze %dma_start3A_199 : memref<1x8x1024xf32, #tpu.memory_space<vmem>> -> memref<8x1024xf32, #tpu.memory_space<vmem>>
    %dma_start3A_201 = arith.constant 0 : i32
    %dma_start3A_202 = tpu.memref_slice %arg4[%add3A_195, %dma_start3A_201] : memref<8192x1024xf32, #tpu.memory_space<hbm>> -> memref<8x1024xf32, #tpu.memory_space<hbm>>
    %dma_start3A_203 = arith.constant 0 : i32
    %dma_start3A_204 = tpu.memref_slice %arg4[%add3A_195, %dma_start3A_203] : memref<8192x1024xf32, #tpu.memory_space<hbm>> -> memref<8x1024xf32, #tpu.memory_space<hbm>>
    %dma_start3A_205 = arith.constant 0 : i32
    %dma_start3A_206 = arith.constant 0 : i32
    %dma_start3A_207 = tpu.memref_slice %arg5[%dma_start3A_196, %dma_start3A_205, %dma_start3A_206] : memref<4x8x1024xf32, #tpu.memory_space<vmem>> -> memref<1x8x1024xf32, #tpu.memory_space<vmem>>
    %dma_start3A_208 = tpu.memref_squeeze %dma_start3A_207 : memref<1x8x1024xf32, #tpu.memory_space<vmem>> -> memref<8x1024xf32, #tpu.memory_space<vmem>>
    tpu.enqueue_dma source(%dma_start3A_208 : memref<8x1024xf32, #tpu.memory_space<vmem>>) target(%dma_start3A_204 : memref<8x1024xf32, #tpu.memory_space<hbm>>) target_semaphore(%arg16 : memref<!tpu.dma_semaphore, #tpu.memory_space<semaphore_mem>>)
    %add3A_209 = arith.constant 240 : i32
    %add3A_210 = arith.addi %mul3A_2, %add3A_209 : i32
    %dma_wait3A_211 = arith.constant 2 : i32
    %dma_wait3A_212 = arith.constant 0 : i32
    %dma_wait3A_213 = arith.constant 0 : i32
    %dma_wait3A_214 = tpu.memref_slice %arg5[%dma_wait3A_211, %dma_wait3A_212, %dma_wait3A_213] : memref<4x8x1024xf32, #tpu.memory_space<vmem>> -> memref<1x8x1024xf32, #tpu.memory_space<vmem>>
    %dma_wait3A_215 = tpu.memref_squeeze %dma_wait3A_214 : memref<1x8x1024xf32, #tpu.memory_space<vmem>> -> memref<8x1024xf32, #tpu.memory_space<vmem>>
    %dma_wait3A_216 = arith.constant 0 : i32
    %dma_wait3A_217 = tpu.memref_slice %arg2[%add3A_210, %dma_wait3A_216] : memref<8192x1024xf32, #tpu.memory_space<hbm>> -> memref<8x1024xf32, #tpu.memory_space<hbm>>
    %dma_wait3A_218 = arith.constant 0 : i32
    %dma_wait3A_219 = arith.constant 0 : i32
    %dma_wait3A_220 = tpu.memref_slice %arg5[%dma_wait3A_211, %dma_wait3A_218, %dma_wait3A_219] : memref<4x8x1024xf32, #tpu.memory_space<vmem>> -> memref<1x8x1024xf32, #tpu.memory_space<vmem>>
    %dma_wait3A_221 = tpu.memref_squeeze %dma_wait3A_220 : memref<1x8x1024xf32, #tpu.memory_space<vmem>> -> memref<8x1024xf32, #tpu.memory_space<vmem>>
    %dma_wait3A_222 = arith.constant 0 : i32
    %dma_wait3A_223 = tpu.memref_slice %arg2[%add3A_210, %dma_wait3A_222] : memref<8192x1024xf32, #tpu.memory_space<hbm>> -> memref<8x1024xf32, #tpu.memory_space<hbm>>
    tpu.wait_dma2 semaphore(%arg9 : memref<!tpu.dma_semaphore, #tpu.memory_space<semaphore_mem>>) src(%dma_wait3A_223 : memref<8x1024xf32, #tpu.memory_space<hbm>>) dst(%dma_wait3A_221 : memref<8x1024xf32, #tpu.memory_space<vmem>>)
    %dma_wait3A_224 = arith.constant 2 : i32
    %dma_wait3A_225 = arith.constant 0 : i32
    %dma_wait3A_226 = arith.constant 0 : i32
    %dma_wait3A_227 = tpu.memref_slice %arg6[%dma_wait3A_224, %dma_wait3A_225, %dma_wait3A_226] : memref<4x8x1024xf32, #tpu.memory_space<vmem>> -> memref<1x8x1024xf32, #tpu.memory_space<vmem>>
    %dma_wait3A_228 = tpu.memref_squeeze %dma_wait3A_227 : memref<1x8x1024xf32, #tpu.memory_space<vmem>> -> memref<8x1024xf32, #tpu.memory_space<vmem>>
    %dma_wait3A_229 = arith.constant 0 : i32
    %dma_wait3A_230 = tpu.memref_slice %arg3[%add3A_210, %dma_wait3A_229] : memref<8192x1024xf32, #tpu.memory_space<hbm>> -> memref<8x1024xf32, #tpu.memory_space<hbm>>
    %dma_wait3A_231 = arith.constant 0 : i32
    %dma_wait3A_232 = arith.constant 0 : i32
    %dma_wait3A_233 = tpu.memref_slice %arg6[%dma_wait3A_224, %dma_wait3A_231, %dma_wait3A_232] : memref<4x8x1024xf32, #tpu.memory_space<vmem>> -> memref<1x8x1024xf32, #tpu.memory_space<vmem>>
    %dma_wait3A_234 = tpu.memref_squeeze %dma_wait3A_233 : memref<1x8x1024xf32, #tpu.memory_space<vmem>> -> memref<8x1024xf32, #tpu.memory_space<vmem>>
    %dma_wait3A_235 = arith.constant 0 : i32
    %dma_wait3A_236 = tpu.memref_slice %arg3[%add3A_210, %dma_wait3A_235] : memref<8192x1024xf32, #tpu.memory_space<hbm>> -> memref<8x1024xf32, #tpu.memory_space<hbm>>
    tpu.wait_dma2 semaphore(%arg13 : memref<!tpu.dma_semaphore, #tpu.memory_space<semaphore_mem>>) src(%dma_wait3A_236 : memref<8x1024xf32, #tpu.memory_space<hbm>>) dst(%dma_wait3A_234 : memref<8x1024xf32, #tpu.memory_space<vmem>>)
    %parallel_loop3A_237 = arith.constant 0 : i32
    %parallel_loop3A_238 = arith.constant 1024 : i32
    %parallel_loop3A_239 = arith.constant 16 : i32
    scf.for %parallel_loop3A_361 = %parallel_loop3A_237 to %parallel_loop3A_238 step %parallel_loop3A_239  : i32 {
      %parallel_loop3A_362 = arith.constant 2 : i32
      %parallel_loop3A_363 = arith.constant 0 : i32
      %parallel_loop3A_364 = arith.index_cast %parallel_loop3A_362 : i32 to index
      %parallel_loop3A_365 = arith.index_cast %parallel_loop3A_363 : i32 to index
      %parallel_loop3A_366 = arith.index_cast %parallel_loop3A_361 : i32 to index
      %parallel_loop3A_367 = tpu.vector_load %arg6[%parallel_loop3A_364, %parallel_loop3A_365, %parallel_loop3A_366] {strides = array<i32>} : memref<4x8x1024xf32, #tpu.memory_space<vmem>>, vector<1x1x16xf32>,
      %parallel_loop3A_368 = vector.shape_cast %parallel_loop3A_367 : vector<1x1x16xf32> to vector<16xf32>
      %parallel_loop3A_369 = arith.constant 2 : i32
      %parallel_loop3A_370 = arith.constant 0 : i32
      %parallel_loop3A_371 = arith.index_cast %parallel_loop3A_369 : i32 to index
      %parallel_loop3A_372 = arith.index_cast %parallel_loop3A_370 : i32 to index
      %parallel_loop3A_373 = arith.index_cast %parallel_loop3A_361 : i32 to index
      %parallel_loop3A_374 = tpu.vector_load %arg5[%parallel_loop3A_371, %parallel_loop3A_372, %parallel_loop3A_373] {strides = array<i32>} : memref<4x8x1024xf32, #tpu.memory_space<vmem>>, vector<1x1x16xf32>,
      %parallel_loop3A_375 = vector.shape_cast %parallel_loop3A_374 : vector<1x1x16xf32> to vector<16xf32>
      %parallel_loop3A_376 = vector.shape_cast %parallel_loop3A_368 : vector<16xf32> to vector<1x1x16xf32>
      tpu.vector_store %arg5[%parallel_loop3A_371, %parallel_loop3A_372, %parallel_loop3A_373], %parallel_loop3A_376 {add = true, strides = array<i32>} : memref<4x8x1024xf32, #tpu.memory_space<vmem>>, vector<1x1x16xf32>,
      %parallel_loop3A_377 = arith.constant 2 : i32
      %parallel_loop3A_378 = arith.constant 1 : i32
      %parallel_loop3A_379 = arith.index_cast %parallel_loop3A_377 : i32 to index
      %parallel_loop3A_380 = arith.index_cast %parallel_loop3A_378 : i32 to index
      %parallel_loop3A_381 = arith.index_cast %parallel_loop3A_361 : i32 to index
      %parallel_loop3A_382 = tpu.vector_load %arg6[%parallel_loop3A_379, %parallel_loop3A_380, %parallel_loop3A_381] {strides = array<i32>} : memref<4x8x1024xf32, #tpu.memory_space<vmem>>, vector<1x1x16xf32>,
      %parallel_loop3A_383 = vector.shape_cast %parallel_loop3A_382 : vector<1x1x16xf32> to vector<16xf32>
      %parallel_loop3A_384 = arith.constant 2 : i32
      %parallel_loop3A_385 = arith.constant 1 : i32
      %parallel_loop3A_386 = arith.index_cast %parallel_loop3A_384 : i32 to index
      %parallel_loop3A_387 = arith.index_cast %parallel_loop3A_385 : i32 to index
      %parallel_loop3A_388 = arith.index_cast %parallel_loop3A_361 : i32 to index
      %parallel_loop3A_389 = tpu.vector_load %arg5[%parallel_loop3A_386, %parallel_loop3A_387, %parallel_loop3A_388] {strides = array<i32>} : memref<4x8x1024xf32, #tpu.memory_space<vmem>>, vector<1x1x16xf32>,
      %parallel_loop3A_390 = vector.shape_cast %parallel_loop3A_389 : vector<1x1x16xf32> to vector<16xf32>
      %parallel_loop3A_391 = vector.shape_cast %parallel_loop3A_383 : vector<16xf32> to vector<1x1x16xf32>
      tpu.vector_store %arg5[%parallel_loop3A_386, %parallel_loop3A_387, %parallel_loop3A_388], %parallel_loop3A_391 {add = true, strides = array<i32>} : memref<4x8x1024xf32, #tpu.memory_space<vmem>>, vector<1x1x16xf32>,
      %parallel_loop3A_392 = arith.constant 2 : i32
      %parallel_loop3A_393 = arith.constant 2 : i32
      %parallel_loop3A_394 = arith.index_cast %parallel_loop3A_392 : i32 to index
      %parallel_loop3A_395 = arith.index_cast %parallel_loop3A_393 : i32 to index
      %parallel_loop3A_396 = arith.index_cast %parallel_loop3A_361 : i32 to index
      %parallel_loop3A_397 = tpu.vector_load %arg6[%parallel_loop3A_394, %parallel_loop3A_395, %parallel_loop3A_396] {strides = array<i32>} : memref<4x8x1024xf32, #tpu.memory_space<vmem>>, vector<1x1x16xf32>,
      %parallel_loop3A_398 = vector.shape_cast %parallel_loop3A_397 : vector<1x1x16xf32> to vector<16xf32>
      %parallel_loop3A_399 = arith.constant 2 : i32
      %parallel_loop3A_400 = arith.constant 2 : i32
      %parallel_loop3A_401 = arith.index_cast %parallel_loop3A_399 : i32 to index
      %parallel_loop3A_402 = arith.index_cast %parallel_loop3A_400 : i32 to index
      %parallel_loop3A_403 = arith.index_cast %parallel_loop3A_361 : i32 to index
      %parallel_loop3A_404 = tpu.vector_load %arg5[%parallel_loop3A_401, %parallel_loop3A_402, %parallel_loop3A_403] {strides = array<i32>} : memref<4x8x1024xf32, #tpu.memory_space<vmem>>, vector<1x1x16xf32>,
      %parallel_loop3A_405 = vector.shape_cast %parallel_loop3A_404 : vector<1x1x16xf32> to vector<16xf32>
      %parallel_loop3A_406 = vector.shape_cast %parallel_loop3A_398 : vector<16xf32> to vector<1x1x16xf32>
      tpu.vector_store %arg5[%parallel_loop3A_401, %parallel_loop3A_402, %parallel_loop3A_403], %parallel_loop3A_406 {add = true, strides = array<i32>} : memref<4x8x1024xf32, #tpu.memory_space<vmem>>, vector<1x1x16xf32>,
      %parallel_loop3A_407 = arith.constant 2 : i32
      %parallel_loop3A_408 = arith.constant 3 : i32
      %parallel_loop3A_409 = arith.index_cast %parallel_loop3A_407 : i32 to index
      %parallel_loop3A_410 = arith.index_cast %parallel_loop3A_408 : i32 to index
      %parallel_loop3A_411 = arith.index_cast %parallel_loop3A_361 : i32 to index
      %parallel_loop3A_412 = tpu.vector_load %arg6[%parallel_loop3A_409, %parallel_loop3A_410, %parallel_loop3A_411] {strides = array<i32>} : memref<4x8x1024xf32, #tpu.memory_space<vmem>>, vector<1x1x16xf32>,
      %parallel_loop3A_413 = vector.shape_cast %parallel_loop3A_412 : vector<1x1x16xf32> to vector<16xf32>
      %parallel_loop3A_414 = arith.constant 2 : i32
      %parallel_loop3A_415 = arith.constant 3 : i32
      %parallel_loop3A_416 = arith.index_cast %parallel_loop3A_414 : i32 to index
      %parallel_loop3A_417 = arith.index_cast %parallel_loop3A_415 : i32 to index
      %parallel_loop3A_418 = arith.index_cast %parallel_loop3A_361 : i32 to index
      %parallel_loop3A_419 = tpu.vector_load %arg5[%parallel_loop3A_416, %parallel_loop3A_417, %parallel_loop3A_418] {strides = array<i32>} : memref<4x8x1024xf32, #tpu.memory_space<vmem>>, vector<1x1x16xf32>,
      %parallel_loop3A_420 = vector.shape_cast %parallel_loop3A_419 : vector<1x1x16xf32> to vector<16xf32>
      %parallel_loop3A_421 = vector.shape_cast %parallel_loop3A_413 : vector<16xf32> to vector<1x1x16xf32>
      tpu.vector_store %arg5[%parallel_loop3A_416, %parallel_loop3A_417, %parallel_loop3A_418], %parallel_loop3A_421 {add = true, strides = array<i32>} : memref<4x8x1024xf32, #tpu.memory_space<vmem>>, vector<1x1x16xf32>,
      %parallel_loop3A_422 = arith.constant 2 : i32
      %parallel_loop3A_423 = arith.constant 4 : i32
      %parallel_loop3A_424 = arith.index_cast %parallel_loop3A_422 : i32 to index
      %parallel_loop3A_425 = arith.index_cast %parallel_loop3A_423 : i32 to index
      %parallel_loop3A_426 = arith.index_cast %parallel_loop3A_361 : i32 to index
      %parallel_loop3A_427 = tpu.vector_load %arg6[%parallel_loop3A_424, %parallel_loop3A_425, %parallel_loop3A_426] {strides = array<i32>} : memref<4x8x1024xf32, #tpu.memory_space<vmem>>, vector<1x1x16xf32>,
      %parallel_loop3A_428 = vector.shape_cast %parallel_loop3A_427 : vector<1x1x16xf32> to vector<16xf32>
      %parallel_loop3A_429 = arith.constant 2 : i32
      %parallel_loop3A_430 = arith.constant 4 : i32
      %parallel_loop3A_431 = arith.index_cast %parallel_loop3A_429 : i32 to index
      %parallel_loop3A_432 = arith.index_cast %parallel_loop3A_430 : i32 to index
      %parallel_loop3A_433 = arith.index_cast %parallel_loop3A_361 : i32 to index
      %parallel_loop3A_434 = tpu.vector_load %arg5[%parallel_loop3A_431, %parallel_loop3A_432, %parallel_loop3A_433] {strides = array<i32>} : memref<4x8x1024xf32, #tpu.memory_space<vmem>>, vector<1x1x16xf32>,
      %parallel_loop3A_435 = vector.shape_cast %parallel_loop3A_434 : vector<1x1x16xf32> to vector<16xf32>
      %parallel_loop3A_436 = vector.shape_cast %parallel_loop3A_428 : vector<16xf32> to vector<1x1x16xf32>
      tpu.vector_store %arg5[%parallel_loop3A_431, %parallel_loop3A_432, %parallel_loop3A_433], %parallel_loop3A_436 {add = true, strides = array<i32>} : memref<4x8x1024xf32, #tpu.memory_space<vmem>>, vector<1x1x16xf32>,
      %parallel_loop3A_437 = arith.constant 2 : i32
      %parallel_loop3A_438 = arith.constant 5 : i32
      %parallel_loop3A_439 = arith.index_cast %parallel_loop3A_437 : i32 to index
      %parallel_loop3A_440 = arith.index_cast %parallel_loop3A_438 : i32 to index
      %parallel_loop3A_441 = arith.index_cast %parallel_loop3A_361 : i32 to index
      %parallel_loop3A_442 = tpu.vector_load %arg6[%parallel_loop3A_439, %parallel_loop3A_440, %parallel_loop3A_441] {strides = array<i32>} : memref<4x8x1024xf32, #tpu.memory_space<vmem>>, vector<1x1x16xf32>,
      %parallel_loop3A_443 = vector.shape_cast %parallel_loop3A_442 : vector<1x1x16xf32> to vector<16xf32>
      %parallel_loop3A_444 = arith.constant 2 : i32
      %parallel_loop3A_445 = arith.constant 5 : i32
      %parallel_loop3A_446 = arith.index_cast %parallel_loop3A_444 : i32 to index
      %parallel_loop3A_447 = arith.index_cast %parallel_loop3A_445 : i32 to index
      %parallel_loop3A_448 = arith.index_cast %parallel_loop3A_361 : i32 to index
      %parallel_loop3A_449 = tpu.vector_load %arg5[%parallel_loop3A_446, %parallel_loop3A_447, %parallel_loop3A_448] {strides = array<i32>} : memref<4x8x1024xf32, #tpu.memory_space<vmem>>, vector<1x1x16xf32>,
      %parallel_loop3A_450 = vector.shape_cast %parallel_loop3A_449 : vector<1x1x16xf32> to vector<16xf32>
      %parallel_loop3A_451 = vector.shape_cast %parallel_loop3A_443 : vector<16xf32> to vector<1x1x16xf32>
      tpu.vector_store %arg5[%parallel_loop3A_446, %parallel_loop3A_447, %parallel_loop3A_448], %parallel_loop3A_451 {add = true, strides = array<i32>} : memref<4x8x1024xf32, #tpu.memory_space<vmem>>, vector<1x1x16xf32>,
      %parallel_loop3A_452 = arith.constant 2 : i32
      %parallel_loop3A_453 = arith.constant 6 : i32
      %parallel_loop3A_454 = arith.index_cast %parallel_loop3A_452 : i32 to index
      %parallel_loop3A_455 = arith.index_cast %parallel_loop3A_453 : i32 to index
      %parallel_loop3A_456 = arith.index_cast %parallel_loop3A_361 : i32 to index
      %parallel_loop3A_457 = tpu.vector_load %arg6[%parallel_loop3A_454, %parallel_loop3A_455, %parallel_loop3A_456] {strides = array<i32>} : memref<4x8x1024xf32, #tpu.memory_space<vmem>>, vector<1x1x16xf32>,
      %parallel_loop3A_458 = vector.shape_cast %parallel_loop3A_457 : vector<1x1x16xf32> to vector<16xf32>
      %parallel_loop3A_459 = arith.constant 2 : i32
      %parallel_loop3A_460 = arith.constant 6 : i32
      %parallel_loop3A_461 = arith.index_cast %parallel_loop3A_459 : i32 to index
      %parallel_loop3A_462 = arith.index_cast %parallel_loop3A_460 : i32 to index
      %parallel_loop3A_463 = arith.index_cast %parallel_loop3A_361 : i32 to index
      %parallel_loop3A_464 = tpu.vector_load %arg5[%parallel_loop3A_461, %parallel_loop3A_462, %parallel_loop3A_463] {strides = array<i32>} : memref<4x8x1024xf32, #tpu.memory_space<vmem>>, vector<1x1x16xf32>,
      %parallel_loop3A_465 = vector.shape_cast %parallel_loop3A_464 : vector<1x1x16xf32> to vector<16xf32>
      %parallel_loop3A_466 = vector.shape_cast %parallel_loop3A_458 : vector<16xf32> to vector<1x1x16xf32>
      tpu.vector_store %arg5[%parallel_loop3A_461, %parallel_loop3A_462, %parallel_loop3A_463], %parallel_loop3A_466 {add = true, strides = array<i32>} : memref<4x8x1024xf32, #tpu.memory_space<vmem>>, vector<1x1x16xf32>,
      %parallel_loop3A_467 = arith.constant 2 : i32
      %parallel_loop3A_468 = arith.constant 7 : i32
      %parallel_loop3A_469 = arith.index_cast %parallel_loop3A_467 : i32 to index
      %parallel_loop3A_470 = arith.index_cast %parallel_loop3A_468 : i32 to index
      %parallel_loop3A_471 = arith.index_cast %parallel_loop3A_361 : i32 to index
      %parallel_loop3A_472 = tpu.vector_load %arg6[%parallel_loop3A_469, %parallel_loop3A_470, %parallel_loop3A_471] {strides = array<i32>} : memref<4x8x1024xf32, #tpu.memory_space<vmem>>, vector<1x1x16xf32>,
      %parallel_loop3A_473 = vector.shape_cast %parallel_loop3A_472 : vector<1x1x16xf32> to vector<16xf32>
      %parallel_loop3A_474 = arith.constant 2 : i32
      %parallel_loop3A_475 = arith.constant 7 : i32
      %parallel_loop3A_476 = arith.index_cast %parallel_loop3A_474 : i32 to index
      %parallel_loop3A_477 = arith.index_cast %parallel_loop3A_475 : i32 to index
      %parallel_loop3A_478 = arith.index_cast %parallel_loop3A_361 : i32 to index
      %parallel_loop3A_479 = tpu.vector_load %arg5[%parallel_loop3A_476, %parallel_loop3A_477, %parallel_loop3A_478] {strides = array<i32>} : memref<4x8x1024xf32, #tpu.memory_space<vmem>>, vector<1x1x16xf32>,
      %parallel_loop3A_480 = vector.shape_cast %parallel_loop3A_479 : vector<1x1x16xf32> to vector<16xf32>
      %parallel_loop3A_481 = vector.shape_cast %parallel_loop3A_473 : vector<16xf32> to vector<1x1x16xf32>
      tpu.vector_store %arg5[%parallel_loop3A_476, %parallel_loop3A_477, %parallel_loop3A_478], %parallel_loop3A_481 {add = true, strides = array<i32>} : memref<4x8x1024xf32, #tpu.memory_space<vmem>>, vector<1x1x16xf32>,
    } {sc.loop_unroll_factor = 1 : i64, sc.parallel_access}
    %add3A_240 = arith.constant 240 : i32
    %add3A_241 = arith.addi %mul3A_2, %add3A_240 : i32
    %dma_start3A_242 = arith.constant 2 : i32
    %dma_start3A_243 = arith.constant 0 : i32
    %dma_start3A_244 = arith.constant 0 : i32
    %dma_start3A_245 = tpu.memref_slice %arg5[%dma_start3A_242, %dma_start3A_243, %dma_start3A_244] : memref<4x8x1024xf32, #tpu.memory_space<vmem>> -> memref<1x8x1024xf32, #tpu.memory_space<vmem>>
    %dma_start3A_246 = tpu.memref_squeeze %dma_start3A_245 : memref<1x8x1024xf32, #tpu.memory_space<vmem>> -> memref<8x1024xf32, #tpu.memory_space<vmem>>
    %dma_start3A_247 = arith.constant 0 : i32
    %dma_start3A_248 = tpu.memref_slice %arg4[%add3A_241, %dma_start3A_247] : memref<8192x1024xf32, #tpu.memory_space<hbm>> -> memref<8x1024xf32, #tpu.memory_space<hbm>>
    %dma_start3A_249 = arith.constant 0 : i32
    %dma_start3A_250 = tpu.memref_slice %arg4[%add3A_241, %dma_start3A_249] : memref<8192x1024xf32, #tpu.memory_space<hbm>> -> memref<8x1024xf32, #tpu.memory_space<hbm>>
    %dma_start3A_251 = arith.constant 0 : i32
    %dma_start3A_252 = arith.constant 0 : i32
    %dma_start3A_253 = tpu.memref_slice %arg5[%dma_start3A_242, %dma_start3A_251, %dma_start3A_252] : memref<4x8x1024xf32, #tpu.memory_space<vmem>> -> memref<1x8x1024xf32, #tpu.memory_space<vmem>>
    %dma_start3A_254 = tpu.memref_squeeze %dma_start3A_253 : memref<1x8x1024xf32, #tpu.memory_space<vmem>> -> memref<8x1024xf32, #tpu.memory_space<vmem>>
    tpu.enqueue_dma source(%dma_start3A_254 : memref<8x1024xf32, #tpu.memory_space<vmem>>) target(%dma_start3A_250 : memref<8x1024xf32, #tpu.memory_space<hbm>>) target_semaphore(%arg17 : memref<!tpu.dma_semaphore, #tpu.memory_space<semaphore_mem>>)
    %add3A_255 = arith.constant 248 : i32
    %add3A_256 = arith.addi %mul3A_2, %add3A_255 : i32
    %dma_wait3A_257 = arith.constant 3 : i32
    %dma_wait3A_258 = arith.constant 0 : i32
    %dma_wait3A_259 = arith.constant 0 : i32
    %dma_wait3A_260 = tpu.memref_slice %arg5[%dma_wait3A_257, %dma_wait3A_258, %dma_wait3A_259] : memref<4x8x1024xf32, #tpu.memory_space<vmem>> -> memref<1x8x1024xf32, #tpu.memory_space<vmem>>
    %dma_wait3A_261 = tpu.memref_squeeze %dma_wait3A_260 : memref<1x8x1024xf32, #tpu.memory_space<vmem>> -> memref<8x1024xf32, #tpu.memory_space<vmem>>
    %dma_wait3A_262 = arith.constant 0 : i32
    %dma_wait3A_263 = tpu.memref_slice %arg2[%add3A_256, %dma_wait3A_262] : memref<8192x1024xf32, #tpu.memory_space<hbm>> -> memref<8x1024xf32, #tpu.memory_space<hbm>>
    %dma_wait3A_264 = arith.constant 0 : i32
    %dma_wait3A_265 = arith.constant 0 : i32
    %dma_wait3A_266 = tpu.memref_slice %arg5[%dma_wait3A_257, %dma_wait3A_264, %dma_wait3A_265] : memref<4x8x1024xf32, #tpu.memory_space<vmem>> -> memref<1x8x1024xf32, #tpu.memory_space<vmem>>
    %dma_wait3A_267 = tpu.memref_squeeze %dma_wait3A_266 : memref<1x8x1024xf32, #tpu.memory_space<vmem>> -> memref<8x1024xf32, #tpu.memory_space<vmem>>
    %dma_wait3A_268 = arith.constant 0 : i32
    %dma_wait3A_269 = tpu.memref_slice %arg2[%add3A_256, %dma_wait3A_268] : memref<8192x1024xf32, #tpu.memory_space<hbm>> -> memref<8x1024xf32, #tpu.memory_space<hbm>>
    tpu.wait_dma2 semaphore(%arg10 : memref<!tpu.dma_semaphore, #tpu.memory_space<semaphore_mem>>) src(%dma_wait3A_269 : memref<8x1024xf32, #tpu.memory_space<hbm>>) dst(%dma_wait3A_267 : memref<8x1024xf32, #tpu.memory_space<vmem>>)
    %dma_wait3A_270 = arith.constant 3 : i32
    %dma_wait3A_271 = arith.constant 0 : i32
    %dma_wait3A_272 = arith.constant 0 : i32
    %dma_wait3A_273 = tpu.memref_slice %arg6[%dma_wait3A_270, %dma_wait3A_271, %dma_wait3A_272] : memref<4x8x1024xf32, #tpu.memory_space<vmem>> -> memref<1x8x1024xf32, #tpu.memory_space<vmem>>
    %dma_wait3A_274 = tpu.memref_squeeze %dma_wait3A_273 : memref<1x8x1024xf32, #tpu.memory_space<vmem>> -> memref<8x1024xf32, #tpu.memory_space<vmem>>
    %dma_wait3A_275 = arith.constant 0 : i32
    %dma_wait3A_276 = tpu.memref_slice %arg3[%add3A_256, %dma_wait3A_275] : memref<8192x1024xf32, #tpu.memory_space<hbm>> -> memref<8x1024xf32, #tpu.memory_space<hbm>>
    %dma_wait3A_277 = arith.constant 0 : i32
    %dma_wait3A_278 = arith.constant 0 : i32
    %dma_wait3A_279 = tpu.memref_slice %arg6[%dma_wait3A_270, %dma_wait3A_277, %dma_wait3A_278] : memref<4x8x1024xf32, #tpu.memory_space<vmem>> -> memref<1x8x1024xf32, #tpu.memory_space<vmem>>
    %dma_wait3A_280 = tpu.memref_squeeze %dma_wait3A_279 : memref<1x8x1024xf32, #tpu.memory_space<vmem>> -> memref<8x1024xf32, #tpu.memory_space<vmem>>
    %dma_wait3A_281 = arith.constant 0 : i32
    %dma_wait3A_282 = tpu.memref_slice %arg3[%add3A_256, %dma_wait3A_281] : memref<8192x1024xf32, #tpu.memory_space<hbm>> -> memref<8x1024xf32, #tpu.memory_space<hbm>>
    tpu.wait_dma2 semaphore(%arg14 : memref<!tpu.dma_semaphore, #tpu.memory_space<semaphore_mem>>) src(%dma_wait3A_282 : memref<8x1024xf32, #tpu.memory_space<hbm>>) dst(%dma_wait3A_280 : memref<8x1024xf32, #tpu.memory_space<vmem>>)
    %parallel_loop3A_283 = arith.constant 0 : i32
    %parallel_loop3A_284 = arith.constant 1024 : i32
    %parallel_loop3A_285 = arith.constant 16 : i32
    scf.for %parallel_loop3A_361 = %parallel_loop3A_283 to %parallel_loop3A_284 step %parallel_loop3A_285  : i32 {
      %parallel_loop3A_362 = arith.constant 3 : i32
      %parallel_loop3A_363 = arith.constant 0 : i32
      %parallel_loop3A_364 = arith.index_cast %parallel_loop3A_362 : i32 to index
      %parallel_loop3A_365 = arith.index_cast %parallel_loop3A_363 : i32 to index
      %parallel_loop3A_366 = arith.index_cast %parallel_loop3A_361 : i32 to index
      %parallel_loop3A_367 = tpu.vector_load %arg6[%parallel_loop3A_364, %parallel_loop3A_365, %parallel_loop3A_366] {strides = array<i32>} : memref<4x8x1024xf32, #tpu.memory_space<vmem>>, vector<1x1x16xf32>,
      %parallel_loop3A_368 = vector.shape_cast %parallel_loop3A_367 : vector<1x1x16xf32> to vector<16xf32>
      %parallel_loop3A_369 = arith.constant 3 : i32
      %parallel_loop3A_370 = arith.constant 0 : i32
      %parallel_loop3A_371 = arith.index_cast %parallel_loop3A_369 : i32 to index
      %parallel_loop3A_372 = arith.index_cast %parallel_loop3A_370 : i32 to index
      %parallel_loop3A_373 = arith.index_cast %parallel_loop3A_361 : i32 to index
      %parallel_loop3A_374 = tpu.vector_load %arg5[%parallel_loop3A_371, %parallel_loop3A_372, %parallel_loop3A_373] {strides = array<i32>} : memref<4x8x1024xf32, #tpu.memory_space<vmem>>, vector<1x1x16xf32>,
      %parallel_loop3A_375 = vector.shape_cast %parallel_loop3A_374 : vector<1x1x16xf32> to vector<16xf32>
      %parallel_loop3A_376 = vector.shape_cast %parallel_loop3A_368 : vector<16xf32> to vector<1x1x16xf32>
      tpu.vector_store %arg5[%parallel_loop3A_371, %parallel_loop3A_372, %parallel_loop3A_373], %parallel_loop3A_376 {add = true, strides = array<i32>} : memref<4x8x1024xf32, #tpu.memory_space<vmem>>, vector<1x1x16xf32>,
      %parallel_loop3A_377 = arith.constant 3 : i32
      %parallel_loop3A_378 = arith.constant 1 : i32
      %parallel_loop3A_379 = arith.index_cast %parallel_loop3A_377 : i32 to index
      %parallel_loop3A_380 = arith.index_cast %parallel_loop3A_378 : i32 to index
      %parallel_loop3A_381 = arith.index_cast %parallel_loop3A_361 : i32 to index
      %parallel_loop3A_382 = tpu.vector_load %arg6[%parallel_loop3A_379, %parallel_loop3A_380, %parallel_loop3A_381] {strides = array<i32>} : memref<4x8x1024xf32, #tpu.memory_space<vmem>>, vector<1x1x16xf32>,
      %parallel_loop3A_383 = vector.shape_cast %parallel_loop3A_382 : vector<1x1x16xf32> to vector<16xf32>
      %parallel_loop3A_384 = arith.constant 3 : i32
      %parallel_loop3A_385 = arith.constant 1 : i32
      %parallel_loop3A_386 = arith.index_cast %parallel_loop3A_384 : i32 to index
      %parallel_loop3A_387 = arith.index_cast %parallel_loop3A_385 : i32 to index
      %parallel_loop3A_388 = arith.index_cast %parallel_loop3A_361 : i32 to index
      %parallel_loop3A_389 = tpu.vector_load %arg5[%parallel_loop3A_386, %parallel_loop3A_387, %parallel_loop3A_388] {strides = array<i32>} : memref<4x8x1024xf32, #tpu.memory_space<vmem>>, vector<1x1x16xf32>,
      %parallel_loop3A_390 = vector.shape_cast %parallel_loop3A_389 : vector<1x1x16xf32> to vector<16xf32>
      %parallel_loop3A_391 = vector.shape_cast %parallel_loop3A_383 : vector<16xf32> to vector<1x1x16xf32>
      tpu.vector_store %arg5[%parallel_loop3A_386, %parallel_loop3A_387, %parallel_loop3A_388], %parallel_loop3A_391 {add = true, strides = array<i32>} : memref<4x8x1024xf32, #tpu.memory_space<vmem>>, vector<1x1x16xf32>,
      %parallel_loop3A_392 = arith.constant 3 : i32
      %parallel_loop3A_393 = arith.constant 2 : i32
      %parallel_loop3A_394 = arith.index_cast %parallel_loop3A_392 : i32 to index
      %parallel_loop3A_395 = arith.index_cast %parallel_loop3A_393 : i32 to index
      %parallel_loop3A_396 = arith.index_cast %parallel_loop3A_361 : i32 to index
      %parallel_loop3A_397 = tpu.vector_load %arg6[%parallel_loop3A_394, %parallel_loop3A_395, %parallel_loop3A_396] {strides = array<i32>} : memref<4x8x1024xf32, #tpu.memory_space<vmem>>, vector<1x1x16xf32>,
      %parallel_loop3A_398 = vector.shape_cast %parallel_loop3A_397 : vector<1x1x16xf32> to vector<16xf32>
      %parallel_loop3A_399 = arith.constant 3 : i32
      %parallel_loop3A_400 = arith.constant 2 : i32
      %parallel_loop3A_401 = arith.index_cast %parallel_loop3A_399 : i32 to index
      %parallel_loop3A_402 = arith.index_cast %parallel_loop3A_400 : i32 to index
      %parallel_loop3A_403 = arith.index_cast %parallel_loop3A_361 : i32 to index
      %parallel_loop3A_404 = tpu.vector_load %arg5[%parallel_loop3A_401, %parallel_loop3A_402, %parallel_loop3A_403] {strides = array<i32>} : memref<4x8x1024xf32, #tpu.memory_space<vmem>>, vector<1x1x16xf32>,
      %parallel_loop3A_405 = vector.shape_cast %parallel_loop3A_404 : vector<1x1x16xf32> to vector<16xf32>
      %parallel_loop3A_406 = vector.shape_cast %parallel_loop3A_398 : vector<16xf32> to vector<1x1x16xf32>
      tpu.vector_store %arg5[%parallel_loop3A_401, %parallel_loop3A_402, %parallel_loop3A_403], %parallel_loop3A_406 {add = true, strides = array<i32>} : memref<4x8x1024xf32, #tpu.memory_space<vmem>>, vector<1x1x16xf32>,
      %parallel_loop3A_407 = arith.constant 3 : i32
      %parallel_loop3A_408 = arith.constant 3 : i32
      %parallel_loop3A_409 = arith.index_cast %parallel_loop3A_407 : i32 to index
      %parallel_loop3A_410 = arith.index_cast %parallel_loop3A_408 : i32 to index
      %parallel_loop3A_411 = arith.index_cast %parallel_loop3A_361 : i32 to index
      %parallel_loop3A_412 = tpu.vector_load %arg6[%parallel_loop3A_409, %parallel_loop3A_410, %parallel_loop3A_411] {strides = array<i32>} : memref<4x8x1024xf32, #tpu.memory_space<vmem>>, vector<1x1x16xf32>,
      %parallel_loop3A_413 = vector.shape_cast %parallel_loop3A_412 : vector<1x1x16xf32> to vector<16xf32>
      %parallel_loop3A_414 = arith.constant 3 : i32
      %parallel_loop3A_415 = arith.constant 3 : i32
      %parallel_loop3A_416 = arith.index_cast %parallel_loop3A_414 : i32 to index
      %parallel_loop3A_417 = arith.index_cast %parallel_loop3A_415 : i32 to index
      %parallel_loop3A_418 = arith.index_cast %parallel_loop3A_361 : i32 to index
      %parallel_loop3A_419 = tpu.vector_load %arg5[%parallel_loop3A_416, %parallel_loop3A_417, %parallel_loop3A_418] {strides = array<i32>} : memref<4x8x1024xf32, #tpu.memory_space<vmem>>, vector<1x1x16xf32>,
      %parallel_loop3A_420 = vector.shape_cast %parallel_loop3A_419 : vector<1x1x16xf32> to vector<16xf32>
      %parallel_loop3A_421 = vector.shape_cast %parallel_loop3A_413 : vector<16xf32> to vector<1x1x16xf32>
      tpu.vector_store %arg5[%parallel_loop3A_416, %parallel_loop3A_417, %parallel_loop3A_418], %parallel_loop3A_421 {add = true, strides = array<i32>} : memref<4x8x1024xf32, #tpu.memory_space<vmem>>, vector<1x1x16xf32>,
      %parallel_loop3A_422 = arith.constant 3 : i32
      %parallel_loop3A_423 = arith.constant 4 : i32
      %parallel_loop3A_424 = arith.index_cast %parallel_loop3A_422 : i32 to index
      %parallel_loop3A_425 = arith.index_cast %parallel_loop3A_423 : i32 to index
      %parallel_loop3A_426 = arith.index_cast %parallel_loop3A_361 : i32 to index
      %parallel_loop3A_427 = tpu.vector_load %arg6[%parallel_loop3A_424, %parallel_loop3A_425, %parallel_loop3A_426] {strides = array<i32>} : memref<4x8x1024xf32, #tpu.memory_space<vmem>>, vector<1x1x16xf32>,
      %parallel_loop3A_428 = vector.shape_cast %parallel_loop3A_427 : vector<1x1x16xf32> to vector<16xf32>
      %parallel_loop3A_429 = arith.constant 3 : i32
      %parallel_loop3A_430 = arith.constant 4 : i32
      %parallel_loop3A_431 = arith.index_cast %parallel_loop3A_429 : i32 to index
      %parallel_loop3A_432 = arith.index_cast %parallel_loop3A_430 : i32 to index
      %parallel_loop3A_433 = arith.index_cast %parallel_loop3A_361 : i32 to index
      %parallel_loop3A_434 = tpu.vector_load %arg5[%parallel_loop3A_431, %parallel_loop3A_432, %parallel_loop3A_433] {strides = array<i32>} : memref<4x8x1024xf32, #tpu.memory_space<vmem>>, vector<1x1x16xf32>,
      %parallel_loop3A_435 = vector.shape_cast %parallel_loop3A_434 : vector<1x1x16xf32> to vector<16xf32>
      %parallel_loop3A_436 = vector.shape_cast %parallel_loop3A_428 : vector<16xf32> to vector<1x1x16xf32>
      tpu.vector_store %arg5[%parallel_loop3A_431, %parallel_loop3A_432, %parallel_loop3A_433], %parallel_loop3A_436 {add = true, strides = array<i32>} : memref<4x8x1024xf32, #tpu.memory_space<vmem>>, vector<1x1x16xf32>,
      %parallel_loop3A_437 = arith.constant 3 : i32
      %parallel_loop3A_438 = arith.constant 5 : i32
      %parallel_loop3A_439 = arith.index_cast %parallel_loop3A_437 : i32 to index
      %parallel_loop3A_440 = arith.index_cast %parallel_loop3A_438 : i32 to index
      %parallel_loop3A_441 = arith.index_cast %parallel_loop3A_361 : i32 to index
      %parallel_loop3A_442 = tpu.vector_load %arg6[%parallel_loop3A_439, %parallel_loop3A_440, %parallel_loop3A_441] {strides = array<i32>} : memref<4x8x1024xf32, #tpu.memory_space<vmem>>, vector<1x1x16xf32>,
      %parallel_loop3A_443 = vector.shape_cast %parallel_loop3A_442 : vector<1x1x16xf32> to vector<16xf32>
      %parallel_loop3A_444 = arith.constant 3 : i32
      %parallel_loop3A_445 = arith.constant 5 : i32
      %parallel_loop3A_446 = arith.index_cast %parallel_loop3A_444 : i32 to index
      %parallel_loop3A_447 = arith.index_cast %parallel_loop3A_445 : i32 to index
      %parallel_loop3A_448 = arith.index_cast %parallel_loop3A_361 : i32 to index
      %parallel_loop3A_449 = tpu.vector_load %arg5[%parallel_loop3A_446, %parallel_loop3A_447, %parallel_loop3A_448] {strides = array<i32>} : memref<4x8x1024xf32, #tpu.memory_space<vmem>>, vector<1x1x16xf32>,
      %parallel_loop3A_450 = vector.shape_cast %parallel_loop3A_449 : vector<1x1x16xf32> to vector<16xf32>
      %parallel_loop3A_451 = vector.shape_cast %parallel_loop3A_443 : vector<16xf32> to vector<1x1x16xf32>
      tpu.vector_store %arg5[%parallel_loop3A_446, %parallel_loop3A_447, %parallel_loop3A_448], %parallel_loop3A_451 {add = true, strides = array<i32>} : memref<4x8x1024xf32, #tpu.memory_space<vmem>>, vector<1x1x16xf32>,
      %parallel_loop3A_452 = arith.constant 3 : i32
      %parallel_loop3A_453 = arith.constant 6 : i32
      %parallel_loop3A_454 = arith.index_cast %parallel_loop3A_452 : i32 to index
      %parallel_loop3A_455 = arith.index_cast %parallel_loop3A_453 : i32 to index
      %parallel_loop3A_456 = arith.index_cast %parallel_loop3A_361 : i32 to index
      %parallel_loop3A_457 = tpu.vector_load %arg6[%parallel_loop3A_454, %parallel_loop3A_455, %parallel_loop3A_456] {strides = array<i32>} : memref<4x8x1024xf32, #tpu.memory_space<vmem>>, vector<1x1x16xf32>,
      %parallel_loop3A_458 = vector.shape_cast %parallel_loop3A_457 : vector<1x1x16xf32> to vector<16xf32>
      %parallel_loop3A_459 = arith.constant 3 : i32
      %parallel_loop3A_460 = arith.constant 6 : i32
      %parallel_loop3A_461 = arith.index_cast %parallel_loop3A_459 : i32 to index
      %parallel_loop3A_462 = arith.index_cast %parallel_loop3A_460 : i32 to index
      %parallel_loop3A_463 = arith.index_cast %parallel_loop3A_361 : i32 to index
      %parallel_loop3A_464 = tpu.vector_load %arg5[%parallel_loop3A_461, %parallel_loop3A_462, %parallel_loop3A_463] {strides = array<i32>} : memref<4x8x1024xf32, #tpu.memory_space<vmem>>, vector<1x1x16xf32>,
      %parallel_loop3A_465 = vector.shape_cast %parallel_loop3A_464 : vector<1x1x16xf32> to vector<16xf32>
      %parallel_loop3A_466 = vector.shape_cast %parallel_loop3A_458 : vector<16xf32> to vector<1x1x16xf32>
      tpu.vector_store %arg5[%parallel_loop3A_461, %parallel_loop3A_462, %parallel_loop3A_463], %parallel_loop3A_466 {add = true, strides = array<i32>} : memref<4x8x1024xf32, #tpu.memory_space<vmem>>, vector<1x1x16xf32>,
      %parallel_loop3A_467 = arith.constant 3 : i32
      %parallel_loop3A_468 = arith.constant 7 : i32
      %parallel_loop3A_469 = arith.index_cast %parallel_loop3A_467 : i32 to index
      %parallel_loop3A_470 = arith.index_cast %parallel_loop3A_468 : i32 to index
      %parallel_loop3A_471 = arith.index_cast %parallel_loop3A_361 : i32 to index
      %parallel_loop3A_472 = tpu.vector_load %arg6[%parallel_loop3A_469, %parallel_loop3A_470, %parallel_loop3A_471] {strides = array<i32>} : memref<4x8x1024xf32, #tpu.memory_space<vmem>>, vector<1x1x16xf32>,
      %parallel_loop3A_473 = vector.shape_cast %parallel_loop3A_472 : vector<1x1x16xf32> to vector<16xf32>
      %parallel_loop3A_474 = arith.constant 3 : i32
      %parallel_loop3A_475 = arith.constant 7 : i32
      %parallel_loop3A_476 = arith.index_cast %parallel_loop3A_474 : i32 to index
      %parallel_loop3A_477 = arith.index_cast %parallel_loop3A_475 : i32 to index
      %parallel_loop3A_478 = arith.index_cast %parallel_loop3A_361 : i32 to index
      %parallel_loop3A_479 = tpu.vector_load %arg5[%parallel_loop3A_476, %parallel_loop3A_477, %parallel_loop3A_478] {strides = array<i32>} : memref<4x8x1024xf32, #tpu.memory_space<vmem>>, vector<1x1x16xf32>,
      %parallel_loop3A_480 = vector.shape_cast %parallel_loop3A_479 : vector<1x1x16xf32> to vector<16xf32>
      %parallel_loop3A_481 = vector.shape_cast %parallel_loop3A_473 : vector<16xf32> to vector<1x1x16xf32>
      tpu.vector_store %arg5[%parallel_loop3A_476, %parallel_loop3A_477, %parallel_loop3A_478], %parallel_loop3A_481 {add = true, strides = array<i32>} : memref<4x8x1024xf32, #tpu.memory_space<vmem>>, vector<1x1x16xf32>,
    } {sc.loop_unroll_factor = 1 : i64, sc.parallel_access}
    %add3A_286 = arith.constant 248 : i32
    %add3A_287 = arith.addi %mul3A_2, %add3A_286 : i32
    %dma_start3A_288 = arith.constant 3 : i32
    %dma_start3A_289 = arith.constant 0 : i32
    %dma_start3A_290 = arith.constant 0 : i32
    %dma_start3A_291 = tpu.memref_slice %arg5[%dma_start3A_288, %dma_start3A_289, %dma_start3A_290] : memref<4x8x1024xf32, #tpu.memory_space<vmem>> -> memref<1x8x1024xf32, #tpu.memory_space<vmem>>
    %dma_start3A_292 = tpu.memref_squeeze %dma_start3A_291 : memref<1x8x1024xf32, #tpu.memory_space<vmem>> -> memref<8x1024xf32, #tpu.memory_space<vmem>>
    %dma_start3A_293 = arith.constant 0 : i32
    %dma_start3A_294 = tpu.memref_slice %arg4[%add3A_287, %dma_start3A_293] : memref<8192x1024xf32, #tpu.memory_space<hbm>> -> memref<8x1024xf32, #tpu.memory_space<hbm>>
    %dma_start3A_295 = arith.constant 0 : i32
    %dma_start3A_296 = tpu.memref_slice %arg4[%add3A_287, %dma_start3A_295] : memref<8192x1024xf32, #tpu.memory_space<hbm>> -> memref<8x1024xf32, #tpu.memory_space<hbm>>
    %dma_start3A_297 = arith.constant 0 : i32
    %dma_start3A_298 = arith.constant 0 : i32
    %dma_start3A_299 = tpu.memref_slice %arg5[%dma_start3A_288, %dma_start3A_297, %dma_start3A_298] : memref<4x8x1024xf32, #tpu.memory_space<vmem>> -> memref<1x8x1024xf32, #tpu.memory_space<vmem>>
    %dma_start3A_300 = tpu.memref_squeeze %dma_start3A_299 : memref<1x8x1024xf32, #tpu.memory_space<vmem>> -> memref<8x1024xf32, #tpu.memory_space<vmem>>
    tpu.enqueue_dma source(%dma_start3A_300 : memref<8x1024xf32, #tpu.memory_space<vmem>>) target(%dma_start3A_296 : memref<8x1024xf32, #tpu.memory_space<hbm>>) target_semaphore(%arg18 : memref<!tpu.dma_semaphore, #tpu.memory_space<semaphore_mem>>)
    %add3A_301 = arith.constant 224 : i32
    %add3A_302 = arith.addi %mul3A_2, %add3A_301 : i32
    %dma_wait3A_303 = arith.constant 0 : i32
    %dma_wait3A_304 = arith.constant 0 : i32
    %dma_wait3A_305 = arith.constant 0 : i32
    %dma_wait3A_306 = tpu.memref_slice %arg5[%dma_wait3A_303, %dma_wait3A_304, %dma_wait3A_305] : memref<4x8x1024xf32, #tpu.memory_space<vmem>> -> memref<1x8x1024xf32, #tpu.memory_space<vmem>>
    %dma_wait3A_307 = tpu.memref_squeeze %dma_wait3A_306 : memref<1x8x1024xf32, #tpu.memory_space<vmem>> -> memref<8x1024xf32, #tpu.memory_space<vmem>>
    %dma_wait3A_308 = arith.constant 0 : i32
    %dma_wait3A_309 = tpu.memref_slice %arg4[%add3A_302, %dma_wait3A_308] : memref<8192x1024xf32, #tpu.memory_space<hbm>> -> memref<8x1024xf32, #tpu.memory_space<hbm>>
    %dma_wait3A_310 = arith.constant 0 : i32
    %dma_wait3A_311 = tpu.memref_slice %arg4[%add3A_302, %dma_wait3A_310] : memref<8192x1024xf32, #tpu.memory_space<hbm>> -> memref<8x1024xf32, #tpu.memory_space<hbm>>
    %dma_wait3A_312 = arith.constant 0 : i32
    %dma_wait3A_313 = arith.constant 0 : i32
    %dma_wait3A_314 = tpu.memref_slice %arg5[%dma_wait3A_303, %dma_wait3A_312, %dma_wait3A_313] : memref<4x8x1024xf32, #tpu.memory_space<vmem>> -> memref<1x8x1024xf32, #tpu.memory_space<vmem>>
    %dma_wait3A_315 = tpu.memref_squeeze %dma_wait3A_314 : memref<1x8x1024xf32, #tpu.memory_space<vmem>> -> memref<8x1024xf32, #tpu.memory_space<vmem>>
    tpu.wait_dma2 semaphore(%arg15 : memref<!tpu.dma_semaphore, #tpu.memory_space<semaphore_mem>>) src(%dma_wait3A_315 : memref<8x1024xf32, #tpu.memory_space<vmem>>) dst(%dma_wait3A_311 : memref<8x1024xf32, #tpu.memory_space<hbm>>)
    %add3A_316 = arith.constant 232 : i32
    %add3A_317 = arith.addi %mul3A_2, %add3A_316 : i32
    %dma_wait3A_318 = arith.constant 1 : i32
    %dma_wait3A_319 = arith.constant 0 : i32
    %dma_wait3A_320 = arith.constant 0 : i32
    %dma_wait3A_321 = tpu.memref_slice %arg5[%dma_wait3A_318, %dma_wait3A_319, %dma_wait3A_320] : memref<4x8x1024xf32, #tpu.memory_space<vmem>> -> memref<1x8x1024xf32, #tpu.memory_space<vmem>>
    %dma_wait3A_322 = tpu.memref_squeeze %dma_wait3A_321 : memref<1x8x1024xf32, #tpu.memory_space<vmem>> -> memref<8x1024xf32, #tpu.memory_space<vmem>>
    %dma_wait3A_323 = arith.constant 0 : i32
    %dma_wait3A_324 = tpu.memref_slice %arg4[%add3A_317, %dma_wait3A_323] : memref<8192x1024xf32, #tpu.memory_space<hbm>> -> memref<8x1024xf32, #tpu.memory_space<hbm>>
    %dma_wait3A_325 = arith.constant 0 : i32
    %dma_wait3A_326 = tpu.memref_slice %arg4[%add3A_317, %dma_wait3A_325] : memref<8192x1024xf32, #tpu.memory_space<hbm>> -> memref<8x1024xf32, #tpu.memory_space<hbm>>
    %dma_wait3A_327 = arith.constant 0 : i32
    %dma_wait3A_328 = arith.constant 0 : i32
    %dma_wait3A_329 = tpu.memref_slice %arg5[%dma_wait3A_318, %dma_wait3A_327, %dma_wait3A_328] : memref<4x8x1024xf32, #tpu.memory_space<vmem>> -> memref<1x8x1024xf32, #tpu.memory_space<vmem>>
    %dma_wait3A_330 = tpu.memref_squeeze %dma_wait3A_329 : memref<1x8x1024xf32, #tpu.memory_space<vmem>> -> memref<8x1024xf32, #tpu.memory_space<vmem>>
    tpu.wait_dma2 semaphore(%arg16 : memref<!tpu.dma_semaphore, #tpu.memory_space<semaphore_mem>>) src(%dma_wait3A_330 : memref<8x1024xf32, #tpu.memory_space<vmem>>) dst(%dma_wait3A_326 : memref<8x1024xf32, #tpu.memory_space<hbm>>)
    %add3A_331 = arith.constant 240 : i32
    %add3A_332 = arith.addi %mul3A_2, %add3A_331 : i32
    %dma_wait3A_333 = arith.constant 2 : i32
    %dma_wait3A_334 = arith.constant 0 : i32
    %dma_wait3A_335 = arith.constant 0 : i32
    %dma_wait3A_336 = tpu.memref_slice %arg5[%dma_wait3A_333, %dma_wait3A_334, %dma_wait3A_335] : memref<4x8x1024xf32, #tpu.memory_space<vmem>> -> memref<1x8x1024xf32, #tpu.memory_space<vmem>>
    %dma_wait3A_337 = tpu.memref_squeeze %dma_wait3A_336 : memref<1x8x1024xf32, #tpu.memory_space<vmem>> -> memref<8x1024xf32, #tpu.memory_space<vmem>>
    %dma_wait3A_338 = arith.constant 0 : i32
    %dma_wait3A_339 = tpu.memref_slice %arg4[%add3A_332, %dma_wait3A_338] : memref<8192x1024xf32, #tpu.memory_space<hbm>> -> memref<8x1024xf32, #tpu.memory_space<hbm>>
    %dma_wait3A_340 = arith.constant 0 : i32
    %dma_wait3A_341 = tpu.memref_slice %arg4[%add3A_332, %dma_wait3A_340] : memref<8192x1024xf32, #tpu.memory_space<hbm>> -> memref<8x1024xf32, #tpu.memory_space<hbm>>
    %dma_wait3A_342 = arith.constant 0 : i32
    %dma_wait3A_343 = arith.constant 0 : i32
    %dma_wait3A_344 = tpu.memref_slice %arg5[%dma_wait3A_333, %dma_wait3A_342, %dma_wait3A_343] : memref<4x8x1024xf32, #tpu.memory_space<vmem>> -> memref<1x8x1024xf32, #tpu.memory_space<vmem>>
    %dma_wait3A_345 = tpu.memref_squeeze %dma_wait3A_344 : memref<1x8x1024xf32, #tpu.memory_space<vmem>> -> memref<8x1024xf32, #tpu.memory_space<vmem>>
    tpu.wait_dma2 semaphore(%arg17 : memref<!tpu.dma_semaphore, #tpu.memory_space<semaphore_mem>>) src(%dma_wait3A_345 : memref<8x1024xf32, #tpu.memory_space<vmem>>) dst(%dma_wait3A_341 : memref<8x1024xf32, #tpu.memory_space<hbm>>)
    %add3A_346 = arith.constant 248 : i32
    %add3A_347 = arith.addi %mul3A_2, %add3A_346 : i32
    %dma_wait3A_348 = arith.constant 3 : i32
    %dma_wait3A_349 = arith.constant 0 : i32
    %dma_wait3A_350 = arith.constant 0 : i32
    %dma_wait3A_351 = tpu.memref_slice %arg5[%dma_wait3A_348, %dma_wait3A_349, %dma_wait3A_350] : memref<4x8x1024xf32, #tpu.memory_space<vmem>> -> memref<1x8x1024xf32, #tpu.memory_space<vmem>>
    %dma_wait3A_352 = tpu.memref_squeeze %dma_wait3A_351 : memref<1x8x1024xf32, #tpu.memory_space<vmem>> -> memref<8x1024xf32, #tpu.memory_space<vmem>>
    %dma_wait3A_353 = arith.constant 0 : i32
    %dma_wait3A_354 = tpu.memref_slice %arg4[%add3A_347, %dma_wait3A_353] : memref<8192x1024xf32, #tpu.memory_space<hbm>> -> memref<8x1024xf32, #tpu.memory_space<hbm>>
    %dma_wait3A_355 = arith.constant 0 : i32
    %dma_wait3A_356 = tpu.memref_slice %arg4[%add3A_347, %dma_wait3A_355] : memref<8192x1024xf32, #tpu.memory_space<hbm>> -> memref<8x1024xf32, #tpu.memory_space<hbm>>
    %dma_wait3A_357 = arith.constant 0 : i32
    %dma_wait3A_358 = arith.constant 0 : i32
    %dma_wait3A_359 = tpu.memref_slice %arg5[%dma_wait3A_348, %dma_wait3A_357, %dma_wait3A_358] : memref<4x8x1024xf32, #tpu.memory_space<vmem>> -> memref<1x8x1024xf32, #tpu.memory_space<vmem>>
    %dma_wait3A_360 = tpu.memref_squeeze %dma_wait3A_359 : memref<1x8x1024xf32, #tpu.memory_space<vmem>> -> memref<8x1024xf32, #tpu.memory_space<vmem>>
    tpu.wait_dma2 semaphore(%arg18 : memref<!tpu.dma_semaphore, #tpu.memory_space<semaphore_mem>>) src(%dma_wait3A_360 : memref<8x1024xf32, #tpu.memory_space<vmem>>) dst(%dma_wait3A_356 : memref<8x1024xf32, #tpu.memory_space<hbm>>)
    return
  }
}

</mosaic_0001>

<sc_bundles>
// kernel: kernel.3.cloned.1.call-start
scs
__scs_entry_jumppad:
0x0: {  	(pc) =	sbr.rel $0x88, $3  }
0x1: {  	(tag) =	ssettag $0x0;
	lr =	simm.s32 $0x1  }
0x2: {  	[smem:$0x3F9F] =	sst lr;
	_ =	strace $0xD0000000  }
0x3: {  	_ = 	snop  }
0x4: {  	_ = 	snop  }
0x5: {  	_ = 	snop  }
0x6: {  	_ = 	snop  }
0x7: {  	_ = 	snop  }
__scs_overlays_trampoline_lowered:
0x8: {  	[smem:$0x3FAE] =	sst s0  }
0x9: {  	[smem:$0x3FAF] =	sst s1  }
0xa: {  	[smem:$0x3FB0] =	sst s2  }
0xb: {  	[smem:$0x3FB1] =	sst s3  }
0xc: {  	[smem:$0x3FB2] =	sst s4  }
0xd: {  	[smem:$0x3FB3] =	sst s5  }
0xe: {  	[smem:$0x3FB4] =	sst s6  }
0xf: {  	[smem:$0x3FB5] =	sst s7  }
0x10: {  	[smem:$0x3FB6] =	sst s8  }
0x11: {  	[smem:$0x3FB7] =	sst s9;
	s0 =	simm.s32 @!p0 $0x0  }
0x12: {  	s1 =	sld [smem:$0x3F9D];
	s0 =	simm.s32 @p0 $0x1  }
0x13: {  	[smem:$0x3FB8] =	sst s0;
	s0 =	simm.s32 @!p1 $0x0  }
0x14: {  	s2 =	sld [smem:$0x3F9C];
	s0 =	simm.s32 @p1 $0x1  }
0x15: {  	[smem:$0x3FB9] =	sst s0;
	s0 =	simm.s32 @!p2 $0x0  }
0x16: {  	s3 =	sld [smem:$0x3FDB];
	s0 =	simm.s32 @p2 $0x1  }
0x17: {  	s4 =	simm.s32 $0x1BF5;
	[smem:$0x3FBB] =	sst s0  }
0x18: {  	s0 =	sld [smem:$0x3F9E];
	_ =	swait.ge [sflag:s4], $0x0  }
0x19: {  	s7 =	sld [smem:$0x3F9F]  }
0x1a: {  	s8 =	sadd.s32 $0xFFFFE003, lr  }
0x1b: {  	s9 =	sadd.s32 $0xFFFFFEF7, lr;
	s5 =	simm.s32 $0xFFFFFFFF;
	p2 =	slt.u32 s8, $0xFFFFF086  }
0x1c: {  	p1 =	slt.u32 s9, $0xF7A;
	s5 =	simm.s32 @!p2 $0x0  }
0x1d: {  	s5 =	simm.s32 @p1 $0x1;
	p0 =	seq.s32 s7, s2  }
0x1e: {  	s7 =	smul.u32 @!p0 $0xF7A, s2;
	p2 =	seq.s32 @!p0 s5, $0x0  }
0x1f: {  	s9 =	smul.u32 $0xF7A, s1;
	s8 =	simm.s32 @!p0 $0x1BF5;
	p2 =	por !p2, p0  }
0x20: {  	[sflag:s8] =	ssyncset.s32 @!p0 $0xFFFFF086;
	s6 =	sadd.s32 @!p0 s3, s7;
	s7 =	simm.s32 @!p0 $0x108  }
0x21: {  	s3 =	sadd.s32 s3, s9;
	s6 =	sadd.s32 @!p0 $0x88, s6;
	s7 =	simm.s32 @p2 $0x1082  }
0x22: {  	[simem:s7], [sflag:s8] =	dma.local @!p0 [hbm:s6], $0xF7A  }
0x23: {  	s9 =	sor.u32 $0xD0000000, s2;
	s6 =	simm.s32 $0x108;
	_ =	swait.ge @!p0 [sflag:s8], $0x0  }
0x24: {  	s3 =	sadd.s32 $0x88, s3;
	s6 =	simm.s32 @!p1 $0x1082;
	[sflag:s4] =	ssyncset.s32 $0xFFFFF086  }
0x25: {  	[simem:s6], [sflag:s4] =	dma.local [hbm:s3], $0xF7A  }
0x26: {  	[smem:$0x3F9F] =	sst s1;
	(tag) =	ssettag s2;
	_ =	strace s9  }
0x27: {  	s1 =	sld [smem:$0x3FAF]  }
0x28: {  	s2 =	sld [smem:$0x3FB0]  }
0x29: {  	s4 =	sld [smem:$0x3FB2]  }
0x2a: {  	p0 =	seq.s32 s5, $0x0;
	s5 =	sld [smem:$0x3FB3]  }
0x2b: {  	s6 =	sld [smem:$0x3FB4]  }
0x2c: {  	s7 =	sld [smem:$0x3FB5]  }
0x2d: {  	s3 =	simm.s32 $0x108;
	s8 =	sld [smem:$0x3FB6]  }
0x2e: {  	s3 =	simm.s32 @!p0 $0x1082;
	s9 =	sld [smem:$0x3FB7]  }
0x2f: {  	lr =	sadd.s32 s0, s3;
	s0 =	sld [smem:$0x3FAE]  }
0x30: {  	s3 =	sld [smem:$0x3FB1]  }
0x31: {  	[smem:$0x3FBA] =	sst s10  }
0x32: {  	s10 =	sld [smem:$0x3FB8];
	_ =	sdelay $0x3  }
0x33: {  	p0 =	seq.s32 s10, $0x1;
	s10 =	sld [smem:$0x3FBA];
	_ =	sdelay $0x3  }
0x34: {  	[smem:$0x3FBA] =	sst s10  }
0x35: {  	s10 =	sld [smem:$0x3FB9];
	_ =	sdelay $0x3  }
0x36: {  	p1 =	seq.s32 s10, $0x1;
	s10 =	sld [smem:$0x3FBA];
	_ =	sdelay $0x3  }
0x37: {  	[smem:$0x3FBA] =	sst s10  }
0x38: {  	s10 =	sld [smem:$0x3FBB]  }
0x39: {  	_ = 	snop;
	(pc) =	sbr.ind lr, $3  }
0x3a: {  	_ = 	snop  }
0x3b: {  	_ = 	snop  }
0x3c: {  	p2 =	seq.s32 s10, $0x1;
	s10 =	sld [smem:$0x3FBA]  }
0x3d: {  	_ =	shalt  }
0x3e: {  	_ =	shalt  }
0x3f: {  	_ =	shalt  }
0x40: {  	_ =	shalt  }
0x41: {  	_ =	shalt  }
0x42: {  	_ =	shalt  }
0x43: {  	_ =	shalt  }
0x44: {  	_ =	shalt  }
0x45: {  	_ =	shalt  }
0x46: {  	_ =	shalt  }
0x47: {  	_ =	shalt  }
0x48: {  	_ =	shalt  }
0x49: {  	_ =	shalt  }
0x4a: {  	_ =	shalt  }
0x4b: {  	_ =	shalt  }
0x4c: {  	_ =	shalt  }
0x4d: {  	_ =	shalt  }
0x4e: {  	_ =	shalt  }
0x4f: {  	_ =	shalt  }
0x50: {  	_ =	shalt  }
0x51: {  	_ =	shalt  }
0x52: {  	_ =	shalt  }
0x53: {  	_ =	shalt  }
0x54: {  	_ =	shalt  }
0x55: {  	_ =	shalt  }
0x56: {  	_ =	shalt  }
0x57: {  	_ =	shalt  }
0x58: {  	_ =	shalt  }
0x59: {  	_ =	shalt  }
0x5a: {  	_ =	shalt  }
0x5b: {  	_ =	shalt  }
0x5c: {  	_ =	shalt  }
0x5d: {  	_ =	shalt  }
0x5e: {  	_ =	shalt  }
0x5f: {  	_ =	shalt  }
0x60: {  	_ =	shalt  }
0x61: {  	_ =	shalt  }
0x62: {  	_ =	shalt  }
0x63: {  	_ =	shalt  }
0x64: {  	_ =	shalt  }
0x65: {  	_ =	shalt  }
0x66: {  	_ =	shalt  }
0x67: {  	_ =	shalt  }
0x68: {  	_ =	shalt  }
0x69: {  	_ =	shalt  }
0x6a: {  	_ =	shalt  }
0x6b: {  	_ =	shalt  }
0x6c: {  	_ =	shalt  }
0x6d: {  	_ =	shalt  }
0x6e: {  	_ =	shalt  }
0x6f: {  	_ =	shalt  }
0x70: {  	_ =	shalt  }
0x71: {  	_ =	shalt  }
0x72: {  	_ =	shalt  }
0x73: {  	_ =	shalt  }
0x74: {  	_ =	shalt  }
0x75: {  	_ =	shalt  }
0x76: {  	_ =	shalt  }
0x77: {  	_ =	shalt  }
0x78: {  	_ =	shalt  }
0x79: {  	_ =	shalt  }
0x7a: {  	_ =	shalt  }
0x7b: {  	_ =	shalt  }
0x7c: {  	_ =	shalt  }
0x7d: {  	_ =	shalt  }
0x7e: {  	_ =	shalt  }
0x7f: {  	_ =	shalt  }
0x80: {  	_ =	shalt  }
0x81: {  	_ =	shalt  }
0x82: {  	_ =	shalt  }
0x83: {  	_ =	shalt  }
0x84: {  	_ =	shalt  }
0x85: {  	_ =	shalt  }
0x86: {  	_ =	shalt  }
0x87: {  	_ =	shalt  }
.Lfunc_end0:
.L_simem_size_0:
called_computation_lowered:
.L_overlay_start_0:
0x88: {  	s2 =	sld [smem:$0x3FD9]  }
0x89: {  	s3 =	sld [smem:$0x3FFE];
	_ =	sdelay $0x1  }
0x8a: {  	s1 =	srdreg.scid  }
0x8b: {  	s0 =	sand.u32 $0x1, s1  }
0x8c: {  	s18 =	sshll.u32 s0, $0xA;
	s2 =	sadd.s32 s3, s2  }
0x8d: {  	s2 =	sadd.s32 s2, s18  }
0x8e: {  	[smem:$0x3FC6] =	sst s2  }
0x8f: {  	_ = 	snop  }
0x90: {  	s2 =	sld [smem:$0x3FC9]  }
0x91: {  	s19 =	sld [smem:$0x3FC8]  }
0x92: {  	s4 =	sld [smem:$0x3FD0];
	(tm) =	ssettm $0x1  }
0x93: {  	s5 =	sld [smem:$0x3FFB];
	_ =	sdelay $0x3  }
0x94: {  	_ =	strace s5  }
0x95: {  	s5 =	sld [smem:$0x3FFC];
	_ =	sdelay $0x3  }
0x96: {  	_ =	strace s5  }
0x97: {  	s5 =	sld [smem:$0x3FFD];
	_ =	sdelay $0x3  }
0x98: {  	_ =	strace s5  }
0x99: {  	_ =	strace $0x8FFFFFFF  }
0x9a: {  	s20 =	sld [smem:$0x3FDB];
	_ =	sdelay $0x1  }
0x9b: {  	s6 =	simm.s32 $_scs_section_size  }
0x9c: {  	s7 =	simm.s32 $_size__tile_overlayer_lowered;
	s8 =	simm.s32 $_tile_overlayer_lowered  }
0x9d: {  	s23 =	simm.s32 $0x1BFF;
	s22 =	sshll.u32 s8, $0x1;
	s5 =	sadd.s32 s6, s20  }
0x9e: {  	s9 =	simm.s32 $0x0;
	s21 =	sshll.u32 s7, $0x1;
	s7 =	sadd.s32 s22, s5  }
0x9f: {  	[timem:s9], [sflag:s23] =	dma.local [hbm:s7], s21  }
0xa0: {  	_ =	swait.ge [sflag:s23], s21  }
0xa1: {  	s6 =	ssub.s32 $0x0, s21;
	[sflag:s23] =	ssyncset.done $0x0  }
0xa2: {  	[sflag:s23] =	ssyncadd.s32 s6;
	_ =	sdelay $0x1  }
0xa3: {  	s24 =	simm.s32 $0x1B8B  }
0xa4: {  	_ =	swait.ge [sflag:s24], $0x1  }
0xa5: {  	[sflag:s24] =	ssyncset.done $0x0  }
0xa6: {  	s25 =	simm.s32 $0x1B8E;
	[sflag:s24] =	ssyncadd.s32 $0xFFFFFFFF  }
0xa7: {  	s26 =	simm.s32 $execute0_lowered;
	[smem:$0x3FD2] =	sst s25  }
0xa8: {  	s6 =	sshll.u32 s26, $0x1;
	_ =	strace $0x80000046;
	[dreg:$0x1] =	wrdreg $0xFFFFFFFF  }
0xa9: {  	s28 =	simm.s32 $_size_execute0_lowered;
	s5 =	sadd.s32 s5, s6;
	[dreg:$0x0] =	wrdreg $0x0  }
0xaa: {  	s6 =	sshll.u32 s28, $0x1;
	[dreg:$0x2] =	wrdreg s5  }
0xab: {  	[dreg:$0x3] =	wrdreg s6  }
0xac: {  	[dreg:$0x4] =	wrdreg $0xC0  }
0xad: {  	_ =	task [dreg:s9], $0x5FFFF  }
0xae: {  	[dreg:$0x1] =	wrdreg $0xFFFFFFFF  }
0xaf: {  	[dreg:$0x0] =	wrdreg $0x60  }
0xb0: {  	[dreg:$0x2] =	wrdreg s2  }
0xb1: {  	[dreg:$0x3] =	wrdreg s19  }
0xb2: {  	[dreg:$0x4] =	wrdreg s4  }
0xb3: {  	[dreg:$0x5] =	wrdreg $0x9  }
0xb4: {  	_ =	task.clear_ibuf [dreg:s9], $0x6FFFF;
	_ =	strace $0x90000046  }
0xb5: {  	s29 =	simm.s32 $0x9;
	_ =	strace $0x80000048  }
0xb6: {  	_ =	swait.ge [sflag:s29], $0x1  }
0xb7: {  	[sflag:s29] =	ssyncadd.s32 $0xFFFFFFFF  }
0xb8: {  	_ =	strace $0x90000048  }
0xb9: {  	_ =	sfence  }
0xba: {  	s30 =	sld [smem:$0x0];
	_ =	sdelay $0x2  }
0xbb: {  	s31 =	sshll.u32 s1, $0xD;
	s1 =	sshrl.u32 s1, $0x2  }
0xbc: {  	s3 =	sand.u32 $0x4000, s31;
	s1 =	sadd.s32 s1, s30  }
0xbd: {  	s0 =	sor.u32 s3, s0;
	s1 =	sshll.u32 s1, $0x11  }
0xbe: {  	s0 =	sor.u32 s1, s0  }
0xbf: {  	s0 =	sadd.s32 $0x8F2B, s0  }
0xc0: {  	[sflag:s0] =	ssyncadd.remote.s32 $0x1  }
0xc1: {  	_ =	sfence.sel $0xFFFF  }
0xc2: {  	[dreg:$0x0] =	wrdreg $0xFFFFFFFF;
	(pc) =	sbr.abs _section_cstart, $3  }
0xc3: {  	[dreg:$0x1] =	wrdreg $0xFFFFFFFF  }
0xc4: {  	_ =	task.clear_ibuf [dreg:s9], $0x2FFFF;
	_ =	strace $0x9FFFFFFF  }
0xc5: {  	(tm) =	ssettm $0x7FFFFFFF  }
tec
execute0_lowered:
.L_overlay_start_1:
0x0: {  	(tag) =	ssettag $0x1  }
0x1: {  	s2 =	rddreg [dreg:$0x0]  }
0x2: {  	s3 =	rddreg [dreg:$0x1]  }
0x3: {  	s0 =	srdreg.scid;
	s29 =	rddreg [dreg:$0x2]  }
0x4: {  	s1 =	stileid.u32;
	s5 =	simm.s32 $0x0;
	s0 =	sand.u32 $0x1, s0  }
0x5: {  	s31 =	simm.s32 $0x6000;
	s1 =	sshll.u32 s1, $0x9;
	s4 =	sshll.u32 s0, $0x8  }
0x6: {  	s9 =	simm.s32 $0x9;
	[smem:$0x7FF] =	sst s5;
	s7 =	sor.u32 s4, s1  }
0x7: {  	_ =	strace $0x80000047;
	s23 =	sor.u32 $0x20, s7;
	[dreg:$0x4] =	wrdreg s7  }
0x8: {  	s10 =	simm.s32 $0x3;
	s24 =	sor.u32 $0x28, s7;
	[dreg:$0xe] =	wrdreg s23  }
0x9: {  	s11 =	simm.s32 $0x7;
	s25 =	sor.u32 $0x30, s7;
	[dreg:$0xf] =	wrdreg s24  }
0xa: {  	s4 =	sshll.u32 s7, $0x7;
	s26 =	sor.u32 $0x38, s7;
	[dreg:$0x10] =	wrdreg s25  }
0xb: {  	s0 =	ssub.s32 $0x2, s0;
	s6 =	sadd.s32 s2, s4;
	[dreg:$0x11] =	wrdreg s26  }
0xc: {  	s14 =	sshrl.u32 s0, $0x1;
	s16 =	sadd.s32 s3, s4;
	[dreg:$0x5] =	wrdreg s6  }
0xd: {  	s0 =	ssub.s32 s0, s14;
	s22 =	sadd.s32 s29, s4;
	[dreg:$0x6] =	wrdreg s16  }
0xe: {  	s15 =	sor.u32 $0x400, s4;
	s0 =	smax.u32 s0, $0x1;
	[dreg:$0xd] =	wrdreg s22  }
0xf: {  	s12 =	simm.s32 $0xA;
	s17 =	sadd.s32 s2, s15;
	[dreg:$0x15] =	wrdreg s0  }
0x10: {  	s18 =	sor.u32 $0x800, s4;
	s1 =	sadd.s32 s3, s15;
	[dreg:$0x7] =	wrdreg s17  }
0x11: {  	s19 =	sor.u32 $0xC00, s4;
	s8 =	sadd.s32 s2, s18;
	[dreg:$0x8] =	wrdreg s1  }
0x12: {  	s13 =	simm.s32 $0x4;
	s20 =	sadd.s32 s2, s19;
	[dreg:$0x9] =	wrdreg s8  }
0x13: {  	s7 =	simm.s32 $0x2;
	s21 =	sadd.s32 s3, s19;
	[dreg:$0xb] =	wrdreg s20  }
0x14: {  	s14 =	simm.s32 $0x8;
	s28 =	sadd.s32 $0x7400, s22;
	[dreg:$0xc] =	wrdreg s21  }
0x15: {  	s4 =	simm.s32 $0x0;
	s30 =	sadd.s32 $0x7800, s22;
	[dreg:$0x12] =	wrdreg s28  }
0x16: {  	s1 =	sadd.s32 s3, s18;
	[dreg:$0x13] =	wrdreg s30;
	s8 =	simm.s32 $0x6  }
0x17: {  	s20 =	simm.s32 $0xB;
	[dreg:$0xa] =	wrdreg s1;
	s1 =	sadd.s32 $0x7C00, s22  }
0x18: {  	s21 =	simm.s32 $0xC;
	[dreg:$0x14] =	wrdreg s1;
	s1 =	simm.s32 $0x5  }
.LBB2_1:
0x19: {  	[dreg:$0x16] =	wrdreg s4  }
0x1a: {  	s0 =	rddreg [dreg:$0x5]  }
0x1b: {  	[tilespmem:s5], [sflag:$0x1] =	stream.linear.gather [hbm4b:s0+s5], $0x2000, $0x38;
	[tilespmem:$0x10000] =	vst v63  }
0x1c: {  	s4 =	rddreg [dreg:$0x6];
	s6 =	simm.s32 $0x8000  }
0x1d: {  	[tilespmem:s6], [sflag:$0x5] =	stream.linear.gather [hbm4b:s4+s5], $0x2000, $0x38;
	[tilespmem:$0x10000] =	vst v63  }
0x1e: {  	s15 =	rddreg [dreg:$0x7];
	s16 =	simm.s32 $0x2000  }
0x1f: {  	[tilespmem:s16], [sflag:$0x2] =	stream.linear.gather [hbm4b:s15+s5], $0x2000, $0x38;
	[tilespmem:$0x10000] =	vst v63  }
0x20: {  	s17 =	rddreg [dreg:$0x8];
	s18 =	simm.s32 $0xA000  }
0x21: {  	[tilespmem:s18], [sflag:$0x6] =	stream.linear.gather [hbm4b:s17+s5], $0x2000, $0x38;
	[tilespmem:$0x10000] =	vst v63  }
0x22: {  	s19 =	rddreg [dreg:$0x9];
	s22 =	simm.s32 $0x4000  }
0x23: {  	[tilespmem:s22], [sflag:$0x3] =	stream.linear.gather [hbm4b:s19+s5], $0x2000, $0x38;
	[tilespmem:$0x10000] =	vst v63  }
0x24: {  	s23 =	rddreg [dreg:$0xa];
	s24 =	simm.s32 $0xC000  }
0x25: {  	[tilespmem:s24], [sflag:$0x7] =	stream.linear.gather [hbm4b:s23+s5], $0x2000, $0x38;
	[tilespmem:$0x10000] =	vst v63  }
0x26: {  	s25 =	rddreg [dreg:$0xb]  }
0x27: {  	[tilespmem:s31], [sflag:$0x4] =	stream.linear.gather [hbm4b:s25+s5], $0x2000, $0x38;
	[tilespmem:$0x10000] =	vst v63  }
0x28: {  	s26 =	rddreg [dreg:$0xc];
	s28 =	simm.s32 $0xE000;
	s30 =	simm.s32 $0x1  }
0x29: {  	[tilespmem:s28], [sflag:$0x8] =	stream.linear.gather [hbm4b:s26+s5], $0x2000, $0x38;
	[tilespmem:$0x10000] =	vst v63  }
0x2a: {  	_ =	swait.ge [sflag:s30], $0x2000  }
0x2b: {  	[sflag:s30] =	ssyncset.done $0x0  }
0x2c: {  	[sflag:s30] =	ssyncadd.s32 $0xFFFFE000  }
0x2d: {  	s18 =	simm.s32 $0x0;
	_ =	swait.ge [sflag:s1], $0x2000  }
0x2e: {  	s6 =	sand.u32 $0x1C00, s5;
	s31 =	sand.u32 $0x70, s18;
	[sflag:s1] =	ssyncset.done $0x0  }
0x2f: {  	s19 =	sor.u32 s31, s6;
	[sflag:s1] =	ssyncadd.s32 $0xFFFFE000  }
0x30: {  	v0 =	vld [tilespmem:s19+$0x8000]  }
0x31: {  	v1 =	vld [tilespmem:s19+$0x8080];
	_ =	sdelay $0x3  }
0x32: {  	s4 =	sor.u32 $0x80, s19;
	[tilespmem:s19+$0x0] =	vst.add.f32.msk $0xffff, v0  }
0x33: {  	[tilespmem:s4+$0x0] =	vst.add.f32.msk $0xffff, v1  }
0x34: {  	v0 =	vld [tilespmem:s19+$0x8100];
	_ =	sdelay $0x3  }
0x35: {  	s0 =	sor.u32 $0x100, s19  }
0x36: {  	s15 =	simm.s32 $0x10;
	s22 =	simm.s32 $0x80;
	[tilespmem:s0+$0x0] =	vst.add.f32.msk $0xffff, v0  }
0x37: {  	s16 =	sand.u32 $0x1C00, s22;
	s6 =	sand.u32 $0x70, s15;
	v0 =	vld [tilespmem:s19+$0x8180]  }
0x38: {  	s6 =	sor.u32 s6, s16  }
0x39: {  	v1 =	vld [tilespmem:s6+$0x8000]  }
0x3a: {  	v2 =	vld [tilespmem:s6+$0x8080]  }
0x3b: {  	s17 =	sor.u32 $0x180, s19  }
0x3c: {  	[tilespmem:s17+$0x0] =	vst.add.f32.msk $0xffff, v0  }
0x3d: {  	v0 =	vld [tilespmem:s19+$0x8200]  }
0x3e: {  	s23 =	sor.u32 $0x80, s6;
	[tilespmem:s6+$0x0] =	vst.add.f32.msk $0xffff, v1  }
0x3f: {  	[tilespmem:s23+$0x0] =	vst.add.f32.msk $0xffff, v2  }
0x40: {  	v1 =	vld [tilespmem:s6+$0x8100]  }
0x41: {  	s24 =	sor.u32 $0x200, s19  }
0x42: {  	[tilespmem:s24+$0x0] =	vst.add.f32.msk $0xffff, v0  }
0x43: {  	v0 =	vld [tilespmem:s19+$0x8280]  }
0x44: {  	s16 =	simm.s32 $0x20;
	s26 =	sor.u32 $0x100, s6;
	s17 =	simm.s32 $0x100  }
0x45: {  	s25 =	sand.u32 $0x70, s16;
	[tilespmem:s26+$0x0] =	vst.add.f32.msk $0xffff, v1;
	s23 =	sand.u32 $0x1C00, s17  }
0x46: {  	v1 =	vld [tilespmem:s6+$0x8180];
	s4 =	sor.u32 s25, s23  }
0x47: {  	s28 =	sor.u32 $0x280, s19;
	v2 =	vld [tilespmem:s4+$0x8000]  }
0x48: {  	[tilespmem:s28+$0x0] =	vst.add.f32.msk $0xffff, v0  }
0x49: {  	v0 =	vld [tilespmem:s19+$0x8300]  }
0x4a: {  	s30 =	sor.u32 $0x180, s6;
	v3 =	vld [tilespmem:s4+$0x8080]  }
0x4b: {  	[tilespmem:s30+$0x0] =	vst.add.f32.msk $0xffff, v1  }
0x4c: {  	v1 =	vld [tilespmem:s6+$0x8200]  }
0x4d: {  	s18 =	sor.u32 s5, s18;
	[tilespmem:s4+$0x0] =	vst.add.f32.msk $0xffff, v2;
	s19 =	sor.u32 $0x300, s19  }
0x4e: {  	s23 =	sor.u32 $0x380, s18;
	[tilespmem:s19+$0x0] =	vst.add.f32.msk $0xffff, v0  }
0x4f: {  	s31 =	sor.u32 $0x80, s4;
	v0 =	vld [tilespmem:s23+$0x8000]  }
0x50: {  	[tilespmem:s31+$0x0] =	vst.add.f32.msk $0xffff, v3  }
0x51: {  	s18 =	simm.s32 $0x20;
	s24 =	sor.u32 $0x200, s6;
	v2 =	vld [tilespmem:s4+$0x8100];
	s19 =	simm.s32 $0x100  }
.LBB2_2:
0x52: {  	s16 =	sadd.s32 $0x10, s16;
	s17 =	sadd.s32 $0x80, s17;
	[tilespmem:s24+$0x0] =	vst.add.f32.msk $0xffff, v1  }
0x53: {  	s24 =	sand.u32 $0x70, s16;
	s25 =	sand.u32 $0x1C00, s17;
	v1 =	vld [tilespmem:s6+$0x8280]  }
0x54: {  	s24 =	sor.u32 s24, s25;
	[tilespmem:s23+$0x0] =	vst.add.f32.msk $0xffff, v0  }
0x55: {  	s23 =	sor.u32 $0x100, s4;
	v0 =	vld [tilespmem:s24+$0x8000]  }
0x56: {  	[tilespmem:s23+$0x0] =	vst.add.f32.msk $0xffff, v2  }
0x57: {  	s23 =	sor.u32 $0x280, s6;
	v2 =	vld [tilespmem:s4+$0x8180]  }
0x58: {  	p0 =	slt.u32 s16, $0x3F0;
	[tilespmem:s23+$0x0] =	vst.add.f32.msk $0xffff, v1  }
0x59: {  	v3 =	vld [tilespmem:s6+$0x8300]  }
0x5a: {  	v4 =	vld [tilespmem:s24+$0x8080]  }
0x5b: {  	s23 =	sor.u32 $0x180, s4;
	[tilespmem:s24+$0x0] =	vst.add.f32.msk $0xffff, v0  }
0x5c: {  	[tilespmem:s23+$0x0] =	vst.add.f32.msk $0xffff, v2  }
.Ltmp0:
0x5d: {  	s15 =	sor.u32 s22, s15;
	s6 =	sor.u32 $0x300, s6;
	v1 =	vld [tilespmem:s4+$0x8200];
	(pc) =	sbr.rel @p0 .LBB2_2-.Ltmp0, $4  }
0x5e: {  	s23 =	sor.u32 $0x380, s15;
	s15 =	smov.u32 s18;
	s18 =	smov.u32 s16;
	[tilespmem:s6+$0x0] =	vst.add.f32.msk $0xffff, v3  }
0x5f: {  	s22 =	smov.u32 s19;
	s19 =	smov.u32 s17;
	s6 =	sor.u32 $0x80, s24;
	v0 =	vld [tilespmem:s23+$0x8000]  }
0x60: {  	[tilespmem:s6+$0x0] =	vst.add.f32.msk $0xffff, v4;
	s6 =	smov.u32 s4;
	s4 =	smov.u32 s24  }
0x61: {  	v2 =	vld [tilespmem:s4+$0x8100];
	s24 =	sor.u32 $0x200, s6  }
0x62: {  	_ =	sdelay $0x2  }
0x63: {  	s16 =	sor.u32 $0x100, s4  }
0x64: {  	[tilespmem:s16+$0x0] =	vst.add.f32.msk $0xffff, v2  }
0x65: {  	v2 =	vld [tilespmem:s4+$0x8180];
	_ =	sdelay $0x3  }
0x66: {  	s31 =	sor.u32 $0x180, s4  }
0x67: {  	[tilespmem:s31+$0x0] =	vst.add.f32.msk $0xffff, v2  }
0x68: {  	v2 =	vld [tilespmem:s4+$0x8200];
	_ =	sdelay $0x2  }
0x69: {  	[tilespmem:s24+$0x0] =	vst.add.f32.msk $0xffff, v1  }
0x6a: {  	s0 =	sor.u32 $0x200, s4;
	v1 =	vld [tilespmem:s6+$0x8280]  }
0x6b: {  	[tilespmem:s0+$0x0] =	vst.add.f32.msk $0xffff, v2  }
0x6c: {  	v2 =	vld [tilespmem:s4+$0x8280];
	_ =	sdelay $0x1  }
0x6d: {  	s17 =	sor.u32 $0x280, s6  }
0x6e: {  	[tilespmem:s17+$0x0] =	vst.add.f32.msk $0xffff, v1  }
0x6f: {  	s24 =	sor.u32 $0x280, s4;
	v1 =	vld [tilespmem:s6+$0x8300]  }
0x70: {  	[tilespmem:s24+$0x0] =	vst.add.f32.msk $0xffff, v2  }
0x71: {  	v2 =	vld [tilespmem:s4+$0x8300];
	_ =	sdelay $0x1  }
0x72: {  	s25 =	sor.u32 $0x300, s6;
	s15 =	sor.u32 s22, s15  }
0x73: {  	s26 =	sor.u32 $0x380, s15;
	[tilespmem:s25+$0x0] =	vst.add.f32.msk $0xffff, v1  }
0x74: {  	s28 =	sor.u32 $0x300, s4;
	s30 =	sor.u32 s19, s18;
	v1 =	vld [tilespmem:s26+$0x8000]  }
0x75: {  	s31 =	sor.u32 $0x380, s30;
	[tilespmem:s28+$0x0] =	vst.add.f32.msk $0xffff, v2  }
0x76: {  	v2 =	vld [tilespmem:s31+$0x8000];
	_ =	sdelay $0x2  }
0x77: {  	[tilespmem:s23+$0x0] =	vst.add.f32.msk $0xffff, v0  }
0x78: {  	[tilespmem:s26+$0x0] =	vst.add.f32.msk $0xffff, v1  }
0x79: {  	[tilespmem:s31+$0x0] =	vst.add.f32.msk $0xffff, v2  }
0x7a: {  	s15 =	simm.s32 $0x0;
	s23 =	simm.s32 $0x0;
	s0 =	rddreg [dreg:$0xd]  }
0x7b: {  	[hbm4b:s0+s23] =	stream.linear.scatter [tilespmem:s23], [sflag:$0x9], $0x2000, $0x38;
	[tilespmem:$0x10000] =	vst v63  }
.LBB2_4:
0x7c: {  	_ =	swait.ge [sflag:s7], $0x2000  }
0x7d: {  	[sflag:s7] =	ssyncset.done $0x0  }
0x7e: {  	[sflag:s7] =	ssyncadd.s32 $0xFFFFE000  }
0x7f: {  	s17 =	simm.s32 $0x0;
	_ =	swait.ge [sflag:s8], $0x2000  }
0x80: {  	s6 =	sand.u32 $0x1C00, s23;
	s4 =	sand.u32 $0x70, s17;
	[sflag:s8] =	ssyncset.done $0x0  }
0x81: {  	s18 =	sor.u32 s4, s6;
	[sflag:s8] =	ssyncadd.s32 $0xFFFFE000  }
0x82: {  	v0 =	vld [tilespmem:s18+$0xA000];
	_ =	sdelay $0x3  }
0x83: {  	s4 =	sor.u32 $0x2000, s18  }
0x84: {  	[tilespmem:s4+$0x0] =	vst.add.f32.msk $0xffff, v0  }
0x85: {  	v0 =	vld [tilespmem:s18+$0xA080];
	_ =	sdelay $0x3  }
0x86: {  	s30 =	sor.u32 $0x2080, s18  }
0x87: {  	[tilespmem:s30+$0x0] =	vst.add.f32.msk $0xffff, v0  }
0x88: {  	v0 =	vld [tilespmem:s18+$0xA100]  }
0x89: {  	s22 =	simm.s32 $0x10;
	s24 =	simm.s32 $0x80  }
0x8a: {  	s31 =	sand.u32 $0x70, s22;
	s0 =	sand.u32 $0x1C00, s24  }
0x8b: {  	s26 =	sor.u32 s31, s0  }
0x8c: {  	s16 =	sor.u32 $0x2100, s18;
	v1 =	vld [tilespmem:s26+$0xA000]  }
0x8d: {  	[tilespmem:s16+$0x0] =	vst.add.f32.msk $0xffff, v0  }
0x8e: {  	v0 =	vld [tilespmem:s18+$0xA180];
	_ =	sdelay $0x1  }
0x8f: {  	s19 =	sor.u32 $0x2000, s26  }
0x90: {  	[tilespmem:s19+$0x0] =	vst.add.f32.msk $0xffff, v1  }
0x91: {  	s25 =	sor.u32 $0x2180, s18;
	v1 =	vld [tilespmem:s26+$0xA080]  }
0x92: {  	[tilespmem:s25+$0x0] =	vst.add.f32.msk $0xffff, v0  }
0x93: {  	v0 =	vld [tilespmem:s18+$0xA200];
	_ =	sdelay $0x1  }
0x94: {  	s28 =	sor.u32 $0x2080, s26  }
0x95: {  	[tilespmem:s28+$0x0] =	vst.add.f32.msk $0xffff, v1  }
0x96: {  	s30 =	sor.u32 $0x2200, s18;
	v1 =	vld [tilespmem:s26+$0xA100]  }
0x97: {  	s6 =	simm.s32 $0x20;
	s16 =	simm.s32 $0x100;
	[tilespmem:s30+$0x0] =	vst.add.f32.msk $0xffff, v0  }
0x98: {  	s31 =	sand.u32 $0x70, s6;
	s19 =	sand.u32 $0x1C00, s16;
	v0 =	vld [tilespmem:s18+$0xA280]  }
0x99: {  	s4 =	sor.u32 s31, s19  }
0x9a: {  	s0 =	sor.u32 $0x2100, s26;
	v2 =	vld [tilespmem:s4+$0xA000]  }
0x9b: {  	[tilespmem:s0+$0x0] =	vst.add.f32.msk $0xffff, v1  }
0x9c: {  	v1 =	vld [tilespmem:s26+$0xA180];
	s25 =	sor.u32 $0x2280, s18  }
0x9d: {  	[tilespmem:s25+$0x0] =	vst.add.f32.msk $0xffff, v0  }
0x9e: {  	s28 =	sor.u32 $0x2000, s4;
	v0 =	vld [tilespmem:s18+$0xA300]  }
0x9f: {  	[tilespmem:s28+$0x0] =	vst.add.f32.msk $0xffff, v2  }
0xa0: {  	v2 =	vld [tilespmem:s4+$0xA080];
	s30 =	sor.u32 $0x2180, s26  }
0xa1: {  	[tilespmem:s30+$0x0] =	vst.add.f32.msk $0xffff, v1  }
0xa2: {  	s17 =	sor.u32 s23, s17;
	v1 =	vld [tilespmem:s26+$0xA200];
	s18 =	sor.u32 $0x2300, s18  }
0xa3: {  	s19 =	sor.u32 $0x2380, s17;
	[tilespmem:s18+$0x0] =	vst.add.f32.msk $0xffff, v0  }
0xa4: {  	s31 =	sor.u32 $0x2080, s4;
	v0 =	vld [tilespmem:s19+$0x8000]  }
0xa5: {  	[tilespmem:s31+$0x0] =	vst.add.f32.msk $0xffff, v2  }
0xa6: {  	s17 =	simm.s32 $0x20;
	v2 =	vld [tilespmem:s4+$0xA100];
	s25 =	sor.u32 $0x2200, s26;
	s18 =	simm.s32 $0x100  }
.LBB2_5:
0xa7: {  	s6 =	sadd.s32 $0x10, s6;
	s16 =	sadd.s32 $0x80, s16;
	[tilespmem:s25+$0x0] =	vst.add.f32.msk $0xffff, v1  }
0xa8: {  	s25 =	sand.u32 $0x70, s6;
	s28 =	sand.u32 $0x1C00, s16;
	p0 =	slt.u32 s6, $0x3F0;
	v1 =	vld [tilespmem:s26+$0xA280]  }
0xa9: {  	s25 =	sor.u32 s25, s28;
	[tilespmem:s19+$0x0] =	vst.add.f32.msk $0xffff, v0  }
0xaa: {  	s19 =	sor.u32 $0x2100, s4;
	v0 =	vld [tilespmem:s25+$0xA000]  }
0xab: {  	[tilespmem:s19+$0x0] =	vst.add.f32.msk $0xffff, v2  }
0xac: {  	s19 =	sor.u32 $0x2280, s26;
	v2 =	vld [tilespmem:s4+$0xA180]  }
0xad: {  	[tilespmem:s19+$0x0] =	vst.add.f32.msk $0xffff, v1  }
0xae: {  	s19 =	sor.u32 $0x2000, s25;
	v3 =	vld [tilespmem:s26+$0xA300]  }
0xaf: {  	[tilespmem:s19+$0x0] =	vst.add.f32.msk $0xffff, v0  }
0xb0: {  	s19 =	sor.u32 $0x2180, s4;
	v4 =	vld [tilespmem:s25+$0xA080]  }
0xb1: {  	[tilespmem:s19+$0x0] =	vst.add.f32.msk $0xffff, v2  }
.Ltmp1:
0xb2: {  	s22 =	sor.u32 s24, s22;
	s19 =	sor.u32 $0x2300, s26;
	v1 =	vld [tilespmem:s4+$0xA200];
	(pc) =	sbr.rel @p0 .LBB2_5-.Ltmp1, $4  }
0xb3: {  	[tilespmem:s19+$0x0] =	vst.add.f32.msk $0xffff, v3;
	s19 =	sor.u32 $0x2380, s22;
	s22 =	smov.u32 s17;
	s17 =	smov.u32 s6  }
0xb4: {  	s24 =	smov.u32 s18;
	s18 =	smov.u32 s16;
	s26 =	sor.u32 $0x2080, s25;
	v0 =	vld [tilespmem:s19+$0x8000]  }
0xb5: {  	[tilespmem:s26+$0x0] =	vst.add.f32.msk $0xffff, v4;
	s26 =	smov.u32 s4;
	s4 =	smov.u32 s25  }
0xb6: {  	v2 =	vld [tilespmem:s4+$0xA100];
	s25 =	sor.u32 $0x2200, s26  }
0xb7: {  	_ =	sdelay $0x2  }
0xb8: {  	s6 =	sor.u32 $0x2100, s4  }
0xb9: {  	[tilespmem:s6+$0x0] =	vst.add.f32.msk $0xffff, v2  }
0xba: {  	v2 =	vld [tilespmem:s4+$0xA180];
	_ =	sdelay $0x3  }
0xbb: {  	s16 =	sor.u32 $0x2180, s4  }
0xbc: {  	[tilespmem:s16+$0x0] =	vst.add.f32.msk $0xffff, v2  }
0xbd: {  	v2 =	vld [tilespmem:s4+$0xA200];
	_ =	sdelay $0x2  }
0xbe: {  	[tilespmem:s25+$0x0] =	vst.add.f32.msk $0xffff, v1  }
0xbf: {  	s30 =	sor.u32 $0x2200, s4;
	v1 =	vld [tilespmem:s26+$0xA280]  }
0xc0: {  	[tilespmem:s30+$0x0] =	vst.add.f32.msk $0xffff, v2  }
0xc1: {  	v2 =	vld [tilespmem:s4+$0xA280];
	_ =	sdelay $0x1  }
0xc2: {  	s0 =	sor.u32 $0x2280, s26  }
0xc3: {  	[tilespmem:s0+$0x0] =	vst.add.f32.msk $0xffff, v1  }
0xc4: {  	v1 =	vld [tilespmem:s26+$0xA300];
	s16 =	sor.u32 $0x2280, s4  }
0xc5: {  	[tilespmem:s16+$0x0] =	vst.add.f32.msk $0xffff, v2  }
0xc6: {  	v2 =	vld [tilespmem:s4+$0xA300];
	_ =	sdelay $0x1  }
0xc7: {  	s25 =	sor.u32 $0x2300, s26;
	s16 =	sor.u32 s24, s22  }
0xc8: {  	[tilespmem:s25+$0x0] =	vst.add.f32.msk $0xffff, v1;
	s26 =	sor.u32 $0x2380, s16  }
0xc9: {  	s0 =	sor.u32 s18, s17;
	s30 =	sor.u32 $0x2300, s4;
	v1 =	vld [tilespmem:s26+$0x8000]  }
0xca: {  	s17 =	sor.u32 $0x2380, s0;
	[tilespmem:s30+$0x0] =	vst.add.f32.msk $0xffff, v2  }
0xcb: {  	v2 =	vld [tilespmem:s17+$0x8000]  }
0xcc: {  	s22 =	sshll.u32 s15, $0x5;
	s0 =	rddreg [dreg:$0x4]  }
0xcd: {  	s18 =	sadd.s32 s22, s0  }
0xce: {  	[tilespmem:s19+$0x0] =	vst.add.f32.msk $0xffff, v0;
	s16 =	sshll.u32 s18, $0x7  }
0xcf: {  	[tilespmem:s26+$0x0] =	vst.add.f32.msk $0xffff, v1;
	s26 =	sadd.s32 s29, s16  }
0xd0: {  	s25 =	simm.s32 $0x2000;
	s18 =	simm.s32 $0x0;
	s24 =	sadd.s32 $0x400, s26;
	[tilespmem:s17+$0x0] =	vst.add.f32.msk $0xffff, v2  }
0xd1: {  	[hbm4b:s24+s18] =	stream.linear.scatter [tilespmem:s25], [sflag:$0xA], $0x2000, $0x38;
	[tilespmem:$0x10000] =	vst v63  }
0xd2: {  	_ =	swait.ge [sflag:s9], $0x2000  }
0xd3: {  	s30 =	rddreg [dreg:$0xe]  }
0xd4: {  	s4 =	sadd.s32 s22, s30  }
0xd5: {  	[sflag:s9] =	ssyncset.done $0x0;
	s24 =	sshll.u32 s4, $0x7  }
0xd6: {  	[sflag:s9] =	ssyncadd.s32 $0xFFFFE000;
	s4 =	sadd.s32 s2, s24  }
0xd7: {  	[tilespmem:s18], [sflag:$0x1] =	stream.linear.gather [hbm4b:s4+s18], $0x2000, $0x38;
	[tilespmem:$0x10000] =	vst v63  }
0xd8: {  	s16 =	simm.s32 $0x8000;
	s6 =	sadd.s32 s3, s24  }
0xd9: {  	[tilespmem:s16], [sflag:$0x5] =	stream.linear.gather [hbm4b:s6+s18], $0x2000, $0x38;
	[tilespmem:$0x10000] =	vst v63  }
0xda: {  	_ =	swait.ge [sflag:s10], $0x2000  }
0xdb: {  	[sflag:s10] =	ssyncset.done $0x0  }
0xdc: {  	[sflag:s10] =	ssyncadd.s32 $0xFFFFE000  }
0xdd: {  	s19 =	simm.s32 $0x0;
	_ =	swait.ge [sflag:s11], $0x2000  }
0xde: {  	s17 =	sand.u32 $0x70, s19;
	s25 =	sand.u32 $0x1C00, s18;
	[sflag:s11] =	ssyncset.done $0x0  }
0xdf: {  	s25 =	sor.u32 s17, s25;
	[sflag:s11] =	ssyncadd.s32 $0xFFFFE000  }
0xe0: {  	v0 =	vld [tilespmem:s25+$0xC000];
	_ =	sdelay $0x3  }
0xe1: {  	s4 =	sor.u32 $0x4000, s25  }
0xe2: {  	[tilespmem:s4+$0x0] =	vst.add.f32.msk $0xffff, v0  }
0xe3: {  	v0 =	vld [tilespmem:s25+$0xC080];
	_ =	sdelay $0x3  }
0xe4: {  	s30 =	sor.u32 $0x4080, s25  }
0xe5: {  	[tilespmem:s30+$0x0] =	vst.add.f32.msk $0xffff, v0  }
0xe6: {  	v0 =	vld [tilespmem:s25+$0xC100]  }
0xe7: {  	s31 =	simm.s32 $0x80;
	s0 =	smov.u32 s29;
	s29 =	simm.s32 $0x10  }
0xe8: {  	s6 =	sand.u32 $0x70, s29;
	s16 =	sand.u32 $0x1C00, s31  }
0xe9: {  	s4 =	sor.u32 s6, s16  }
0xea: {  	s17 =	sor.u32 $0x4100, s25;
	v1 =	vld [tilespmem:s4+$0xC000]  }
0xeb: {  	[tilespmem:s17+$0x0] =	vst.add.f32.msk $0xffff, v0  }
0xec: {  	v0 =	vld [tilespmem:s25+$0xC180];
	_ =	sdelay $0x1  }
0xed: {  	s30 =	sor.u32 $0x4000, s4  }
0xee: {  	[tilespmem:s30+$0x0] =	vst.add.f32.msk $0xffff, v1  }
0xef: {  	s16 =	sor.u32 $0x4180, s25;
	v1 =	vld [tilespmem:s4+$0xC080]  }
0xf0: {  	[tilespmem:s16+$0x0] =	vst.add.f32.msk $0xffff, v0  }
0xf1: {  	v0 =	vld [tilespmem:s25+$0xC200];
	_ =	sdelay $0x1  }
0xf2: {  	s17 =	sor.u32 $0x4080, s4  }
0xf3: {  	[tilespmem:s17+$0x0] =	vst.add.f32.msk $0xffff, v1  }
0xf4: {  	s30 =	sor.u32 $0x4200, s25;
	v1 =	vld [tilespmem:s4+$0xC100]  }
0xf5: {  	s17 =	simm.s32 $0x100;
	s16 =	simm.s32 $0x20;
	[tilespmem:s30+$0x0] =	vst.add.f32.msk $0xffff, v0  }
0xf6: {  	s28 =	sand.u32 $0x1C00, s17;
	s30 =	sand.u32 $0x70, s16;
	v0 =	vld [tilespmem:s25+$0xC280]  }
0xf7: {  	s6 =	sor.u32 s30, s28  }
0xf8: {  	s28 =	sor.u32 $0x4100, s4;
	v2 =	vld [tilespmem:s6+$0xC000]  }
0xf9: {  	[tilespmem:s28+$0x0] =	vst.add.f32.msk $0xffff, v1  }
0xfa: {  	s28 =	sor.u32 $0x4280, s25;
	v1 =	vld [tilespmem:s4+$0xC180]  }
0xfb: {  	[tilespmem:s28+$0x0] =	vst.add.f32.msk $0xffff, v0  }
0xfc: {  	s28 =	sor.u32 $0x4000, s6;
	v0 =	vld [tilespmem:s25+$0xC300]  }
0xfd: {  	[tilespmem:s28+$0x0] =	vst.add.f32.msk $0xffff, v2  }
0xfe: {  	s28 =	sor.u32 $0x4180, s4;
	v2 =	vld [tilespmem:s6+$0xC080]  }
0xff: {  	[tilespmem:s28+$0x0] =	vst.add.f32.msk $0xffff, v1  }
0x100: {  	s18 =	sor.u32 s18, s19;
	s25 =	sor.u32 $0x4300, s25;
	v1 =	vld [tilespmem:s4+$0xC200]  }
0x101: {  	[tilespmem:s25+$0x0] =	vst.add.f32.msk $0xffff, v0;
	s25 =	sor.u32 $0x4380, s18  }
0x102: {  	s30 =	sor.u32 $0x4080, s6;
	v0 =	vld [tilespmem:s25+$0x8000]  }
0x103: {  	[tilespmem:s30+$0x0] =	vst.add.f32.msk $0xffff, v2  }
0x104: {  	s19 =	simm.s32 $0x100;
	s28 =	sor.u32 $0x4200, s4;
	s18 =	simm.s32 $0x20;
	v2 =	vld [tilespmem:s6+$0xC100]  }
.LBB2_7:
0x105: {  	s16 =	sadd.s32 $0x10, s16;
	s17 =	sadd.s32 $0x80, s17;
	[tilespmem:s28+$0x0] =	vst.add.f32.msk $0xffff, v1  }
0x106: {  	s28 =	sand.u32 $0x70, s16;
	s30 =	sand.u32 $0x1C00, s17;
	p0 =	slt.u32 s16, $0x3F0;
	v1 =	vld [tilespmem:s4+$0xC280]  }
0x107: {  	s28 =	sor.u32 s28, s30;
	[tilespmem:s25+$0x0] =	vst.add.f32.msk $0xffff, v0  }
0x108: {  	s25 =	sor.u32 $0x4100, s6;
	v0 =	vld [tilespmem:s28+$0xC000]  }
0x109: {  	[tilespmem:s25+$0x0] =	vst.add.f32.msk $0xffff, v2  }
0x10a: {  	s25 =	sor.u32 $0x4280, s4;
	v2 =	vld [tilespmem:s6+$0xC180]  }
0x10b: {  	[tilespmem:s25+$0x0] =	vst.add.f32.msk $0xffff, v1  }
0x10c: {  	s25 =	sor.u32 $0x4000, s28;
	v3 =	vld [tilespmem:s4+$0xC300]  }
0x10d: {  	[tilespmem:s25+$0x0] =	vst.add.f32.msk $0xffff, v0  }
0x10e: {  	s25 =	sor.u32 $0x4180, s6;
	v4 =	vld [tilespmem:s28+$0xC080]  }
0x10f: {  	[tilespmem:s25+$0x0] =	vst.add.f32.msk $0xffff, v2  }
.Ltmp2:
0x110: {  	s4 =	sor.u32 $0x4300, s4;
	s25 =	sor.u32 s31, s29;
	v1 =	vld [tilespmem:s6+$0xC200];
	(pc) =	sbr.rel @p0 .LBB2_7-.Ltmp2, $4  }
0x111: {  	s29 =	smov.u32 s18;
	s18 =	smov.u32 s16;
	s25 =	sor.u32 $0x4380, s25;
	[tilespmem:s4+$0x0] =	vst.add.f32.msk $0xffff, v3  }
0x112: {  	s31 =	smov.u32 s19;
	s19 =	smov.u32 s17;
	s4 =	sor.u32 $0x4080, s28;
	v0 =	vld [tilespmem:s25+$0x8000]  }
0x113: {  	[tilespmem:s4+$0x0] =	vst.add.f32.msk $0xffff, v4;
	s4 =	smov.u32 s6;
	s6 =	smov.u32 s28  }
0x114: {  	v2 =	vld [tilespmem:s6+$0xC100];
	s28 =	sor.u32 $0x4200, s4  }
0x115: {  	_ =	sdelay $0x2  }
0x116: {  	s16 =	sor.u32 $0x4100, s6  }
0x117: {  	[tilespmem:s16+$0x0] =	vst.add.f32.msk $0xffff, v2  }
0x118: {  	v2 =	vld [tilespmem:s6+$0xC180];
	_ =	sdelay $0x3  }
0x119: {  	s17 =	sor.u32 $0x4180, s6  }
0x11a: {  	[tilespmem:s17+$0x0] =	vst.add.f32.msk $0xffff, v2  }
0x11b: {  	v2 =	vld [tilespmem:s6+$0xC200];
	_ =	sdelay $0x2  }
0x11c: {  	[tilespmem:s28+$0x0] =	vst.add.f32.msk $0xffff, v1  }
0x11d: {  	s30 =	sor.u32 $0x4200, s6;
	v1 =	vld [tilespmem:s4+$0xC280]  }
0x11e: {  	[tilespmem:s30+$0x0] =	vst.add.f32.msk $0xffff, v2  }
0x11f: {  	v2 =	vld [tilespmem:s6+$0xC280];
	_ =	sdelay $0x1  }
0x120: {  	s17 =	sor.u32 $0x4280, s4  }
0x121: {  	[tilespmem:s17+$0x0] =	vst.add.f32.msk $0xffff, v1  }
0x122: {  	v1 =	vld [tilespmem:s4+$0xC300];
	s30 =	sor.u32 $0x4280, s6  }
0x123: {  	[tilespmem:s30+$0x0] =	vst.add.f32.msk $0xffff, v2  }
0x124: {  	v2 =	vld [tilespmem:s6+$0xC300];
	_ =	sdelay $0x1  }
0x125: {  	s17 =	sor.u32 $0x4300, s4;
	s30 =	sor.u32 s31, s29  }
0x126: {  	[tilespmem:s17+$0x0] =	vst.add.f32.msk $0xffff, v1;
	s4 =	sor.u32 $0x4380, s30  }
0x127: {  	s19 =	sor.u32 s19, s18;
	s17 =	sor.u32 $0x4300, s6;
	v1 =	vld [tilespmem:s4+$0x8000]  }
0x128: {  	s30 =	sor.u32 $0x4380, s19;
	[tilespmem:s17+$0x0] =	vst.add.f32.msk $0xffff, v2  }
0x129: {  	v2 =	vld [tilespmem:s30+$0x8000];
	_ =	sdelay $0x2  }
0x12a: {  	[tilespmem:s25+$0x0] =	vst.add.f32.msk $0xffff, v0  }
0x12b: {  	[tilespmem:s4+$0x0] =	vst.add.f32.msk $0xffff, v1  }
0x12c: {  	s18 =	simm.s32 $0x0;
	s16 =	sadd.s32 $0x800, s26;
	s17 =	simm.s32 $0x4000;
	[tilespmem:s30+$0x0] =	vst.add.f32.msk $0xffff, v2  }
0x12d: {  	[hbm4b:s16+s18] =	stream.linear.scatter [tilespmem:s17], [sflag:$0xB], $0x2000, $0x38;
	[tilespmem:$0x10000] =	vst v63  }
0x12e: {  	_ =	swait.ge [sflag:s12], $0x2000  }
0x12f: {  	s19 =	rddreg [dreg:$0xf]  }
0x130: {  	s4 =	sadd.s32 s22, s19  }
0x131: {  	[sflag:s12] =	ssyncset.done $0x0;
	s4 =	sshll.u32 s4, $0x7  }
0x132: {  	s30 =	simm.s32 $0x2000;
	[sflag:s12] =	ssyncadd.s32 $0xFFFFE000;
	s25 =	sadd.s32 s2, s4  }
0x133: {  	[tilespmem:s30], [sflag:$0x2] =	stream.linear.gather [hbm4b:s25+s18], $0x2000, $0x38;
	[tilespmem:$0x10000] =	vst v63  }
0x134: {  	s16 =	simm.s32 $0xA000;
	s4 =	sadd.s32 s3, s4  }
0x135: {  	[tilespmem:s16], [sflag:$0x6] =	stream.linear.gather [hbm4b:s4+s18], $0x2000, $0x38;
	[tilespmem:$0x10000] =	vst v63  }
0x136: {  	_ =	swait.ge [sflag:s13], $0x2000  }
0x137: {  	[sflag:s13] =	ssyncset.done $0x0  }
0x138: {  	[sflag:s13] =	ssyncadd.s32 $0xFFFFE000  }
0x139: {  	s19 =	simm.s32 $0x0;
	_ =	swait.ge [sflag:s14], $0x2000  }
0x13a: {  	s17 =	sand.u32 $0x70, s19;
	s25 =	sand.u32 $0x1C00, s18;
	[sflag:s14] =	ssyncset.done $0x0  }
0x13b: {  	s25 =	sor.u32 s17, s25;
	[sflag:s14] =	ssyncadd.s32 $0xFFFFE000  }
0x13c: {  	v0 =	vld [tilespmem:s25+$0xE000];
	_ =	sdelay $0x3  }
0x13d: {  	s4 =	sor.u32 $0x6000, s25  }
0x13e: {  	[tilespmem:s4+$0x0] =	vst.add.f32.msk $0xffff, v0  }
0x13f: {  	v0 =	vld [tilespmem:s25+$0xE080];
	_ =	sdelay $0x3  }
0x140: {  	s30 =	sor.u32 $0x6080, s25  }
0x141: {  	[tilespmem:s30+$0x0] =	vst.add.f32.msk $0xffff, v0  }
0x142: {  	v0 =	vld [tilespmem:s25+$0xE100]  }
0x143: {  	s29 =	simm.s32 $0x10;
	s31 =	simm.s32 $0x80  }
0x144: {  	s6 =	sand.u32 $0x70, s29;
	s16 =	sand.u32 $0x1C00, s31  }
0x145: {  	s4 =	sor.u32 s6, s16  }
0x146: {  	s17 =	sor.u32 $0x6100, s25;
	v1 =	vld [tilespmem:s4+$0xE000]  }
0x147: {  	[tilespmem:s17+$0x0] =	vst.add.f32.msk $0xffff, v0  }
0x148: {  	v0 =	vld [tilespmem:s25+$0xE180];
	_ =	sdelay $0x1  }
0x149: {  	s30 =	sor.u32 $0x6000, s4  }
0x14a: {  	[tilespmem:s30+$0x0] =	vst.add.f32.msk $0xffff, v1  }
0x14b: {  	s16 =	sor.u32 $0x6180, s25;
	v1 =	vld [tilespmem:s4+$0xE080]  }
0x14c: {  	[tilespmem:s16+$0x0] =	vst.add.f32.msk $0xffff, v0  }
0x14d: {  	v0 =	vld [tilespmem:s25+$0xE200];
	_ =	sdelay $0x1  }
0x14e: {  	s17 =	sor.u32 $0x6080, s4  }
0x14f: {  	[tilespmem:s17+$0x0] =	vst.add.f32.msk $0xffff, v1  }
0x150: {  	s30 =	sor.u32 $0x6200, s25;
	v1 =	vld [tilespmem:s4+$0xE100]  }
0x151: {  	s17 =	simm.s32 $0x100;
	s16 =	simm.s32 $0x20;
	[tilespmem:s30+$0x0] =	vst.add.f32.msk $0xffff, v0  }
0x152: {  	s28 =	sand.u32 $0x1C00, s17;
	s30 =	sand.u32 $0x70, s16;
	v0 =	vld [tilespmem:s25+$0xE280]  }
0x153: {  	s6 =	sor.u32 s30, s28  }
0x154: {  	s28 =	sor.u32 $0x6100, s4;
	v2 =	vld [tilespmem:s6+$0xE000]  }
0x155: {  	[tilespmem:s28+$0x0] =	vst.add.f32.msk $0xffff, v1  }
0x156: {  	s28 =	sor.u32 $0x6280, s25;
	v1 =	vld [tilespmem:s4+$0xE180]  }
0x157: {  	[tilespmem:s28+$0x0] =	vst.add.f32.msk $0xffff, v0  }
0x158: {  	s28 =	sor.u32 $0x6000, s6;
	v0 =	vld [tilespmem:s25+$0xE300]  }
0x159: {  	[tilespmem:s28+$0x0] =	vst.add.f32.msk $0xffff, v2  }
0x15a: {  	s28 =	sor.u32 $0x6180, s4;
	v2 =	vld [tilespmem:s6+$0xE080]  }
0x15b: {  	[tilespmem:s28+$0x0] =	vst.add.f32.msk $0xffff, v1  }
0x15c: {  	s18 =	sor.u32 s18, s19;
	s25 =	sor.u32 $0x6300, s25;
	v1 =	vld [tilespmem:s4+$0xE200]  }
0x15d: {  	[tilespmem:s25+$0x0] =	vst.add.f32.msk $0xffff, v0;
	s25 =	sor.u32 $0x6380, s18  }
0x15e: {  	s30 =	sor.u32 $0x6080, s6;
	v0 =	vld [tilespmem:s25+$0x8000]  }
0x15f: {  	[tilespmem:s30+$0x0] =	vst.add.f32.msk $0xffff, v2  }
0x160: {  	s19 =	simm.s32 $0x100;
	s28 =	sor.u32 $0x6200, s4;
	s18 =	simm.s32 $0x20;
	v2 =	vld [tilespmem:s6+$0xE100]  }
.LBB2_9:
0x161: {  	s16 =	sadd.s32 $0x10, s16;
	s17 =	sadd.s32 $0x80, s17;
	[tilespmem:s28+$0x0] =	vst.add.f32.msk $0xffff, v1  }
0x162: {  	s28 =	sand.u32 $0x70, s16;
	s30 =	sand.u32 $0x1C00, s17;
	p0 =	slt.u32 s16, $0x3F0;
	v1 =	vld [tilespmem:s4+$0xE280]  }
0x163: {  	s28 =	sor.u32 s28, s30;
	[tilespmem:s25+$0x0] =	vst.add.f32.msk $0xffff, v0  }
0x164: {  	s25 =	sor.u32 $0x6100, s6;
	v0 =	vld [tilespmem:s28+$0xE000]  }
0x165: {  	[tilespmem:s25+$0x0] =	vst.add.f32.msk $0xffff, v2  }
0x166: {  	s25 =	sor.u32 $0x6280, s4;
	v2 =	vld [tilespmem:s6+$0xE180]  }
0x167: {  	[tilespmem:s25+$0x0] =	vst.add.f32.msk $0xffff, v1  }
0x168: {  	s25 =	sor.u32 $0x6000, s28;
	v3 =	vld [tilespmem:s4+$0xE300]  }
0x169: {  	[tilespmem:s25+$0x0] =	vst.add.f32.msk $0xffff, v0  }
0x16a: {  	s25 =	sor.u32 $0x6180, s6;
	v4 =	vld [tilespmem:s28+$0xE080]  }
0x16b: {  	[tilespmem:s25+$0x0] =	vst.add.f32.msk $0xffff, v2  }
.Ltmp3:
0x16c: {  	s4 =	sor.u32 $0x6300, s4;
	s25 =	sor.u32 s31, s29;
	v1 =	vld [tilespmem:s6+$0xE200];
	(pc) =	sbr.rel @p0 .LBB2_9-.Ltmp3, $4  }
0x16d: {  	s29 =	smov.u32 s18;
	s18 =	smov.u32 s16;
	s25 =	sor.u32 $0x6380, s25;
	[tilespmem:s4+$0x0] =	vst.add.f32.msk $0xffff, v3  }
0x16e: {  	s31 =	smov.u32 s19;
	s19 =	smov.u32 s17;
	s4 =	sor.u32 $0x6080, s28;
	v0 =	vld [tilespmem:s25+$0x8000]  }
0x16f: {  	[tilespmem:s4+$0x0] =	vst.add.f32.msk $0xffff, v4;
	s4 =	smov.u32 s6;
	s6 =	smov.u32 s28  }
0x170: {  	v2 =	vld [tilespmem:s6+$0xE100];
	s28 =	sor.u32 $0x6200, s4  }
0x171: {  	_ =	sdelay $0x2  }
0x172: {  	s16 =	sor.u32 $0x6100, s6  }
0x173: {  	[tilespmem:s16+$0x0] =	vst.add.f32.msk $0xffff, v2  }
0x174: {  	v2 =	vld [tilespmem:s6+$0xE180];
	_ =	sdelay $0x3  }
0x175: {  	s17 =	sor.u32 $0x6180, s6  }
0x176: {  	[tilespmem:s17+$0x0] =	vst.add.f32.msk $0xffff, v2  }
0x177: {  	v2 =	vld [tilespmem:s6+$0xE200];
	_ =	sdelay $0x2  }
0x178: {  	[tilespmem:s28+$0x0] =	vst.add.f32.msk $0xffff, v1  }
0x179: {  	s30 =	sor.u32 $0x6200, s6;
	v1 =	vld [tilespmem:s4+$0xE280]  }
0x17a: {  	[tilespmem:s30+$0x0] =	vst.add.f32.msk $0xffff, v2  }
0x17b: {  	v2 =	vld [tilespmem:s6+$0xE280];
	_ =	sdelay $0x1  }
0x17c: {  	s17 =	sor.u32 $0x6280, s4  }
0x17d: {  	[tilespmem:s17+$0x0] =	vst.add.f32.msk $0xffff, v1  }
0x17e: {  	v1 =	vld [tilespmem:s4+$0xE300];
	s30 =	sor.u32 $0x6280, s6  }
0x17f: {  	[tilespmem:s30+$0x0] =	vst.add.f32.msk $0xffff, v2  }
0x180: {  	v2 =	vld [tilespmem:s6+$0xE300];
	_ =	sdelay $0x1  }
0x181: {  	s16 =	sor.u32 $0x6300, s4;
	s17 =	sor.u32 s31, s29  }
0x182: {  	[tilespmem:s16+$0x0] =	vst.add.f32.msk $0xffff, v1;
	s30 =	sor.u32 $0x6380, s17  }
0x183: {  	s18 =	sor.u32 s19, s18;
	s17 =	sor.u32 $0x6300, s6;
	v1 =	vld [tilespmem:s30+$0x8000]  }
0x184: {  	s19 =	sor.u32 $0x6380, s18;
	[tilespmem:s17+$0x0] =	vst.add.f32.msk $0xffff, v2  }
0x185: {  	v2 =	vld [tilespmem:s19+$0x8000];
	_ =	sdelay $0x2  }
0x186: {  	[tilespmem:s25+$0x0] =	vst.add.f32.msk $0xffff, v0  }
0x187: {  	[tilespmem:s30+$0x0] =	vst.add.f32.msk $0xffff, v1  }
0x188: {  	s18 =	simm.s32 $0x0;
	s31 =	simm.s32 $0x6000;
	s30 =	sadd.s32 $0xC00, s26;
	[tilespmem:s19+$0x0] =	vst.add.f32.msk $0xffff, v2  }
0x189: {  	[hbm4b:s30+s18] =	stream.linear.scatter [tilespmem:s31], [sflag:$0xC], $0x2000, $0x38;
	[tilespmem:$0x10000] =	vst v63  }
0x18a: {  	_ =	swait.ge [sflag:s20], $0x2000  }
0x18b: {  	s6 =	rddreg [dreg:$0x10]  }
0x18c: {  	s4 =	sadd.s32 s22, s6  }
0x18d: {  	[sflag:s20] =	ssyncset.done $0x0;
	s4 =	sshll.u32 s4, $0x7  }
0x18e: {  	s17 =	simm.s32 $0x4000;
	[sflag:s20] =	ssyncadd.s32 $0xFFFFE000;
	s16 =	sadd.s32 s2, s4  }
0x18f: {  	[tilespmem:s17], [sflag:$0x3] =	stream.linear.gather [hbm4b:s16+s18], $0x2000, $0x38;
	[tilespmem:$0x10000] =	vst v63  }
0x190: {  	s25 =	simm.s32 $0x1;
	s19 =	simm.s32 $0xC000;
	s4 =	sadd.s32 s3, s4  }
0x191: {  	[tilespmem:s19], [sflag:$0x7] =	stream.linear.gather [hbm4b:s4+s18], $0x2000, $0x38;
	[tilespmem:$0x10000] =	vst v63  }
0x192: {  	_ =	swait.ge [sflag:s25], $0x2000  }
0x193: {  	[sflag:s25] =	ssyncset.done $0x0  }
0x194: {  	[sflag:s25] =	ssyncadd.s32 $0xFFFFE000  }
0x195: {  	s19 =	simm.s32 $0x0;
	_ =	swait.ge [sflag:s1], $0x2000  }
0x196: {  	s30 =	sand.u32 $0x1C00, s18;
	s26 =	sand.u32 $0x70, s19;
	[sflag:s1] =	ssyncset.done $0x0  }
0x197: {  	s25 =	sor.u32 s26, s30;
	[sflag:s1] =	ssyncadd.s32 $0xFFFFE000  }
0x198: {  	v0 =	vld [tilespmem:s25+$0x8000]  }
0x199: {  	v1 =	vld [tilespmem:s25+$0x8080];
	_ =	sdelay $0x3  }
0x19a: {  	s4 =	sor.u32 $0x80, s25;
	[tilespmem:s25+$0x0] =	vst.add.f32.msk $0xffff, v0  }
0x19b: {  	[tilespmem:s4+$0x0] =	vst.add.f32.msk $0xffff, v1  }
0x19c: {  	v0 =	vld [tilespmem:s25+$0x8100];
	_ =	sdelay $0x3  }
0x19d: {  	s16 =	sor.u32 $0x100, s25  }
0x19e: {  	[tilespmem:s16+$0x0] =	vst.add.f32.msk $0xffff, v0  }
0x19f: {  	s29 =	simm.s32 $0x80;
	s26 =	simm.s32 $0x10;
	v0 =	vld [tilespmem:s25+$0x8180]  }
0x1a0: {  	s30 =	sand.u32 $0x1C00, s29;
	s17 =	sand.u32 $0x70, s26  }
0x1a1: {  	s6 =	sor.u32 s17, s30  }
0x1a2: {  	v1 =	vld [tilespmem:s6+$0x8000]  }
0x1a3: {  	v2 =	vld [tilespmem:s6+$0x8080];
	s16 =	sor.u32 $0x180, s25  }
0x1a4: {  	[tilespmem:s16+$0x0] =	vst.add.f32.msk $0xffff, v0  }
0x1a5: {  	v0 =	vld [tilespmem:s25+$0x8200];
	_ =	sdelay $0x1  }
0x1a6: {  	s17 =	sor.u32 $0x80, s6;
	[tilespmem:s6+$0x0] =	vst.add.f32.msk $0xffff, v1  }
0x1a7: {  	[tilespmem:s17+$0x0] =	vst.add.f32.msk $0xffff, v2  }
0x1a8: {  	s30 =	sor.u32 $0x200, s25;
	v1 =	vld [tilespmem:s6+$0x8100]  }
0x1a9: {  	s17 =	simm.s32 $0x100;
	s16 =	simm.s32 $0x20;
	[tilespmem:s30+$0x0] =	vst.add.f32.msk $0xffff, v0  }
0x1aa: {  	s28 =	sand.u32 $0x1C00, s17;
	s30 =	sand.u32 $0x70, s16;
	v0 =	vld [tilespmem:s25+$0x8280]  }
0x1ab: {  	s4 =	sor.u32 s30, s28  }
0x1ac: {  	s28 =	sor.u32 $0x100, s6;
	v2 =	vld [tilespmem:s4+$0x8000]  }
0x1ad: {  	[tilespmem:s28+$0x0] =	vst.add.f32.msk $0xffff, v1  }
0x1ae: {  	s28 =	sor.u32 $0x280, s25;
	v1 =	vld [tilespmem:s6+$0x8180]  }
0x1af: {  	[tilespmem:s28+$0x0] =	vst.add.f32.msk $0xffff, v0  }
0x1b0: {  	v0 =	vld [tilespmem:s25+$0x8300]  }
0x1b1: {  	v3 =	vld [tilespmem:s4+$0x8080]  }
0x1b2: {  	s28 =	sor.u32 $0x180, s6;
	[tilespmem:s4+$0x0] =	vst.add.f32.msk $0xffff, v2  }
0x1b3: {  	[tilespmem:s28+$0x0] =	vst.add.f32.msk $0xffff, v1  }
0x1b4: {  	s18 =	sor.u32 s18, s19;
	s25 =	sor.u32 $0x300, s25;
	v1 =	vld [tilespmem:s6+$0x8200]  }
0x1b5: {  	[tilespmem:s25+$0x0] =	vst.add.f32.msk $0xffff, v0;
	s25 =	sor.u32 $0x380, s18  }
0x1b6: {  	s30 =	sor.u32 $0x80, s4;
	v0 =	vld [tilespmem:s25+$0x8000]  }
0x1b7: {  	[tilespmem:s30+$0x0] =	vst.add.f32.msk $0xffff, v3  }
0x1b8: {  	s19 =	simm.s32 $0x100;
	s28 =	sor.u32 $0x200, s6;
	v2 =	vld [tilespmem:s4+$0x8100];
	s18 =	simm.s32 $0x20  }
.LBB2_11:
0x1b9: {  	s16 =	sadd.s32 $0x10, s16;
	s17 =	sadd.s32 $0x80, s17;
	[tilespmem:s28+$0x0] =	vst.add.f32.msk $0xffff, v1  }
0x1ba: {  	s28 =	sand.u32 $0x70, s16;
	s30 =	sand.u32 $0x1C00, s17;
	v1 =	vld [tilespmem:s6+$0x8280]  }
0x1bb: {  	s28 =	sor.u32 s28, s30;
	[tilespmem:s25+$0x0] =	vst.add.f32.msk $0xffff, v0  }
0x1bc: {  	s25 =	sor.u32 $0x100, s4;
	v0 =	vld [tilespmem:s28+$0x8000]  }
0x1bd: {  	[tilespmem:s25+$0x0] =	vst.add.f32.msk $0xffff, v2  }
0x1be: {  	s25 =	sor.u32 $0x280, s6;
	v2 =	vld [tilespmem:s4+$0x8180]  }
0x1bf: {  	p0 =	slt.u32 s16, $0x3F0;
	[tilespmem:s25+$0x0] =	vst.add.f32.msk $0xffff, v1  }
0x1c0: {  	v3 =	vld [tilespmem:s6+$0x8300]  }
0x1c1: {  	v4 =	vld [tilespmem:s28+$0x8080]  }
0x1c2: {  	s25 =	sor.u32 $0x180, s4;
	[tilespmem:s28+$0x0] =	vst.add.f32.msk $0xffff, v0  }
0x1c3: {  	[tilespmem:s25+$0x0] =	vst.add.f32.msk $0xffff, v2  }
.Ltmp4:
0x1c4: {  	s6 =	sor.u32 $0x300, s6;
	s25 =	sor.u32 s29, s26;
	v1 =	vld [tilespmem:s4+$0x8200];
	(pc) =	sbr.rel @p0 .LBB2_11-.Ltmp4, $4  }
0x1c5: {  	s26 =	smov.u32 s18;
	s18 =	smov.u32 s16;
	s25 =	sor.u32 $0x380, s25;
	[tilespmem:s6+$0x0] =	vst.add.f32.msk $0xffff, v3  }
0x1c6: {  	s29 =	smov.u32 s19;
	s19 =	smov.u32 s17;
	s6 =	sor.u32 $0x80, s28;
	v0 =	vld [tilespmem:s25+$0x8000]  }
0x1c7: {  	[tilespmem:s6+$0x0] =	vst.add.f32.msk $0xffff, v4;
	s6 =	smov.u32 s4;
	s4 =	smov.u32 s28  }
0x1c8: {  	v2 =	vld [tilespmem:s4+$0x8100];
	s28 =	sor.u32 $0x200, s6  }
0x1c9: {  	_ =	sdelay $0x2  }
0x1ca: {  	s16 =	sor.u32 $0x100, s4  }
0x1cb: {  	[tilespmem:s16+$0x0] =	vst.add.f32.msk $0xffff, v2  }
0x1cc: {  	v2 =	vld [tilespmem:s4+$0x8180];
	_ =	sdelay $0x3  }
0x1cd: {  	s30 =	sor.u32 $0x180, s4  }
0x1ce: {  	[tilespmem:s30+$0x0] =	vst.add.f32.msk $0xffff, v2  }
0x1cf: {  	v2 =	vld [tilespmem:s4+$0x8200];
	_ =	sdelay $0x2  }
0x1d0: {  	[tilespmem:s28+$0x0] =	vst.add.f32.msk $0xffff, v1  }
0x1d1: {  	s17 =	sor.u32 $0x200, s4;
	v1 =	vld [tilespmem:s6+$0x8280]  }
0x1d2: {  	[tilespmem:s17+$0x0] =	vst.add.f32.msk $0xffff, v2  }
0x1d3: {  	v2 =	vld [tilespmem:s4+$0x8280];
	_ =	sdelay $0x1  }
0x1d4: {  	s28 =	sor.u32 $0x280, s6  }
0x1d5: {  	[tilespmem:s28+$0x0] =	vst.add.f32.msk $0xffff, v1  }
0x1d6: {  	v1 =	vld [tilespmem:s6+$0x8300];
	s30 =	sor.u32 $0x280, s4  }
0x1d7: {  	[tilespmem:s30+$0x0] =	vst.add.f32.msk $0xffff, v2  }
0x1d8: {  	v2 =	vld [tilespmem:s4+$0x8300];
	_ =	sdelay $0x1  }
0x1d9: {  	s28 =	sor.u32 s29, s26;
	s17 =	sor.u32 $0x300, s6  }
0x1da: {  	[tilespmem:s17+$0x0] =	vst.add.f32.msk $0xffff, v1;
	s30 =	sor.u32 $0x380, s28  }
0x1db: {  	s18 =	sor.u32 s19, s18;
	s17 =	sor.u32 $0x300, s4;
	v1 =	vld [tilespmem:s30+$0x8000]  }
0x1dc: {  	s19 =	sor.u32 $0x380, s18;
	[tilespmem:s17+$0x0] =	vst.add.f32.msk $0xffff, v2  }
0x1dd: {  	v2 =	vld [tilespmem:s19+$0x8000];
	_ =	sdelay $0x2  }
0x1de: {  	[tilespmem:s25+$0x0] =	vst.add.f32.msk $0xffff, v0  }
0x1df: {  	[tilespmem:s30+$0x0] =	vst.add.f32.msk $0xffff, v1  }
0x1e0: {  	s24 =	sadd.s32 s0, s24;
	[tilespmem:s19+$0x0] =	vst.add.f32.msk $0xffff, v2  }
0x1e1: {  	[hbm4b:s24+s5] =	stream.linear.scatter [tilespmem:s5], [sflag:$0x9], $0x2000, $0x38;
	[tilespmem:$0x10000] =	vst v63  }
0x1e2: {  	_ =	swait.ge [sflag:s21], $0x2000  }
0x1e3: {  	s15 =	sadd.s32 $0x1, s15;
	s25 =	rddreg [dreg:$0x11]  }
0x1e4: {  	p0 =	sne.s32 s15, $0x7;
	s26 =	sadd.s32 s22, s25  }
.Ltmp5:
0x1e5: {  	[sflag:s21] =	ssyncset.done $0x0;
	s4 =	sshll.u32 s26, $0x7;
	(pc) =	sbr.rel @p0 .LBB2_4-.Ltmp5, $4  }
0x1e6: {  	[sflag:s21] =	ssyncadd.s32 $0xFFFFE000;
	s28 =	sadd.s32 s2, s4  }
0x1e7: {  	[tilespmem:s31], [sflag:$0x4] =	stream.linear.gather [hbm4b:s28+s5], $0x2000, $0x38;
	[tilespmem:$0x10000] =	vst v63  }
0x1e8: {  	s29 =	smov.u32 s0;
	s30 =	simm.s32 $0xE000;
	s4 =	sadd.s32 s3, s4  }
0x1e9: {  	[tilespmem:s30], [sflag:$0x8] =	stream.linear.gather [hbm4b:s4+s5], $0x2000, $0x38;
	[tilespmem:$0x10000] =	vst v63  }
0x1ea: {  	_ =	swait.ge [sflag:s7], $0x2000  }
0x1eb: {  	[sflag:s7] =	ssyncset.done $0x0  }
0x1ec: {  	[sflag:s7] =	ssyncadd.s32 $0xFFFFE000  }
0x1ed: {  	s18 =	simm.s32 $0x0;
	s19 =	simm.s32 $0x0;
	_ =	swait.ge [sflag:s8], $0x2000  }
0x1ee: {  	s4 =	sand.u32 $0x70, s19;
	s6 =	sand.u32 $0x1C00, s18;
	[sflag:s8] =	ssyncset.done $0x0  }
0x1ef: {  	s23 =	sor.u32 s4, s6;
	[sflag:s8] =	ssyncadd.s32 $0xFFFFE000  }
0x1f0: {  	v0 =	vld [tilespmem:s23+$0xA000];
	_ =	sdelay $0x3  }
0x1f1: {  	s4 =	sor.u32 $0x2000, s23  }
0x1f2: {  	[tilespmem:s4+$0x0] =	vst.add.f32.msk $0xffff, v0  }
0x1f3: {  	v0 =	vld [tilespmem:s23+$0xA080];
	_ =	sdelay $0x3  }
0x1f4: {  	s0 =	sor.u32 $0x2080, s23  }
0x1f5: {  	[tilespmem:s0+$0x0] =	vst.add.f32.msk $0xffff, v0  }
0x1f6: {  	v0 =	vld [tilespmem:s23+$0xA100]  }
0x1f7: {  	s15 =	simm.s32 $0x10;
	s22 =	simm.s32 $0x80  }
0x1f8: {  	s16 =	sand.u32 $0x1C00, s22;
	s6 =	sand.u32 $0x70, s15  }
0x1f9: {  	s4 =	sor.u32 s6, s16  }
0x1fa: {  	s17 =	sor.u32 $0x2100, s23;
	v1 =	vld [tilespmem:s4+$0xA000]  }
0x1fb: {  	[tilespmem:s17+$0x0] =	vst.add.f32.msk $0xffff, v0  }
0x1fc: {  	v0 =	vld [tilespmem:s23+$0xA180];
	_ =	sdelay $0x1  }
0x1fd: {  	s24 =	sor.u32 $0x2000, s4  }
0x1fe: {  	[tilespmem:s24+$0x0] =	vst.add.f32.msk $0xffff, v1  }
0x1ff: {  	s25 =	sor.u32 $0x2180, s23;
	v1 =	vld [tilespmem:s4+$0xA080]  }
0x200: {  	[tilespmem:s25+$0x0] =	vst.add.f32.msk $0xffff, v0  }
0x201: {  	v0 =	vld [tilespmem:s23+$0xA200];
	_ =	sdelay $0x1  }
0x202: {  	s26 =	sor.u32 $0x2080, s4  }
0x203: {  	[tilespmem:s26+$0x0] =	vst.add.f32.msk $0xffff, v1  }
0x204: {  	s28 =	sor.u32 $0x2200, s23;
	v1 =	vld [tilespmem:s4+$0xA100]  }
0x205: {  	s16 =	simm.s32 $0x20;
	s17 =	simm.s32 $0x100;
	[tilespmem:s28+$0x0] =	vst.add.f32.msk $0xffff, v0  }
0x206: {  	s30 =	sand.u32 $0x70, s16;
	s24 =	sand.u32 $0x1C00, s17;
	v0 =	vld [tilespmem:s23+$0xA280]  }
0x207: {  	s6 =	sor.u32 s30, s24  }
0x208: {  	s0 =	sor.u32 $0x2100, s4;
	v2 =	vld [tilespmem:s6+$0xA000]  }
0x209: {  	[tilespmem:s0+$0x0] =	vst.add.f32.msk $0xffff, v1  }
0x20a: {  	s25 =	sor.u32 $0x2280, s23;
	v1 =	vld [tilespmem:s4+$0xA180]  }
0x20b: {  	[tilespmem:s25+$0x0] =	vst.add.f32.msk $0xffff, v0  }
0x20c: {  	s26 =	sor.u32 $0x2000, s6;
	v0 =	vld [tilespmem:s23+$0xA300]  }
0x20d: {  	[tilespmem:s26+$0x0] =	vst.add.f32.msk $0xffff, v2  }
0x20e: {  	v2 =	vld [tilespmem:s6+$0xA080];
	s28 =	sor.u32 $0x2180, s4  }
0x20f: {  	[tilespmem:s28+$0x0] =	vst.add.f32.msk $0xffff, v1  }
0x210: {  	s18 =	sor.u32 s18, s19;
	v1 =	vld [tilespmem:s4+$0xA200];
	s23 =	sor.u32 $0x2300, s23  }
0x211: {  	[tilespmem:s23+$0x0] =	vst.add.f32.msk $0xffff, v0;
	s23 =	sor.u32 $0x2380, s18  }
0x212: {  	s30 =	sor.u32 $0x2080, s6;
	v0 =	vld [tilespmem:s23+$0x8000]  }
0x213: {  	[tilespmem:s30+$0x0] =	vst.add.f32.msk $0xffff, v2  }
0x214: {  	s19 =	simm.s32 $0x100;
	s24 =	sor.u32 $0x2200, s4;
	v2 =	vld [tilespmem:s6+$0xA100];
	s18 =	simm.s32 $0x20  }
.LBB2_14:
0x215: {  	s16 =	sadd.s32 $0x10, s16;
	s17 =	sadd.s32 $0x80, s17;
	[tilespmem:s24+$0x0] =	vst.add.f32.msk $0xffff, v1  }
0x216: {  	s24 =	sand.u32 $0x70, s16;
	s25 =	sand.u32 $0x1C00, s17;
	p0 =	slt.u32 s16, $0x3F0;
	v1 =	vld [tilespmem:s4+$0xA280]  }
0x217: {  	s24 =	sor.u32 s24, s25;
	[tilespmem:s23+$0x0] =	vst.add.f32.msk $0xffff, v0  }
0x218: {  	s23 =	sor.u32 $0x2100, s6;
	v0 =	vld [tilespmem:s24+$0xA000]  }
0x219: {  	[tilespmem:s23+$0x0] =	vst.add.f32.msk $0xffff, v2  }
0x21a: {  	s23 =	sor.u32 $0x2280, s4;
	v2 =	vld [tilespmem:s6+$0xA180]  }
0x21b: {  	[tilespmem:s23+$0x0] =	vst.add.f32.msk $0xffff, v1  }
0x21c: {  	s23 =	sor.u32 $0x2000, s24;
	v3 =	vld [tilespmem:s4+$0xA300]  }
0x21d: {  	[tilespmem:s23+$0x0] =	vst.add.f32.msk $0xffff, v0  }
0x21e: {  	s23 =	sor.u32 $0x2180, s6;
	v4 =	vld [tilespmem:s24+$0xA080]  }
0x21f: {  	[tilespmem:s23+$0x0] =	vst.add.f32.msk $0xffff, v2  }
.Ltmp6:
0x220: {  	s15 =	sor.u32 s22, s15;
	s4 =	sor.u32 $0x2300, s4;
	v1 =	vld [tilespmem:s6+$0xA200];
	(pc) =	sbr.rel @p0 .LBB2_14-.Ltmp6, $4  }
0x221: {  	s23 =	sor.u32 $0x2380, s15;
	s15 =	smov.u32 s18;
	s18 =	smov.u32 s16;
	[tilespmem:s4+$0x0] =	vst.add.f32.msk $0xffff, v3  }
0x222: {  	s22 =	smov.u32 s19;
	s19 =	smov.u32 s17;
	s4 =	sor.u32 $0x2080, s24;
	v0 =	vld [tilespmem:s23+$0x8000]  }
0x223: {  	[tilespmem:s4+$0x0] =	vst.add.f32.msk $0xffff, v4;
	s4 =	smov.u32 s6;
	s6 =	smov.u32 s24  }
0x224: {  	v2 =	vld [tilespmem:s6+$0xA100];
	s24 =	sor.u32 $0x2200, s4  }
0x225: {  	_ =	sdelay $0x2  }
0x226: {  	s16 =	sor.u32 $0x2100, s6  }
0x227: {  	[tilespmem:s16+$0x0] =	vst.add.f32.msk $0xffff, v2  }
0x228: {  	v2 =	vld [tilespmem:s6+$0xA180];
	_ =	sdelay $0x3  }
0x229: {  	s25 =	sor.u32 $0x2180, s6  }
0x22a: {  	[tilespmem:s25+$0x0] =	vst.add.f32.msk $0xffff, v2  }
0x22b: {  	v2 =	vld [tilespmem:s6+$0xA200];
	_ =	sdelay $0x2  }
0x22c: {  	[tilespmem:s24+$0x0] =	vst.add.f32.msk $0xffff, v1  }
0x22d: {  	s26 =	sor.u32 $0x2200, s6;
	v1 =	vld [tilespmem:s4+$0xA280]  }
0x22e: {  	[tilespmem:s26+$0x0] =	vst.add.f32.msk $0xffff, v2  }
0x22f: {  	v2 =	vld [tilespmem:s6+$0xA280];
	_ =	sdelay $0x1  }
0x230: {  	s28 =	sor.u32 $0x2280, s4  }
0x231: {  	[tilespmem:s28+$0x0] =	vst.add.f32.msk $0xffff, v1  }
0x232: {  	s30 =	sor.u32 $0x2280, s6;
	v1 =	vld [tilespmem:s4+$0xA300]  }
0x233: {  	[tilespmem:s30+$0x0] =	vst.add.f32.msk $0xffff, v2  }
0x234: {  	v2 =	vld [tilespmem:s6+$0xA300];
	_ =	sdelay $0x1  }
0x235: {  	s0 =	sor.u32 $0x2300, s4;
	s15 =	sor.u32 s22, s15  }
0x236: {  	s16 =	sor.u32 $0x2380, s15;
	[tilespmem:s0+$0x0] =	vst.add.f32.msk $0xffff, v1  }
0x237: {  	s17 =	sor.u32 $0x2300, s6;
	s19 =	sor.u32 s19, s18;
	v1 =	vld [tilespmem:s16+$0x8000]  }
0x238: {  	s22 =	sor.u32 $0x2380, s19;
	[tilespmem:s17+$0x0] =	vst.add.f32.msk $0xffff, v2  }
0x239: {  	v2 =	vld [tilespmem:s22+$0x8000];
	_ =	sdelay $0x2  }
0x23a: {  	[tilespmem:s23+$0x0] =	vst.add.f32.msk $0xffff, v0  }
0x23b: {  	[tilespmem:s16+$0x0] =	vst.add.f32.msk $0xffff, v1  }
0x23c: {  	[tilespmem:s22+$0x0] =	vst.add.f32.msk $0xffff, v2  }
0x23d: {  	s18 =	simm.s32 $0x0;
	s24 =	simm.s32 $0x2000;
	s0 =	rddreg [dreg:$0x12]  }
0x23e: {  	[hbm4b:s0+s18] =	stream.linear.scatter [tilespmem:s24], [sflag:$0xA], $0x2000, $0x38;
	[tilespmem:$0x10000] =	vst v63  }
0x23f: {  	_ =	swait.ge [sflag:s10], $0x2000  }
0x240: {  	[sflag:s10] =	ssyncset.done $0x0  }
0x241: {  	[sflag:s10] =	ssyncadd.s32 $0xFFFFE000  }
0x242: {  	s19 =	simm.s32 $0x0;
	_ =	swait.ge [sflag:s11], $0x2000  }
0x243: {  	s25 =	sand.u32 $0x70, s19;
	s26 =	sand.u32 $0x1C00, s18;
	[sflag:s11] =	ssyncset.done $0x0  }
0x244: {  	s23 =	sor.u32 s25, s26;
	[sflag:s11] =	ssyncadd.s32 $0xFFFFE000  }
0x245: {  	v0 =	vld [tilespmem:s23+$0xC000];
	_ =	sdelay $0x3  }
0x246: {  	s4 =	sor.u32 $0x4000, s23  }
0x247: {  	[tilespmem:s4+$0x0] =	vst.add.f32.msk $0xffff, v0  }
0x248: {  	v0 =	vld [tilespmem:s23+$0xC080];
	_ =	sdelay $0x3  }
0x249: {  	s28 =	sor.u32 $0x4080, s23  }
0x24a: {  	[tilespmem:s28+$0x0] =	vst.add.f32.msk $0xffff, v0  }
0x24b: {  	v0 =	vld [tilespmem:s23+$0xC100]  }
0x24c: {  	s15 =	simm.s32 $0x10;
	s22 =	simm.s32 $0x80  }
0x24d: {  	s30 =	sand.u32 $0x70, s15;
	s0 =	sand.u32 $0x1C00, s22  }
0x24e: {  	s4 =	sor.u32 s30, s0  }
0x24f: {  	s16 =	sor.u32 $0x4100, s23;
	v1 =	vld [tilespmem:s4+$0xC000]  }
0x250: {  	[tilespmem:s16+$0x0] =	vst.add.f32.msk $0xffff, v0  }
0x251: {  	v0 =	vld [tilespmem:s23+$0xC180];
	_ =	sdelay $0x1  }
0x252: {  	s17 =	sor.u32 $0x4000, s4  }
0x253: {  	[tilespmem:s17+$0x0] =	vst.add.f32.msk $0xffff, v1  }
0x254: {  	s24 =	sor.u32 $0x4180, s23;
	v1 =	vld [tilespmem:s4+$0xC080]  }
0x255: {  	[tilespmem:s24+$0x0] =	vst.add.f32.msk $0xffff, v0  }
0x256: {  	v0 =	vld [tilespmem:s23+$0xC200];
	_ =	sdelay $0x1  }
0x257: {  	s25 =	sor.u32 $0x4080, s4  }
0x258: {  	[tilespmem:s25+$0x0] =	vst.add.f32.msk $0xffff, v1  }
0x259: {  	s26 =	sor.u32 $0x4200, s23;
	v1 =	vld [tilespmem:s4+$0xC100]  }
0x25a: {  	s17 =	simm.s32 $0x100;
	s16 =	simm.s32 $0x20;
	[tilespmem:s26+$0x0] =	vst.add.f32.msk $0xffff, v0  }
0x25b: {  	s30 =	sand.u32 $0x1C00, s17;
	s28 =	sand.u32 $0x70, s16;
	v0 =	vld [tilespmem:s23+$0xC280]  }
0x25c: {  	s6 =	sor.u32 s28, s30  }
0x25d: {  	s0 =	sor.u32 $0x4100, s4;
	v2 =	vld [tilespmem:s6+$0xC000]  }
0x25e: {  	[tilespmem:s0+$0x0] =	vst.add.f32.msk $0xffff, v1  }
0x25f: {  	s25 =	sor.u32 $0x4280, s23;
	v1 =	vld [tilespmem:s4+$0xC180]  }
0x260: {  	[tilespmem:s25+$0x0] =	vst.add.f32.msk $0xffff, v0  }
0x261: {  	s26 =	sor.u32 $0x4000, s6;
	v0 =	vld [tilespmem:s23+$0xC300]  }
0x262: {  	[tilespmem:s26+$0x0] =	vst.add.f32.msk $0xffff, v2  }
0x263: {  	s28 =	sor.u32 $0x4180, s4;
	v2 =	vld [tilespmem:s6+$0xC080]  }
0x264: {  	[tilespmem:s28+$0x0] =	vst.add.f32.msk $0xffff, v1  }
0x265: {  	s18 =	sor.u32 s18, s19;
	v1 =	vld [tilespmem:s4+$0xC200];
	s23 =	sor.u32 $0x4300, s23  }
0x266: {  	[tilespmem:s23+$0x0] =	vst.add.f32.msk $0xffff, v0;
	s23 =	sor.u32 $0x4380, s18  }
0x267: {  	s30 =	sor.u32 $0x4080, s6;
	v0 =	vld [tilespmem:s23+$0x8000]  }
0x268: {  	[tilespmem:s30+$0x0] =	vst.add.f32.msk $0xffff, v2  }
0x269: {  	s19 =	simm.s32 $0x100;
	s24 =	sor.u32 $0x4200, s4;
	v2 =	vld [tilespmem:s6+$0xC100];
	s18 =	simm.s32 $0x20  }
.LBB2_16:
0x26a: {  	s16 =	sadd.s32 $0x10, s16;
	s17 =	sadd.s32 $0x80, s17;
	[tilespmem:s24+$0x0] =	vst.add.f32.msk $0xffff, v1  }
0x26b: {  	s24 =	sand.u32 $0x70, s16;
	s25 =	sand.u32 $0x1C00, s17;
	p0 =	slt.u32 s16, $0x3F0;
	v1 =	vld [tilespmem:s4+$0xC280]  }
0x26c: {  	s24 =	sor.u32 s24, s25;
	[tilespmem:s23+$0x0] =	vst.add.f32.msk $0xffff, v0  }
0x26d: {  	s23 =	sor.u32 $0x4100, s6;
	v0 =	vld [tilespmem:s24+$0xC000]  }
0x26e: {  	[tilespmem:s23+$0x0] =	vst.add.f32.msk $0xffff, v2  }
0x26f: {  	s23 =	sor.u32 $0x4280, s4;
	v2 =	vld [tilespmem:s6+$0xC180]  }
0x270: {  	[tilespmem:s23+$0x0] =	vst.add.f32.msk $0xffff, v1  }
0x271: {  	s23 =	sor.u32 $0x4000, s24;
	v3 =	vld [tilespmem:s4+$0xC300]  }
0x272: {  	[tilespmem:s23+$0x0] =	vst.add.f32.msk $0xffff, v0  }
0x273: {  	s23 =	sor.u32 $0x4180, s6;
	v4 =	vld [tilespmem:s24+$0xC080]  }
0x274: {  	[tilespmem:s23+$0x0] =	vst.add.f32.msk $0xffff, v2  }
.Ltmp7:
0x275: {  	s15 =	sor.u32 s22, s15;
	s4 =	sor.u32 $0x4300, s4;
	v1 =	vld [tilespmem:s6+$0xC200];
	(pc) =	sbr.rel @p0 .LBB2_16-.Ltmp7, $4  }
0x276: {  	s23 =	sor.u32 $0x4380, s15;
	s15 =	smov.u32 s18;
	s18 =	smov.u32 s16;
	[tilespmem:s4+$0x0] =	vst.add.f32.msk $0xffff, v3  }
0x277: {  	s22 =	smov.u32 s19;
	s19 =	smov.u32 s17;
	s4 =	sor.u32 $0x4080, s24;
	v0 =	vld [tilespmem:s23+$0x8000]  }
0x278: {  	[tilespmem:s4+$0x0] =	vst.add.f32.msk $0xffff, v4;
	s4 =	smov.u32 s6;
	s6 =	smov.u32 s24  }
0x279: {  	v2 =	vld [tilespmem:s6+$0xC100];
	s24 =	sor.u32 $0x4200, s4  }
0x27a: {  	_ =	sdelay $0x2  }
0x27b: {  	s16 =	sor.u32 $0x4100, s6  }
0x27c: {  	[tilespmem:s16+$0x0] =	vst.add.f32.msk $0xffff, v2  }
0x27d: {  	v2 =	vld [tilespmem:s6+$0xC180];
	_ =	sdelay $0x3  }
0x27e: {  	s25 =	sor.u32 $0x4180, s6  }
0x27f: {  	[tilespmem:s25+$0x0] =	vst.add.f32.msk $0xffff, v2  }
0x280: {  	v2 =	vld [tilespmem:s6+$0xC200];
	_ =	sdelay $0x2  }
0x281: {  	[tilespmem:s24+$0x0] =	vst.add.f32.msk $0xffff, v1  }
0x282: {  	s26 =	sor.u32 $0x4200, s6;
	v1 =	vld [tilespmem:s4+$0xC280]  }
0x283: {  	[tilespmem:s26+$0x0] =	vst.add.f32.msk $0xffff, v2  }
0x284: {  	v2 =	vld [tilespmem:s6+$0xC280];
	_ =	sdelay $0x1  }
0x285: {  	s28 =	sor.u32 $0x4280, s4  }
0x286: {  	[tilespmem:s28+$0x0] =	vst.add.f32.msk $0xffff, v1  }
0x287: {  	s30 =	sor.u32 $0x4280, s6;
	v1 =	vld [tilespmem:s4+$0xC300]  }
0x288: {  	[tilespmem:s30+$0x0] =	vst.add.f32.msk $0xffff, v2  }
0x289: {  	v2 =	vld [tilespmem:s6+$0xC300];
	_ =	sdelay $0x1  }
0x28a: {  	s0 =	sor.u32 $0x4300, s4;
	s15 =	sor.u32 s22, s15  }
0x28b: {  	s16 =	sor.u32 $0x4380, s15;
	[tilespmem:s0+$0x0] =	vst.add.f32.msk $0xffff, v1  }
0x28c: {  	s17 =	sor.u32 $0x4300, s6;
	s19 =	sor.u32 s19, s18;
	v1 =	vld [tilespmem:s16+$0x8000]  }
0x28d: {  	s22 =	sor.u32 $0x4380, s19;
	[tilespmem:s17+$0x0] =	vst.add.f32.msk $0xffff, v2  }
0x28e: {  	v2 =	vld [tilespmem:s22+$0x8000];
	_ =	sdelay $0x2  }
0x28f: {  	[tilespmem:s23+$0x0] =	vst.add.f32.msk $0xffff, v0  }
0x290: {  	[tilespmem:s16+$0x0] =	vst.add.f32.msk $0xffff, v1  }
0x291: {  	[tilespmem:s22+$0x0] =	vst.add.f32.msk $0xffff, v2  }
0x292: {  	s18 =	simm.s32 $0x0;
	s24 =	simm.s32 $0x4000;
	s0 =	rddreg [dreg:$0x13]  }
0x293: {  	[hbm4b:s0+s18] =	stream.linear.scatter [tilespmem:s24], [sflag:$0xB], $0x2000, $0x38;
	[tilespmem:$0x10000] =	vst v63  }
0x294: {  	_ =	swait.ge [sflag:s13], $0x2000  }
0x295: {  	[sflag:s13] =	ssyncset.done $0x0  }
0x296: {  	[sflag:s13] =	ssyncadd.s32 $0xFFFFE000  }
0x297: {  	s19 =	simm.s32 $0x0;
	_ =	swait.ge [sflag:s14], $0x2000  }
0x298: {  	s25 =	sand.u32 $0x70, s19;
	s26 =	sand.u32 $0x1C00, s18;
	[sflag:s14] =	ssyncset.done $0x0  }
0x299: {  	s23 =	sor.u32 s25, s26;
	[sflag:s14] =	ssyncadd.s32 $0xFFFFE000  }
0x29a: {  	v0 =	vld [tilespmem:s23+$0xE000];
	_ =	sdelay $0x3  }
0x29b: {  	s4 =	sor.u32 $0x6000, s23  }
0x29c: {  	[tilespmem:s4+$0x0] =	vst.add.f32.msk $0xffff, v0  }
0x29d: {  	v0 =	vld [tilespmem:s23+$0xE080];
	_ =	sdelay $0x3  }
0x29e: {  	s28 =	sor.u32 $0x6080, s23  }
0x29f: {  	[tilespmem:s28+$0x0] =	vst.add.f32.msk $0xffff, v0  }
0x2a0: {  	v0 =	vld [tilespmem:s23+$0xE100]  }
0x2a1: {  	s15 =	simm.s32 $0x10;
	s22 =	simm.s32 $0x80  }
0x2a2: {  	s30 =	sand.u32 $0x70, s15;
	s0 =	sand.u32 $0x1C00, s22  }
0x2a3: {  	s4 =	sor.u32 s30, s0  }
0x2a4: {  	s16 =	sor.u32 $0x6100, s23;
	v1 =	vld [tilespmem:s4+$0xE000]  }
0x2a5: {  	[tilespmem:s16+$0x0] =	vst.add.f32.msk $0xffff, v0  }
0x2a6: {  	v0 =	vld [tilespmem:s23+$0xE180];
	_ =	sdelay $0x1  }
0x2a7: {  	s17 =	sor.u32 $0x6000, s4  }
0x2a8: {  	[tilespmem:s17+$0x0] =	vst.add.f32.msk $0xffff, v1  }
0x2a9: {  	s24 =	sor.u32 $0x6180, s23;
	v1 =	vld [tilespmem:s4+$0xE080]  }
0x2aa: {  	[tilespmem:s24+$0x0] =	vst.add.f32.msk $0xffff, v0  }
0x2ab: {  	v0 =	vld [tilespmem:s23+$0xE200];
	_ =	sdelay $0x1  }
0x2ac: {  	s25 =	sor.u32 $0x6080, s4  }
0x2ad: {  	[tilespmem:s25+$0x0] =	vst.add.f32.msk $0xffff, v1  }
0x2ae: {  	s26 =	sor.u32 $0x6200, s23;
	v1 =	vld [tilespmem:s4+$0xE100]  }
0x2af: {  	s17 =	simm.s32 $0x100;
	s16 =	simm.s32 $0x20;
	[tilespmem:s26+$0x0] =	vst.add.f32.msk $0xffff, v0  }
0x2b0: {  	s30 =	sand.u32 $0x1C00, s17;
	s28 =	sand.u32 $0x70, s16;
	v0 =	vld [tilespmem:s23+$0xE280]  }
0x2b1: {  	s6 =	sor.u32 s28, s30  }
0x2b2: {  	s0 =	sor.u32 $0x6100, s4;
	v2 =	vld [tilespmem:s6+$0xE000]  }
0x2b3: {  	[tilespmem:s0+$0x0] =	vst.add.f32.msk $0xffff, v1  }
0x2b4: {  	s25 =	sor.u32 $0x6280, s23;
	v1 =	vld [tilespmem:s4+$0xE180]  }
0x2b5: {  	[tilespmem:s25+$0x0] =	vst.add.f32.msk $0xffff, v0  }
0x2b6: {  	s26 =	sor.u32 $0x6000, s6;
	v0 =	vld [tilespmem:s23+$0xE300]  }
0x2b7: {  	[tilespmem:s26+$0x0] =	vst.add.f32.msk $0xffff, v2  }
0x2b8: {  	s28 =	sor.u32 $0x6180, s4;
	v2 =	vld [tilespmem:s6+$0xE080]  }
0x2b9: {  	[tilespmem:s28+$0x0] =	vst.add.f32.msk $0xffff, v1  }
0x2ba: {  	s18 =	sor.u32 s18, s19;
	v1 =	vld [tilespmem:s4+$0xE200];
	s23 =	sor.u32 $0x6300, s23  }
0x2bb: {  	[tilespmem:s23+$0x0] =	vst.add.f32.msk $0xffff, v0;
	s23 =	sor.u32 $0x6380, s18  }
0x2bc: {  	s30 =	sor.u32 $0x6080, s6;
	v0 =	vld [tilespmem:s23+$0x8000]  }
0x2bd: {  	[tilespmem:s30+$0x0] =	vst.add.f32.msk $0xffff, v2  }
0x2be: {  	s19 =	simm.s32 $0x100;
	s24 =	sor.u32 $0x6200, s4;
	v2 =	vld [tilespmem:s6+$0xE100];
	s18 =	simm.s32 $0x20  }
.LBB2_18:
0x2bf: {  	s16 =	sadd.s32 $0x10, s16;
	s17 =	sadd.s32 $0x80, s17;
	[tilespmem:s24+$0x0] =	vst.add.f32.msk $0xffff, v1  }
0x2c0: {  	s24 =	sand.u32 $0x70, s16;
	s25 =	sand.u32 $0x1C00, s17;
	p0 =	slt.u32 s16, $0x3F0;
	v1 =	vld [tilespmem:s4+$0xE280]  }
0x2c1: {  	s24 =	sor.u32 s24, s25;
	[tilespmem:s23+$0x0] =	vst.add.f32.msk $0xffff, v0  }
0x2c2: {  	s23 =	sor.u32 $0x6100, s6;
	v0 =	vld [tilespmem:s24+$0xE000]  }
0x2c3: {  	[tilespmem:s23+$0x0] =	vst.add.f32.msk $0xffff, v2  }
0x2c4: {  	s23 =	sor.u32 $0x6280, s4;
	v2 =	vld [tilespmem:s6+$0xE180]  }
0x2c5: {  	[tilespmem:s23+$0x0] =	vst.add.f32.msk $0xffff, v1  }
0x2c6: {  	s23 =	sor.u32 $0x6000, s24;
	v3 =	vld [tilespmem:s4+$0xE300]  }
0x2c7: {  	[tilespmem:s23+$0x0] =	vst.add.f32.msk $0xffff, v0  }
0x2c8: {  	s23 =	sor.u32 $0x6180, s6;
	v4 =	vld [tilespmem:s24+$0xE080]  }
0x2c9: {  	[tilespmem:s23+$0x0] =	vst.add.f32.msk $0xffff, v2  }
.Ltmp8:
0x2ca: {  	s15 =	sor.u32 s22, s15;
	s4 =	sor.u32 $0x6300, s4;
	v1 =	vld [tilespmem:s6+$0xE200];
	(pc) =	sbr.rel @p0 .LBB2_18-.Ltmp8, $4  }
0x2cb: {  	s23 =	sor.u32 $0x6380, s15;
	s15 =	smov.u32 s18;
	s18 =	smov.u32 s16;
	[tilespmem:s4+$0x0] =	vst.add.f32.msk $0xffff, v3  }
0x2cc: {  	s22 =	smov.u32 s19;
	s19 =	smov.u32 s17;
	s4 =	sor.u32 $0x6080, s24;
	v0 =	vld [tilespmem:s23+$0x8000]  }
0x2cd: {  	[tilespmem:s4+$0x0] =	vst.add.f32.msk $0xffff, v4;
	s4 =	smov.u32 s6;
	s6 =	smov.u32 s24  }
0x2ce: {  	v2 =	vld [tilespmem:s6+$0xE100];
	s24 =	sor.u32 $0x6200, s4  }
0x2cf: {  	_ =	sdelay $0x2  }
0x2d0: {  	s16 =	sor.u32 $0x6100, s6  }
0x2d1: {  	[tilespmem:s16+$0x0] =	vst.add.f32.msk $0xffff, v2  }
0x2d2: {  	v2 =	vld [tilespmem:s6+$0xE180];
	_ =	sdelay $0x3  }
0x2d3: {  	s26 =	sor.u32 $0x6180, s6  }
0x2d4: {  	[tilespmem:s26+$0x0] =	vst.add.f32.msk $0xffff, v2  }
0x2d5: {  	v2 =	vld [tilespmem:s6+$0xE200];
	_ =	sdelay $0x2  }
0x2d6: {  	[tilespmem:s24+$0x0] =	vst.add.f32.msk $0xffff, v1  }
0x2d7: {  	s28 =	sor.u32 $0x6200, s6;
	v1 =	vld [tilespmem:s4+$0xE280]  }
0x2d8: {  	[tilespmem:s28+$0x0] =	vst.add.f32.msk $0xffff, v2  }
0x2d9: {  	v2 =	vld [tilespmem:s6+$0xE280];
	_ =	sdelay $0x1  }
0x2da: {  	s30 =	sor.u32 $0x6280, s4  }
0x2db: {  	[tilespmem:s30+$0x0] =	vst.add.f32.msk $0xffff, v1  }
0x2dc: {  	s0 =	sor.u32 $0x6280, s6;
	v1 =	vld [tilespmem:s4+$0xE300]  }
0x2dd: {  	[tilespmem:s0+$0x0] =	vst.add.f32.msk $0xffff, v2  }
0x2de: {  	v2 =	vld [tilespmem:s6+$0xE300];
	_ =	sdelay $0x1  }
0x2df: {  	s17 =	sor.u32 $0x6300, s4;
	s15 =	sor.u32 s22, s15  }
0x2e0: {  	s22 =	sor.u32 $0x6380, s15;
	[tilespmem:s17+$0x0] =	vst.add.f32.msk $0xffff, v1  }
0x2e1: {  	s24 =	sor.u32 $0x6300, s6;
	s25 =	sor.u32 s19, s18;
	v1 =	vld [tilespmem:s22+$0x8000]  }
0x2e2: {  	s26 =	sor.u32 $0x6380, s25;
	[tilespmem:s24+$0x0] =	vst.add.f32.msk $0xffff, v2  }
0x2e3: {  	v2 =	vld [tilespmem:s26+$0x8000];
	_ =	sdelay $0x2  }
0x2e4: {  	[tilespmem:s23+$0x0] =	vst.add.f32.msk $0xffff, v0  }
0x2e5: {  	[tilespmem:s22+$0x0] =	vst.add.f32.msk $0xffff, v1  }
0x2e6: {  	[tilespmem:s26+$0x0] =	vst.add.f32.msk $0xffff, v2  }
0x2e7: {  	s0 =	rddreg [dreg:$0x14]  }
0x2e8: {  	[hbm4b:s0+s5] =	stream.linear.scatter [tilespmem:s31], [sflag:$0xC], $0x2000, $0x38;
	[tilespmem:$0x10000] =	vst v63  }
0x2e9: {  	_ =	swait.ge [sflag:s9], $0x2000  }
0x2ea: {  	[sflag:s9] =	ssyncset.done $0x0  }
0x2eb: {  	[sflag:s9] =	ssyncadd.s32 $0xFFFFE000  }
0x2ec: {  	_ =	swait.ge [sflag:s12], $0x2000  }
0x2ed: {  	[sflag:s12] =	ssyncset.done $0x0  }
0x2ee: {  	[sflag:s12] =	ssyncadd.s32 $0xFFFFE000  }
0x2ef: {  	_ =	swait.ge [sflag:s20], $0x2000  }
0x2f0: {  	[sflag:s20] =	ssyncset.done $0x0  }
0x2f1: {  	[sflag:s20] =	ssyncadd.s32 $0xFFFFE000  }
0x2f2: {  	_ =	swait.ge [sflag:s21], $0x2000  }
0x2f3: {  	s28 =	rddreg [dreg:$0x16]  }
0x2f4: {  	s30 =	rddreg [dreg:$0x15];
	s4 =	sadd.s32 $0x1, s28  }
0x2f5: {  	p0 =	sne.s32 s4, s30  }
.Ltmp9:
0x2f6: {  	_ = 	snop;
	(pc) =	sbr.rel @p0 .LBB2_1-.Ltmp9, $3  }
0x2f7: {  	_ =	sdelay $0x1  }
0x2f8: {  	[sflag:s21] =	ssyncset.done $0x0  }
0x2f9: {  	[sflag:s21] =	ssyncadd.s32 $0xFFFFE000  }
0x2fa: {  	_ =	sfence.sel $0x180000  }
0x2fb: {  	[bflag:$0x0] =	sbarrier.arrive $0xFFFF  }
0x2fc: {  	_ =	strace $0x90000047  }
0x2fd: {  	s0 =	stileid.u32;
	[bflag:$0x2] =	sbarrier.arrive $0xFFFF  }
0x2fe: {  	p0 =	sne.s32 s0, $0x0;
	s0 =	rddreg [dreg:$0x3]  }
0x2ff: {  	s0 =	sadd.s32 @!p0 $0x100000, s0  }
0x300: {  	[sflag:s0] =	ssyncadd.tile.s32 @!p0 $0x1;
	_ =	shalt  }
.Lfunc_end2:
_tile_overlayer_lowered:
.L_overlay_start_2:
0x301: {  	(tag) =	ssettag $0x2  }
0x302: {  	s0 =	rddreg [dreg:$0x0];
	s2 =	stileid.u32  }
0x303: {  	s1 =	rddreg [dreg:$0x1];
	p0 =	sne.s32 s2, $0x0  }
0x304: {  	s3 =	rddreg [dreg:$0x2];
	[bflag:$0x3] =	sbarrier.arrive $0xFFFF;
	s2 =	simm.s32 @!p0 $0x1C0D  }
0x305: {  	[timem:s3], [sflag:s2] =	dma.local @!p0 [hbm:s0], s1  }
0x306: {  	s0 =	simm.s32 @!p0 $0xD  }
0x307: {  	_ =	swait.ge @!p0 [sflag:s0], s1  }
0x308: {  	s1 =	ssub.s32 @!p0 $0x0, s1;
	[sflag:s0] =	ssyncset.done @!p0 $0x0  }
0x309: {  	[sflag:s0] =	ssyncadd.s32 @!p0 s1  }
0x30a: {  	[bflag:$0x3] =	sbarrier.arrive $0xFFFF  }
0x30b: {  	_ =	shalt  }

</sc_bundles>
